<compile_context>
chip_gen: v7x
topology: tpu7x:2x2x1
jax: 0.10.2.dev20260603
libtpu: 0.0.44.dev20260713+nightly
codegen_flags: <defaults>
</compile_context>

<pallas_src>
import functools

import jax
import jax.numpy as jnp
from jax import lax
from jax.experimental import pallas as pl
from jax.experimental.pallas import tpu as pltpu
from jax.experimental.pallas import tpu_sc as plsc

N = 10000
D = 128
G = 128
L = 5
E = 320000

NC = 2
NS = 16
NW = NC * NS
CHUNK = 128
CHUNKS_PER_W = (E + NW * CHUNK - 1) // (NW * CHUNK)
E_PAD = NW * CHUNKS_PER_W * CHUNK
N_PAD = 10240
ROWS_PER_TILE = N_PAD // NS


def _sc_agg_body(h_hbm, col_hbm, row_hbm, zeros_hbm, out_hbm,
                 col_v, row_v, gbuf, sem, acc):
    c = lax.axis_index("c")
    s = lax.axis_index("s")
    wid = c * NS + s
    for z in range(ROWS_PER_TILE // 128):
        pltpu.sync_copy(zeros_hbm, acc.at[pl.ds(s * ROWS_PER_TILE + z * 128, 128)])
    pltpu.sync_copy(col_hbm.at[wid], col_v)
    pltpu.sync_copy(row_hbm.at[wid], row_v)
    plsc.subcore_barrier()

    def body(j, carry):
        pltpu.async_copy(h_hbm.at[col_v.at[j]], gbuf, sem).wait()
        pltpu.sync_copy(gbuf, acc.at[row_v.at[j]], add=True)
        return carry

    lax.fori_loop(0, CHUNKS_PER_W, body, 0)
    plsc.subcore_barrier()
    pltpu.sync_copy(acc.at[pl.ds(s * ROWS_PER_TILE, ROWS_PER_TILE)],
                    out_hbm.at[c, pl.ds(s * ROWS_PER_TILE, ROWS_PER_TILE)])


@functools.cache
def _make_sc_agg():
    return functools.partial(
        pl.kernel,
        out_type=jax.ShapeDtypeStruct((NC, N_PAD, D), jnp.float32),
        mesh=plsc.VectorSubcoreMesh(core_axis_name="c", subcore_axis_name="s"),
        scratch_types=[
            pltpu.VMEM((CHUNKS_PER_W, CHUNK), jnp.int32),
            pltpu.VMEM((CHUNKS_PER_W, CHUNK), jnp.int32),
            pltpu.VMEM((CHUNK, D), jnp.float32),
            pltpu.SemaphoreType.DMA,
            pltpu.VMEM_SHARED((N_PAD, D), jnp.float32),
        ],
    )(_sc_agg_body)


def _bn(t, gamma, beta):
    m = jnp.mean(t, axis=0, keepdims=True)
    v = jnp.mean((t - m) ** 2, axis=0, keepdims=True)
    a = v + 1e-5
    inv = lax.rsqrt(a)
    inv = inv * (1.5 - 0.5 * a * inv * inv)
    return (t - m) * inv * gamma + beta


def _mlp_body(with_gpin, part_ref, h_ref, batch_ref, scale_ref,
              w1_ref, b1_ref, g1_ref, be1_ref,
              w2_ref, b2_ref, g2_ref, be2_ref, *out_refs):
    h = h_ref[...]
    pooled = part_ref[0, :N, :] + part_ref[1, :N, :] + scale_ref[0, 0] * h
    t = jnp.dot(pooled, w1_ref[...], precision=lax.Precision.HIGHEST,
                preferred_element_type=jnp.float32) + b1_ref[...]
    t = jnp.maximum(_bn(t, g1_ref[...], be1_ref[...]), 0.0)
    t = jnp.dot(t, w2_ref[...], precision=lax.Precision.HIGHEST,
                preferred_element_type=jnp.float32) + b2_ref[...]
    h2 = jnp.maximum(_bn(t, g2_ref[...], be2_ref[...]), 0.0)
    out_refs[0][...] = h2
    onehot = (batch_ref[...] == lax.broadcasted_iota(jnp.int32, (N, G), 1)
              ).astype(jnp.float32)
    out_refs[1][...] = lax.dot_general(
        onehot, h2, (((0,), (0,)), ((), ())), precision=lax.Precision.HIGHEST,
        preferred_element_type=jnp.float32)
    if with_gpin:
        out_refs[2][...] = lax.dot_general(
            onehot, h, (((0,), (0,)), ((), ())), precision=lax.Precision.HIGHEST,
            preferred_element_type=jnp.float32)


def _mlp_call(with_gpin, *args):
    n_out = 3 if with_gpin else 2
    out_shape = [jax.ShapeDtypeStruct((N, D), jnp.float32),
                 jax.ShapeDtypeStruct((G, D), jnp.float32)]
    if with_gpin:
        out_shape.append(jax.ShapeDtypeStruct((G, D), jnp.float32))
    return pl.pallas_call(
        functools.partial(_mlp_body, with_gpin),
        out_shape=out_shape,
    )(*args)


def kernel(x, edge_index, batch, eps, W1, b1, g1, be1, W2, b2, g2, be2):
    ei = edge_index.astype(jnp.int32)
    row, col = ei[0], ei[1]
    pad = E_PAD - E
    colp = jnp.concatenate([col, jnp.zeros((pad,), jnp.int32)]
                           ).reshape(NW, CHUNKS_PER_W, CHUNK)
    rowp = jnp.concatenate([row, jnp.full((pad,), N, jnp.int32)]
                           ).reshape(NW, CHUNKS_PER_W, CHUNK)
    zeros128 = jnp.zeros((128, D), jnp.float32)
    batch2 = batch.astype(jnp.int32).reshape(N, 1)

    h = x
    gps = []
    for l in range(L):
        part = _make_sc_agg()(h, colp, rowp, zeros128)
        scale = (1.0 + eps[l]).reshape(1, 1)
        args = (part, h, batch2, scale,
                W1[l], b1[l].reshape(1, D), g1[l].reshape(1, D), be1[l].reshape(1, D),
                W2[l], b2[l].reshape(1, D), g2[l].reshape(1, D), be2[l].reshape(1, D))
        if l == 0:
            h, gp, gp0 = _mlp_call(True, *args)
            gps = [gp0, gp]
        else:
            h, gp = _mlp_call(False, *args)
            gps.append(gp)
    return (*gps, h)

# --- scband reference (transcript-rebuilt; emitter-appended) ---
"""Pipeline reference for scband-graph-cnn-86964497809599 (READ-ONLY COPY).

The authoritative reference and input builder live on the scoring server;
editing this copy changes nothing except your own understanding.
"""

import jax, jax.numpy as jnp
import numpy as np

N = 10000
E = 320000
D = 128
L = 5
G = 128

def _bn(x, gamma, beta):
    m = x.mean(axis=0)
    v = x.var(axis=0)
    return (x - m) / jnp.sqrt(v + 1e-5) * gamma + beta

def setup_inputs(seed: int = 0) -> dict:
    key = jax.random.key(seed)
    ks = jax.random.split(key, 8)
    x = jax.random.normal(ks[0], (N, D), dtype=jnp.float32)
    edge_index = jax.random.randint(ks[1], (2, E), 0, N, dtype=jnp.int64)
    batch = jnp.sort(jax.random.randint(ks[2], (N,), 0, G, dtype=jnp.int64))
    eps = jnp.zeros((L,), dtype=jnp.float32)
    W1 = jax.random.normal(ks[3], (L, D, D), dtype=jnp.float32) * 0.05
    b1 = jnp.zeros((L, D), dtype=jnp.float32)
    g1 = jnp.ones((L, D), dtype=jnp.float32)
    be1 = jnp.zeros((L, D), dtype=jnp.float32)
    W2 = jax.random.normal(ks[4], (L, D, D), dtype=jnp.float32) * 0.05
    b2 = jnp.zeros((L, D), dtype=jnp.float32)
    g2 = jnp.ones((L, D), dtype=jnp.float32)
    be2 = jnp.zeros((L, D), dtype=jnp.float32)
    return {"x": x, "edge_index": edge_index, "batch": batch, "eps": eps,
            "W1": W1, "b1": b1, "g1": g1, "be1": be1,
            "W2": W2, "b2": b2, "g2": g2, "be2": be2}

def reference(x, edge_index, batch, eps, W1, b1, g1, be1, W2, b2, g2, be2):
    row = edge_index[0]
    col = edge_index[1]
    h = x
    hidden_rep = [x]
    for layer in range(L):
        # neighbor sum aggregation: scatter-add of gathered features
        pooled = jax.ops.segment_sum(h[col], row, num_segments=N)
        # epsilon re-weighting of the center node
        pooled = pooled + (1.0 + eps[layer]) * h
        # MLP (num_mlp_layers=2): Linear -> BN -> ReLU -> Linear
        t = pooled @ W1[layer] + b1[layer]
        t = _bn(t, g1[layer], be1[layer])
        t = jax.nn.relu(t)
        t = t @ W2[layer] + b2[layer]
        # outer BatchNorm + ReLU
        h = _bn(t, g2[layer], be2[layer])
        h = jax.nn.relu(h)
        hidden_rep.append(h)
    # graph-level sum pooling for every layer representation
    pooled_h_layers = [jax.ops.segment_sum(hh, batch, num_segments=G) for hh in hidden_rep]
    return (*pooled_h_layers, h)

if __name__ == "__main__":
    import jax
    _d = setup_inputs()
    print(jax.jit(kernel)(*tuple(_d.values())))

</pallas_src>

<mosaic_0001>
#map = affine_map<(d0, d1) -> (0, 0)>
#map1 = affine_map<(d0, d1) -> (0, 0, 0)>
module attributes {stable_mosaic.version = 14 : i64} {
  func.func @_sc_agg_body(%arg0: i32, %arg1: i32, %arg2: memref<10000x128xf32, #tpu.memory_space<hbm>>, %arg3: memref<32x79x128xi32, #tpu.memory_space<hbm>>, %arg4: memref<32x79x128xi32, #tpu.memory_space<hbm>>, %arg5: memref<128x128xf32, #tpu.memory_space<hbm>>, %arg6: memref<2x10240x128xf32, #tpu.memory_space<hbm>>, %arg7: memref<79x128xi32, #tpu.memory_space<vmem>>, %arg8: memref<79x128xi32, #tpu.memory_space<vmem>>, %arg9: memref<128x128xf32, #tpu.memory_space<vmem>>, %arg10: memref<!tpu.dma_semaphore, #tpu.memory_space<semaphore_mem>>, %arg11: memref<10240x128xf32, #tpu.memory_space<vmem_shared>>) attributes {dimension_semantics = [#tpu.dimension_semantics<core_parallel>, #tpu.dimension_semantics<subcore_parallel>], iteration_bounds = array<i64: 2, 16>, scalar_prefetch = 0 : i64, scratch_operands = 5 : i64, tpu.core_type = #tpu.core_type<sc_vector_subcore>, window_params = [{transform_indices = #map}, {transform_indices = #map1}, {transform_indices = #map1}, {transform_indices = #map}, {transform_indices = #map1}]} {
    %mul3A = arith.constant 16 : i32
    %mul3A_0 = arith.muli %arg0, %mul3A : i32
    %add3A = arith.addi %mul3A_0, %arg1 : i32
    %mul3A_1 = arith.constant 640 : i32
    %mul3A_2 = arith.muli %arg1, %mul3A_1 : i32
    %add3A_3 = arith.constant 0 : i32
    %add3A_4 = arith.addi %mul3A_2, %add3A_3 : i32
    "tpu.region"() ({
      %run_scoped3A = tpu.sem_alloc : memref<!tpu.dma_semaphore, #tpu.memory_space<semaphore_mem>>
      %dma_start3A = arith.constant 0 : i32
      %dma_start3A_31 = tpu.memref_slice %arg11[%add3A_4, %dma_start3A] : memref<10240x128xf32, #tpu.memory_space<vmem_shared>> -> memref<128x128xf32, #tpu.memory_space<vmem_shared>>
      tpu.enqueue_dma source(%arg5 : memref<128x128xf32, #tpu.memory_space<hbm>>) target(%dma_start3A_31 : memref<128x128xf32, #tpu.memory_space<vmem_shared>>) target_semaphore(%run_scoped3A : memref<!tpu.dma_semaphore, #tpu.memory_space<semaphore_mem>>)
      %dma_wait3A = arith.constant 0 : i32
      %dma_wait3A_32 = tpu.memref_slice %arg11[%add3A_4, %dma_wait3A] : memref<10240x128xf32, #tpu.memory_space<vmem_shared>> -> memref<128x128xf32, #tpu.memory_space<vmem_shared>>
      tpu.wait_dma2 semaphore(%run_scoped3A : memref<!tpu.dma_semaphore, #tpu.memory_space<semaphore_mem>>) src(%arg5 : memref<128x128xf32, #tpu.memory_space<hbm>>) dst(%dma_wait3A_32 : memref<128x128xf32, #tpu.memory_space<vmem_shared>>)
      tpu.yield
    }) : () -> ()
    %mul3A_5 = arith.constant 640 : i32
    %mul3A_6 = arith.muli %arg1, %mul3A_5 : i32
    %add3A_7 = arith.constant 128 : i32
    %add3A_8 = arith.addi %mul3A_6, %add3A_7 : i32
    "tpu.region"() ({
      %run_scoped3A = tpu.sem_alloc : memref<!tpu.dma_semaphore, #tpu.memory_space<semaphore_mem>>
      %dma_start3A = arith.constant 0 : i32
      %dma_start3A_31 = tpu.memref_slice %arg11[%add3A_8, %dma_start3A] : memref<10240x128xf32, #tpu.memory_space<vmem_shared>> -> memref<128x128xf32, #tpu.memory_space<vmem_shared>>
      tpu.enqueue_dma source(%arg5 : memref<128x128xf32, #tpu.memory_space<hbm>>) target(%dma_start3A_31 : memref<128x128xf32, #tpu.memory_space<vmem_shared>>) target_semaphore(%run_scoped3A : memref<!tpu.dma_semaphore, #tpu.memory_space<semaphore_mem>>)
      %dma_wait3A = arith.constant 0 : i32
      %dma_wait3A_32 = tpu.memref_slice %arg11[%add3A_8, %dma_wait3A] : memref<10240x128xf32, #tpu.memory_space<vmem_shared>> -> memref<128x128xf32, #tpu.memory_space<vmem_shared>>
      tpu.wait_dma2 semaphore(%run_scoped3A : memref<!tpu.dma_semaphore, #tpu.memory_space<semaphore_mem>>) src(%arg5 : memref<128x128xf32, #tpu.memory_space<hbm>>) dst(%dma_wait3A_32 : memref<128x128xf32, #tpu.memory_space<vmem_shared>>)
      tpu.yield
    }) : () -> ()
    %mul3A_9 = arith.constant 640 : i32
    %mul3A_10 = arith.muli %arg1, %mul3A_9 : i32
    %add3A_11 = arith.constant 256 : i32
    %add3A_12 = arith.addi %mul3A_10, %add3A_11 : i32
    "tpu.region"() ({
      %run_scoped3A = tpu.sem_alloc : memref<!tpu.dma_semaphore, #tpu.memory_space<semaphore_mem>>
      %dma_start3A = arith.constant 0 : i32
      %dma_start3A_31 = tpu.memref_slice %arg11[%add3A_12, %dma_start3A] : memref<10240x128xf32, #tpu.memory_space<vmem_shared>> -> memref<128x128xf32, #tpu.memory_space<vmem_shared>>
      tpu.enqueue_dma source(%arg5 : memref<128x128xf32, #tpu.memory_space<hbm>>) target(%dma_start3A_31 : memref<128x128xf32, #tpu.memory_space<vmem_shared>>) target_semaphore(%run_scoped3A : memref<!tpu.dma_semaphore, #tpu.memory_space<semaphore_mem>>)
      %dma_wait3A = arith.constant 0 : i32
      %dma_wait3A_32 = tpu.memref_slice %arg11[%add3A_12, %dma_wait3A] : memref<10240x128xf32, #tpu.memory_space<vmem_shared>> -> memref<128x128xf32, #tpu.memory_space<vmem_shared>>
      tpu.wait_dma2 semaphore(%run_scoped3A : memref<!tpu.dma_semaphore, #tpu.memory_space<semaphore_mem>>) src(%arg5 : memref<128x128xf32, #tpu.memory_space<hbm>>) dst(%dma_wait3A_32 : memref<128x128xf32, #tpu.memory_space<vmem_shared>>)
      tpu.yield
    }) : () -> ()
    %mul3A_13 = arith.constant 640 : i32
    %mul3A_14 = arith.muli %arg1, %mul3A_13 : i32
    %add3A_15 = arith.constant 384 : i32
    %add3A_16 = arith.addi %mul3A_14, %add3A_15 : i32
    "tpu.region"() ({
      %run_scoped3A = tpu.sem_alloc : memref<!tpu.dma_semaphore, #tpu.memory_space<semaphore_mem>>
      %dma_start3A = arith.constant 0 : i32
      %dma_start3A_31 = tpu.memref_slice %arg11[%add3A_16, %dma_start3A] : memref<10240x128xf32, #tpu.memory_space<vmem_shared>> -> memref<128x128xf32, #tpu.memory_space<vmem_shared>>
      tpu.enqueue_dma source(%arg5 : memref<128x128xf32, #tpu.memory_space<hbm>>) target(%dma_start3A_31 : memref<128x128xf32, #tpu.memory_space<vmem_shared>>) target_semaphore(%run_scoped3A : memref<!tpu.dma_semaphore, #tpu.memory_space<semaphore_mem>>)
      %dma_wait3A = arith.constant 0 : i32
      %dma_wait3A_32 = tpu.memref_slice %arg11[%add3A_16, %dma_wait3A] : memref<10240x128xf32, #tpu.memory_space<vmem_shared>> -> memref<128x128xf32, #tpu.memory_space<vmem_shared>>
      tpu.wait_dma2 semaphore(%run_scoped3A : memref<!tpu.dma_semaphore, #tpu.memory_space<semaphore_mem>>) src(%arg5 : memref<128x128xf32, #tpu.memory_space<hbm>>) dst(%dma_wait3A_32 : memref<128x128xf32, #tpu.memory_space<vmem_shared>>)
      tpu.yield
    }) : () -> ()
    %mul3A_17 = arith.constant 640 : i32
    %mul3A_18 = arith.muli %arg1, %mul3A_17 : i32
    %add3A_19 = arith.constant 512 : i32
    %add3A_20 = arith.addi %mul3A_18, %add3A_19 : i32
    "tpu.region"() ({
      %run_scoped3A = tpu.sem_alloc : memref<!tpu.dma_semaphore, #tpu.memory_space<semaphore_mem>>
      %dma_start3A = arith.constant 0 : i32
      %dma_start3A_31 = tpu.memref_slice %arg11[%add3A_20, %dma_start3A] : memref<10240x128xf32, #tpu.memory_space<vmem_shared>> -> memref<128x128xf32, #tpu.memory_space<vmem_shared>>
      tpu.enqueue_dma source(%arg5 : memref<128x128xf32, #tpu.memory_space<hbm>>) target(%dma_start3A_31 : memref<128x128xf32, #tpu.memory_space<vmem_shared>>) target_semaphore(%run_scoped3A : memref<!tpu.dma_semaphore, #tpu.memory_space<semaphore_mem>>)
      %dma_wait3A = arith.constant 0 : i32
      %dma_wait3A_32 = tpu.memref_slice %arg11[%add3A_20, %dma_wait3A] : memref<10240x128xf32, #tpu.memory_space<vmem_shared>> -> memref<128x128xf32, #tpu.memory_space<vmem_shared>>
      tpu.wait_dma2 semaphore(%run_scoped3A : memref<!tpu.dma_semaphore, #tpu.memory_space<semaphore_mem>>) src(%arg5 : memref<128x128xf32, #tpu.memory_space<hbm>>) dst(%dma_wait3A_32 : memref<128x128xf32, #tpu.memory_space<vmem_shared>>)
      tpu.yield
    }) : () -> ()
    "tpu.region"() ({
      %run_scoped3A = tpu.sem_alloc : memref<!tpu.dma_semaphore, #tpu.memory_space<semaphore_mem>>
      %dma_start3A = arith.constant 0 : i32
      %dma_start3A_31 = arith.constant 0 : i32
      %dma_start3A_32 = tpu.memref_slice %arg3[%add3A, %dma_start3A, %dma_start3A_31] : memref<32x79x128xi32, #tpu.memory_space<hbm>> -> memref<1x79x128xi32, #tpu.memory_space<hbm>>
      %dma_start3A_33 = tpu.memref_squeeze %dma_start3A_32 : memref<1x79x128xi32, #tpu.memory_space<hbm>> -> memref<79x128xi32, #tpu.memory_space<hbm>>
      %dma_start3A_34 = arith.constant 0 : i32
      %dma_start3A_35 = arith.constant 0 : i32
      %dma_start3A_36 = tpu.memref_slice %arg3[%add3A, %dma_start3A_34, %dma_start3A_35] : memref<32x79x128xi32, #tpu.memory_space<hbm>> -> memref<1x79x128xi32, #tpu.memory_space<hbm>>
      %dma_start3A_37 = tpu.memref_squeeze %dma_start3A_36 : memref<1x79x128xi32, #tpu.memory_space<hbm>> -> memref<79x128xi32, #tpu.memory_space<hbm>>
      tpu.enqueue_dma source(%dma_start3A_37 : memref<79x128xi32, #tpu.memory_space<hbm>>) target(%arg7 : memref<79x128xi32, #tpu.memory_space<vmem>>) target_semaphore(%run_scoped3A : memref<!tpu.dma_semaphore, #tpu.memory_space<semaphore_mem>>)
      %dma_wait3A = arith.constant 0 : i32
      %dma_wait3A_38 = arith.constant 0 : i32
      %dma_wait3A_39 = tpu.memref_slice %arg3[%add3A, %dma_wait3A, %dma_wait3A_38] : memref<32x79x128xi32, #tpu.memory_space<hbm>> -> memref<1x79x128xi32, #tpu.memory_space<hbm>>
      %dma_wait3A_40 = tpu.memref_squeeze %dma_wait3A_39 : memref<1x79x128xi32, #tpu.memory_space<hbm>> -> memref<79x128xi32, #tpu.memory_space<hbm>>
      %dma_wait3A_41 = arith.constant 0 : i32
      %dma_wait3A_42 = arith.constant 0 : i32
      %dma_wait3A_43 = tpu.memref_slice %arg3[%add3A, %dma_wait3A_41, %dma_wait3A_42] : memref<32x79x128xi32, #tpu.memory_space<hbm>> -> memref<1x79x128xi32, #tpu.memory_space<hbm>>
      %dma_wait3A_44 = tpu.memref_squeeze %dma_wait3A_43 : memref<1x79x128xi32, #tpu.memory_space<hbm>> -> memref<79x128xi32, #tpu.memory_space<hbm>>
      tpu.wait_dma2 semaphore(%run_scoped3A : memref<!tpu.dma_semaphore, #tpu.memory_space<semaphore_mem>>) src(%dma_wait3A_44 : memref<79x128xi32, #tpu.memory_space<hbm>>) dst(%arg7 : memref<79x128xi32, #tpu.memory_space<vmem>>)
      tpu.yield
    }) : () -> ()
    "tpu.region"() ({
      %run_scoped3A = tpu.sem_alloc : memref<!tpu.dma_semaphore, #tpu.memory_space<semaphore_mem>>
      %dma_start3A = arith.constant 0 : i32
      %dma_start3A_31 = arith.constant 0 : i32
      %dma_start3A_32 = tpu.memref_slice %arg4[%add3A, %dma_start3A, %dma_start3A_31] : memref<32x79x128xi32, #tpu.memory_space<hbm>> -> memref<1x79x128xi32, #tpu.memory_space<hbm>>
      %dma_start3A_33 = tpu.memref_squeeze %dma_start3A_32 : memref<1x79x128xi32, #tpu.memory_space<hbm>> -> memref<79x128xi32, #tpu.memory_space<hbm>>
      %dma_start3A_34 = arith.constant 0 : i32
      %dma_start3A_35 = arith.constant 0 : i32
      %dma_start3A_36 = tpu.memref_slice %arg4[%add3A, %dma_start3A_34, %dma_start3A_35] : memref<32x79x128xi32, #tpu.memory_space<hbm>> -> memref<1x79x128xi32, #tpu.memory_space<hbm>>
      %dma_start3A_37 = tpu.memref_squeeze %dma_start3A_36 : memref<1x79x128xi32, #tpu.memory_space<hbm>> -> memref<79x128xi32, #tpu.memory_space<hbm>>
      tpu.enqueue_dma source(%dma_start3A_37 : memref<79x128xi32, #tpu.memory_space<hbm>>) target(%arg8 : memref<79x128xi32, #tpu.memory_space<vmem>>) target_semaphore(%run_scoped3A : memref<!tpu.dma_semaphore, #tpu.memory_space<semaphore_mem>>)
      %dma_wait3A = arith.constant 0 : i32
      %dma_wait3A_38 = arith.constant 0 : i32
      %dma_wait3A_39 = tpu.memref_slice %arg4[%add3A, %dma_wait3A, %dma_wait3A_38] : memref<32x79x128xi32, #tpu.memory_space<hbm>> -> memref<1x79x128xi32, #tpu.memory_space<hbm>>
      %dma_wait3A_40 = tpu.memref_squeeze %dma_wait3A_39 : memref<1x79x128xi32, #tpu.memory_space<hbm>> -> memref<79x128xi32, #tpu.memory_space<hbm>>
      %dma_wait3A_41 = arith.constant 0 : i32
      %dma_wait3A_42 = arith.constant 0 : i32
      %dma_wait3A_43 = tpu.memref_slice %arg4[%add3A, %dma_wait3A_41, %dma_wait3A_42] : memref<32x79x128xi32, #tpu.memory_space<hbm>> -> memref<1x79x128xi32, #tpu.memory_space<hbm>>
      %dma_wait3A_44 = tpu.memref_squeeze %dma_wait3A_43 : memref<1x79x128xi32, #tpu.memory_space<hbm>> -> memref<79x128xi32, #tpu.memory_space<hbm>>
      tpu.wait_dma2 semaphore(%run_scoped3A : memref<!tpu.dma_semaphore, #tpu.memory_space<semaphore_mem>>) src(%dma_wait3A_44 : memref<79x128xi32, #tpu.memory_space<hbm>>) dst(%arg8 : memref<79x128xi32, #tpu.memory_space<vmem>>)
      tpu.yield
    }) : () -> ()
    %barrier3A = arith.constant 0 : index
    tpu.barrier barrier_id(%barrier3A)
    %scan3A = arith.constant 0 : i32
    %scan3A_21 = arith.constant 0 : i32
    %scan3A_22 = arith.constant 79 : i32
    %scan3A_23 = arith.addi %scan3A_21, %scan3A_22 : i32
    %scan3A_24 = arith.constant 1 : i32
    scf.for %scan3A_31 = %scan3A_21 to %scan3A_23 step %scan3A_24  : i32 {
      %dma_start3A = arith.constant 0 : i32
      %dma_start3A_32 = tpu.memref_slice %arg7[%scan3A_31, %dma_start3A] : memref<79x128xi32, #tpu.memory_space<vmem>> -> memref<1x128xi32, #tpu.memory_space<vmem>>
      %dma_start3A_33 = tpu.memref_squeeze %dma_start3A_32 : memref<1x128xi32, #tpu.memory_space<vmem>> -> memref<128xi32, #tpu.memory_space<vmem>>
      %dma_start3A_34 = arith.constant 0 : i32
      %dma_start3A_35 = arith.constant 0 : i32
      %dma_start3A_36 = tpu.memref_slice %arg2[%dma_start3A_34, %dma_start3A_35] : memref<10000x128xf32, #tpu.memory_space<hbm>> -> memref<10000x128xf32, #tpu.memory_space<hbm>>
      tpu.enqueue_indirect_dma source(%dma_start3A_36 : memref<10000x128xf32, #tpu.memory_space<hbm>>) target(%arg9 : memref<128x128xf32, #tpu.memory_space<vmem>>) offsets(%dma_start3A_33 : memref<128xi32, #tpu.memory_space<vmem>>) semaphore(%arg10 : memref<!tpu.dma_semaphore, #tpu.memory_space<semaphore_mem>>)
      %dma_wait3A = arith.constant 0 : i32
      %dma_wait3A_37 = tpu.memref_slice %arg7[%scan3A_31, %dma_wait3A] : memref<79x128xi32, #tpu.memory_space<vmem>> -> memref<1x128xi32, #tpu.memory_space<vmem>>
      %dma_wait3A_38 = tpu.memref_squeeze %dma_wait3A_37 : memref<1x128xi32, #tpu.memory_space<vmem>> -> memref<128xi32, #tpu.memory_space<vmem>>
      %dma_wait3A_39 = arith.constant 0 : i32
      %dma_wait3A_40 = arith.constant 0 : i32
      %dma_wait3A_41 = tpu.memref_slice %arg2[%dma_wait3A_39, %dma_wait3A_40] : memref<10000x128xf32, #tpu.memory_space<hbm>> -> memref<10000x128xf32, #tpu.memory_space<hbm>>
      tpu.wait_indirect_dma semaphore(%arg10 : memref<!tpu.dma_semaphore, #tpu.memory_space<semaphore_mem>>) src(%dma_wait3A_41 : memref<10000x128xf32, #tpu.memory_space<hbm>>) dst(%arg9 : memref<128x128xf32, #tpu.memory_space<vmem>>)
      "tpu.region"() ({
        %run_scoped3A = tpu.sem_alloc : memref<!tpu.dma_semaphore, #tpu.memory_space<semaphore_mem>>
        %dma_start3A_42 = arith.constant 0 : i32
        %dma_start3A_43 = tpu.memref_slice %arg8[%scan3A_31, %dma_start3A_42] : memref<79x128xi32, #tpu.memory_space<vmem>> -> memref<1x128xi32, #tpu.memory_space<vmem>>
        %dma_start3A_44 = tpu.memref_squeeze %dma_start3A_43 : memref<1x128xi32, #tpu.memory_space<vmem>> -> memref<128xi32, #tpu.memory_space<vmem>>
        %dma_start3A_45 = arith.constant 0 : i32
        %dma_start3A_46 = arith.constant 0 : i32
        %dma_start3A_47 = tpu.memref_slice %arg11[%dma_start3A_45, %dma_start3A_46] : memref<10240x128xf32, #tpu.memory_space<vmem_shared>> -> memref<10240x128xf32, #tpu.memory_space<vmem_shared>>
        tpu.enqueue_indirect_dma source(%arg9 : memref<128x128xf32, #tpu.memory_space<vmem>>) target(%dma_start3A_47 : memref<10240x128xf32, #tpu.memory_space<vmem_shared>>) offsets(%dma_start3A_44 : memref<128xi32, #tpu.memory_space<vmem>>) semaphore(%run_scoped3A : memref<!tpu.dma_semaphore, #tpu.memory_space<semaphore_mem>>) {add = true}
        %dma_wait3A_48 = arith.constant 0 : i32
        %dma_wait3A_49 = tpu.memref_slice %arg8[%scan3A_31, %dma_wait3A_48] : memref<79x128xi32, #tpu.memory_space<vmem>> -> memref<1x128xi32, #tpu.memory_space<vmem>>
        %dma_wait3A_50 = tpu.memref_squeeze %dma_wait3A_49 : memref<1x128xi32, #tpu.memory_space<vmem>> -> memref<128xi32, #tpu.memory_space<vmem>>
        %dma_wait3A_51 = arith.constant 0 : i32
        %dma_wait3A_52 = arith.constant 0 : i32
        %dma_wait3A_53 = tpu.memref_slice %arg11[%dma_wait3A_51, %dma_wait3A_52] : memref<10240x128xf32, #tpu.memory_space<vmem_shared>> -> memref<10240x128xf32, #tpu.memory_space<vmem_shared>>
        tpu.wait_indirect_dma semaphore(%run_scoped3A : memref<!tpu.dma_semaphore, #tpu.memory_space<semaphore_mem>>) src(%arg9 : memref<128x128xf32, #tpu.memory_space<vmem>>) dst(%dma_wait3A_53 : memref<10240x128xf32, #tpu.memory_space<vmem_shared>>)
        tpu.yield
      }) : () -> ()
    }
    %scan3A_25 = arith.constant 79 : i32
    %barrier3A_26 = arith.constant 0 : index
    tpu.barrier barrier_id(%barrier3A_26)
    %mul3A_27 = arith.constant 640 : i32
    %mul3A_28 = arith.muli %arg1, %mul3A_27 : i32
    %mul3A_29 = arith.constant 640 : i32
    %mul3A_30 = arith.muli %arg1, %mul3A_29 : i32
    "tpu.region"() ({
      %run_scoped3A = tpu.sem_alloc : memref<!tpu.dma_semaphore, #tpu.memory_space<semaphore_mem>>
      %dma_start3A = arith.constant 0 : i32
      %dma_start3A_31 = tpu.memref_slice %arg6[%arg0, %mul3A_30, %dma_start3A] : memref<2x10240x128xf32, #tpu.memory_space<hbm>> -> memref<1x640x128xf32, #tpu.memory_space<hbm>>
      %dma_start3A_32 = tpu.memref_squeeze %dma_start3A_31 : memref<1x640x128xf32, #tpu.memory_space<hbm>> -> memref<640x128xf32, #tpu.memory_space<hbm>>
      %dma_start3A_33 = arith.constant 0 : i32
      %dma_start3A_34 = tpu.memref_slice %arg11[%mul3A_28, %dma_start3A_33] : memref<10240x128xf32, #tpu.memory_space<vmem_shared>> -> memref<640x128xf32, #tpu.memory_space<vmem_shared>>
      tpu.enqueue_dma source(%dma_start3A_34 : memref<640x128xf32, #tpu.memory_space<vmem_shared>>) target(%dma_start3A_32 : memref<640x128xf32, #tpu.memory_space<hbm>>) target_semaphore(%run_scoped3A : memref<!tpu.dma_semaphore, #tpu.memory_space<semaphore_mem>>)
      %dma_wait3A = arith.constant 0 : i32
      %dma_wait3A_35 = tpu.memref_slice %arg6[%arg0, %mul3A_30, %dma_wait3A] : memref<2x10240x128xf32, #tpu.memory_space<hbm>> -> memref<1x640x128xf32, #tpu.memory_space<hbm>>
      %dma_wait3A_36 = tpu.memref_squeeze %dma_wait3A_35 : memref<1x640x128xf32, #tpu.memory_space<hbm>> -> memref<640x128xf32, #tpu.memory_space<hbm>>
      %dma_wait3A_37 = arith.constant 0 : i32
      %dma_wait3A_38 = tpu.memref_slice %arg11[%mul3A_28, %dma_wait3A_37] : memref<10240x128xf32, #tpu.memory_space<vmem_shared>> -> memref<640x128xf32, #tpu.memory_space<vmem_shared>>
      tpu.wait_dma2 semaphore(%run_scoped3A : memref<!tpu.dma_semaphore, #tpu.memory_space<semaphore_mem>>) src(%dma_wait3A_38 : memref<640x128xf32, #tpu.memory_space<vmem_shared>>) dst(%dma_wait3A_36 : memref<640x128xf32, #tpu.memory_space<hbm>>)
      tpu.yield
    }) : () -> ()
    return
  }
}

#map = affine_map<(d0, d1) -> (0, 0)>
#map1 = affine_map<(d0, d1) -> (0, 0, 0)>
module attributes {stable_mosaic.version = 14 : i64} {
  func.func @_sc_agg_body(%arg0: i32, %arg1: i32, %arg2: memref<10000x128xf32, #tpu.memory_space<hbm>>, %arg3: memref<32x79x128xi32, #tpu.memory_space<hbm>>, %arg4: memref<32x79x128xi32, #tpu.memory_space<hbm>>, %arg5: memref<128x128xf32, #tpu.memory_space<hbm>>, %arg6: memref<2x10240x128xf32, #tpu.memory_space<hbm>>, %arg7: memref<79x128xi32, #tpu.memory_space<vmem>>, %arg8: memref<79x128xi32, #tpu.memory_space<vmem>>, %arg9: memref<128x128xf32, #tpu.memory_space<vmem>>, %arg10: memref<!tpu.dma_semaphore, #tpu.memory_space<semaphore_mem>>, %arg11: memref<10240x128xf32, #tpu.memory_space<vmem_shared>>) attributes {dimension_semantics = [#tpu.dimension_semantics<core_parallel>, #tpu.dimension_semantics<subcore_parallel>], iteration_bounds = array<i64: 2, 16>, scalar_prefetch = 0 : i64, scratch_operands = 5 : i64, tpu.core_type = #tpu.core_type<sc_vector_subcore>, window_params = [{transform_indices = #map}, {transform_indices = #map1}, {transform_indices = #map1}, {transform_indices = #map}, {transform_indices = #map1}]} {
    %mul3A = arith.constant 16 : i32
    %mul3A_0 = arith.muli %arg0, %mul3A : i32
    %add3A = arith.addi %mul3A_0, %arg1 : i32
    %mul3A_1 = arith.constant 640 : i32
    %mul3A_2 = arith.muli %arg1, %mul3A_1 : i32
    %add3A_3 = arith.constant 0 : i32
    %add3A_4 = arith.addi %mul3A_2, %add3A_3 : i32
    "tpu.region"() ({
      %run_scoped3A = tpu.sem_alloc : memref<!tpu.dma_semaphore, #tpu.memory_space<semaphore_mem>>
      %dma_start3A = arith.constant 0 : i32
      %dma_start3A_31 = tpu.memref_slice %arg11[%add3A_4, %dma_start3A] : memref<10240x128xf32, #tpu.memory_space<vmem_shared>> -> memref<128x128xf32, #tpu.memory_space<vmem_shared>>
      tpu.enqueue_dma source(%arg5 : memref<128x128xf32, #tpu.memory_space<hbm>>) target(%dma_start3A_31 : memref<128x128xf32, #tpu.memory_space<vmem_shared>>) target_semaphore(%run_scoped3A : memref<!tpu.dma_semaphore, #tpu.memory_space<semaphore_mem>>)
      %dma_wait3A = arith.constant 0 : i32
      %dma_wait3A_32 = tpu.memref_slice %arg11[%add3A_4, %dma_wait3A] : memref<10240x128xf32, #tpu.memory_space<vmem_shared>> -> memref<128x128xf32, #tpu.memory_space<vmem_shared>>
      tpu.wait_dma2 semaphore(%run_scoped3A : memref<!tpu.dma_semaphore, #tpu.memory_space<semaphore_mem>>) src(%arg5 : memref<128x128xf32, #tpu.memory_space<hbm>>) dst(%dma_wait3A_32 : memref<128x128xf32, #tpu.memory_space<vmem_shared>>)
      tpu.yield
    }) : () -> ()
    %mul3A_5 = arith.constant 640 : i32
    %mul3A_6 = arith.muli %arg1, %mul3A_5 : i32
    %add3A_7 = arith.constant 128 : i32
    %add3A_8 = arith.addi %mul3A_6, %add3A_7 : i32
    "tpu.region"() ({
      %run_scoped3A = tpu.sem_alloc : memref<!tpu.dma_semaphore, #tpu.memory_space<semaphore_mem>>
      %dma_start3A = arith.constant 0 : i32
      %dma_start3A_31 = tpu.memref_slice %arg11[%add3A_8, %dma_start3A] : memref<10240x128xf32, #tpu.memory_space<vmem_shared>> -> memref<128x128xf32, #tpu.memory_space<vmem_shared>>
      tpu.enqueue_dma source(%arg5 : memref<128x128xf32, #tpu.memory_space<hbm>>) target(%dma_start3A_31 : memref<128x128xf32, #tpu.memory_space<vmem_shared>>) target_semaphore(%run_scoped3A : memref<!tpu.dma_semaphore, #tpu.memory_space<semaphore_mem>>)
      %dma_wait3A = arith.constant 0 : i32
      %dma_wait3A_32 = tpu.memref_slice %arg11[%add3A_8, %dma_wait3A] : memref<10240x128xf32, #tpu.memory_space<vmem_shared>> -> memref<128x128xf32, #tpu.memory_space<vmem_shared>>
      tpu.wait_dma2 semaphore(%run_scoped3A : memref<!tpu.dma_semaphore, #tpu.memory_space<semaphore_mem>>) src(%arg5 : memref<128x128xf32, #tpu.memory_space<hbm>>) dst(%dma_wait3A_32 : memref<128x128xf32, #tpu.memory_space<vmem_shared>>)
      tpu.yield
    }) : () -> ()
    %mul3A_9 = arith.constant 640 : i32
    %mul3A_10 = arith.muli %arg1, %mul3A_9 : i32
    %add3A_11 = arith.constant 256 : i32
    %add3A_12 = arith.addi %mul3A_10, %add3A_11 : i32
    "tpu.region"() ({
      %run_scoped3A = tpu.sem_alloc : memref<!tpu.dma_semaphore, #tpu.memory_space<semaphore_mem>>
      %dma_start3A = arith.constant 0 : i32
      %dma_start3A_31 = tpu.memref_slice %arg11[%add3A_12, %dma_start3A] : memref<10240x128xf32, #tpu.memory_space<vmem_shared>> -> memref<128x128xf32, #tpu.memory_space<vmem_shared>>
      tpu.enqueue_dma source(%arg5 : memref<128x128xf32, #tpu.memory_space<hbm>>) target(%dma_start3A_31 : memref<128x128xf32, #tpu.memory_space<vmem_shared>>) target_semaphore(%run_scoped3A : memref<!tpu.dma_semaphore, #tpu.memory_space<semaphore_mem>>)
      %dma_wait3A = arith.constant 0 : i32
      %dma_wait3A_32 = tpu.memref_slice %arg11[%add3A_12, %dma_wait3A] : memref<10240x128xf32, #tpu.memory_space<vmem_shared>> -> memref<128x128xf32, #tpu.memory_space<vmem_shared>>
      tpu.wait_dma2 semaphore(%run_scoped3A : memref<!tpu.dma_semaphore, #tpu.memory_space<semaphore_mem>>) src(%arg5 : memref<128x128xf32, #tpu.memory_space<hbm>>) dst(%dma_wait3A_32 : memref<128x128xf32, #tpu.memory_space<vmem_shared>>)
      tpu.yield
    }) : () -> ()
    %mul3A_13 = arith.constant 640 : i32
    %mul3A_14 = arith.muli %arg1, %mul3A_13 : i32
    %add3A_15 = arith.constant 384 : i32
    %add3A_16 = arith.addi %mul3A_14, %add3A_15 : i32
    "tpu.region"() ({
      %run_scoped3A = tpu.sem_alloc : memref<!tpu.dma_semaphore, #tpu.memory_space<semaphore_mem>>
      %dma_start3A = arith.constant 0 : i32
      %dma_start3A_31 = tpu.memref_slice %arg11[%add3A_16, %dma_start3A] : memref<10240x128xf32, #tpu.memory_space<vmem_shared>> -> memref<128x128xf32, #tpu.memory_space<vmem_shared>>
      tpu.enqueue_dma source(%arg5 : memref<128x128xf32, #tpu.memory_space<hbm>>) target(%dma_start3A_31 : memref<128x128xf32, #tpu.memory_space<vmem_shared>>) target_semaphore(%run_scoped3A : memref<!tpu.dma_semaphore, #tpu.memory_space<semaphore_mem>>)
      %dma_wait3A = arith.constant 0 : i32
      %dma_wait3A_32 = tpu.memref_slice %arg11[%add3A_16, %dma_wait3A] : memref<10240x128xf32, #tpu.memory_space<vmem_shared>> -> memref<128x128xf32, #tpu.memory_space<vmem_shared>>
      tpu.wait_dma2 semaphore(%run_scoped3A : memref<!tpu.dma_semaphore, #tpu.memory_space<semaphore_mem>>) src(%arg5 : memref<128x128xf32, #tpu.memory_space<hbm>>) dst(%dma_wait3A_32 : memref<128x128xf32, #tpu.memory_space<vmem_shared>>)
      tpu.yield
    }) : () -> ()
    %mul3A_17 = arith.constant 640 : i32
    %mul3A_18 = arith.muli %arg1, %mul3A_17 : i32
    %add3A_19 = arith.constant 512 : i32
    %add3A_20 = arith.addi %mul3A_18, %add3A_19 : i32
    "tpu.region"() ({
      %run_scoped3A = tpu.sem_alloc : memref<!tpu.dma_semaphore, #tpu.memory_space<semaphore_mem>>
      %dma_start3A = arith.constant 0 : i32
      %dma_start3A_31 = tpu.memref_slice %arg11[%add3A_20, %dma_start3A] : memref<10240x128xf32, #tpu.memory_space<vmem_shared>> -> memref<128x128xf32, #tpu.memory_space<vmem_shared>>
      tpu.enqueue_dma source(%arg5 : memref<128x128xf32, #tpu.memory_space<hbm>>) target(%dma_start3A_31 : memref<128x128xf32, #tpu.memory_space<vmem_shared>>) target_semaphore(%run_scoped3A : memref<!tpu.dma_semaphore, #tpu.memory_space<semaphore_mem>>)
      %dma_wait3A = arith.constant 0 : i32
      %dma_wait3A_32 = tpu.memref_slice %arg11[%add3A_20, %dma_wait3A] : memref<10240x128xf32, #tpu.memory_space<vmem_shared>> -> memref<128x128xf32, #tpu.memory_space<vmem_shared>>
      tpu.wait_dma2 semaphore(%run_scoped3A : memref<!tpu.dma_semaphore, #tpu.memory_space<semaphore_mem>>) src(%arg5 : memref<128x128xf32, #tpu.memory_space<hbm>>) dst(%dma_wait3A_32 : memref<128x128xf32, #tpu.memory_space<vmem_shared>>)
      tpu.yield
    }) : () -> ()
    "tpu.region"() ({
      %run_scoped3A = tpu.sem_alloc : memref<!tpu.dma_semaphore, #tpu.memory_space<semaphore_mem>>
      %dma_start3A = arith.constant 0 : i32
      %dma_start3A_31 = arith.constant 0 : i32
      %dma_start3A_32 = tpu.memref_slice %arg3[%add3A, %dma_start3A, %dma_start3A_31] : memref<32x79x128xi32, #tpu.memory_space<hbm>> -> memref<1x79x128xi32, #tpu.memory_space<hbm>>
      %dma_start3A_33 = tpu.memref_squeeze %dma_start3A_32 : memref<1x79x128xi32, #tpu.memory_space<hbm>> -> memref<79x128xi32, #tpu.memory_space<hbm>>
      %dma_start3A_34 = arith.constant 0 : i32
      %dma_start3A_35 = arith.constant 0 : i32
      %dma_start3A_36 = tpu.memref_slice %arg3[%add3A, %dma_start3A_34, %dma_start3A_35] : memref<32x79x128xi32, #tpu.memory_space<hbm>> -> memref<1x79x128xi32, #tpu.memory_space<hbm>>
      %dma_start3A_37 = tpu.memref_squeeze %dma_start3A_36 : memref<1x79x128xi32, #tpu.memory_space<hbm>> -> memref<79x128xi32, #tpu.memory_space<hbm>>
      tpu.enqueue_dma source(%dma_start3A_37 : memref<79x128xi32, #tpu.memory_space<hbm>>) target(%arg7 : memref<79x128xi32, #tpu.memory_space<vmem>>) target_semaphore(%run_scoped3A : memref<!tpu.dma_semaphore, #tpu.memory_space<semaphore_mem>>)
      %dma_wait3A = arith.constant 0 : i32
      %dma_wait3A_38 = arith.constant 0 : i32
      %dma_wait3A_39 = tpu.memref_slice %arg3[%add3A, %dma_wait3A, %dma_wait3A_38] : memref<32x79x128xi32, #tpu.memory_space<hbm>> -> memref<1x79x128xi32, #tpu.memory_space<hbm>>
      %dma_wait3A_40 = tpu.memref_squeeze %dma_wait3A_39 : memref<1x79x128xi32, #tpu.memory_space<hbm>> -> memref<79x128xi32, #tpu.memory_space<hbm>>
      %dma_wait3A_41 = arith.constant 0 : i32
      %dma_wait3A_42 = arith.constant 0 : i32
      %dma_wait3A_43 = tpu.memref_slice %arg3[%add3A, %dma_wait3A_41, %dma_wait3A_42] : memref<32x79x128xi32, #tpu.memory_space<hbm>> -> memref<1x79x128xi32, #tpu.memory_space<hbm>>
      %dma_wait3A_44 = tpu.memref_squeeze %dma_wait3A_43 : memref<1x79x128xi32, #tpu.memory_space<hbm>> -> memref<79x128xi32, #tpu.memory_space<hbm>>
      tpu.wait_dma2 semaphore(%run_scoped3A : memref<!tpu.dma_semaphore, #tpu.memory_space<semaphore_mem>>) src(%dma_wait3A_44 : memref<79x128xi32, #tpu.memory_space<hbm>>) dst(%arg7 : memref<79x128xi32, #tpu.memory_space<vmem>>)
      tpu.yield
    }) : () -> ()
    "tpu.region"() ({
      %run_scoped3A = tpu.sem_alloc : memref<!tpu.dma_semaphore, #tpu.memory_space<semaphore_mem>>
      %dma_start3A = arith.constant 0 : i32
      %dma_start3A_31 = arith.constant 0 : i32
      %dma_start3A_32 = tpu.memref_slice %arg4[%add3A, %dma_start3A, %dma_start3A_31] : memref<32x79x128xi32, #tpu.memory_space<hbm>> -> memref<1x79x128xi32, #tpu.memory_space<hbm>>
      %dma_start3A_33 = tpu.memref_squeeze %dma_start3A_32 : memref<1x79x128xi32, #tpu.memory_space<hbm>> -> memref<79x128xi32, #tpu.memory_space<hbm>>
      %dma_start3A_34 = arith.constant 0 : i32
      %dma_start3A_35 = arith.constant 0 : i32
      %dma_start3A_36 = tpu.memref_slice %arg4[%add3A, %dma_start3A_34, %dma_start3A_35] : memref<32x79x128xi32, #tpu.memory_space<hbm>> -> memref<1x79x128xi32, #tpu.memory_space<hbm>>
      %dma_start3A_37 = tpu.memref_squeeze %dma_start3A_36 : memref<1x79x128xi32, #tpu.memory_space<hbm>> -> memref<79x128xi32, #tpu.memory_space<hbm>>
      tpu.enqueue_dma source(%dma_start3A_37 : memref<79x128xi32, #tpu.memory_space<hbm>>) target(%arg8 : memref<79x128xi32, #tpu.memory_space<vmem>>) target_semaphore(%run_scoped3A : memref<!tpu.dma_semaphore, #tpu.memory_space<semaphore_mem>>)
      %dma_wait3A = arith.constant 0 : i32
      %dma_wait3A_38 = arith.constant 0 : i32
      %dma_wait3A_39 = tpu.memref_slice %arg4[%add3A, %dma_wait3A, %dma_wait3A_38] : memref<32x79x128xi32, #tpu.memory_space<hbm>> -> memref<1x79x128xi32, #tpu.memory_space<hbm>>
      %dma_wait3A_40 = tpu.memref_squeeze %dma_wait3A_39 : memref<1x79x128xi32, #tpu.memory_space<hbm>> -> memref<79x128xi32, #tpu.memory_space<hbm>>
      %dma_wait3A_41 = arith.constant 0 : i32
      %dma_wait3A_42 = arith.constant 0 : i32
      %dma_wait3A_43 = tpu.memref_slice %arg4[%add3A, %dma_wait3A_41, %dma_wait3A_42] : memref<32x79x128xi32, #tpu.memory_space<hbm>> -> memref<1x79x128xi32, #tpu.memory_space<hbm>>
      %dma_wait3A_44 = tpu.memref_squeeze %dma_wait3A_43 : memref<1x79x128xi32, #tpu.memory_space<hbm>> -> memref<79x128xi32, #tpu.memory_space<hbm>>
      tpu.wait_dma2 semaphore(%run_scoped3A : memref<!tpu.dma_semaphore, #tpu.memory_space<semaphore_mem>>) src(%dma_wait3A_44 : memref<79x128xi32, #tpu.memory_space<hbm>>) dst(%arg8 : memref<79x128xi32, #tpu.memory_space<vmem>>)
      tpu.yield
    }) : () -> ()
    %barrier3A = arith.constant 0 : index
    tpu.barrier barrier_id(%barrier3A)
    %scan3A = arith.constant 0 : i32
    %scan3A_21 = arith.constant 0 : i32
    %scan3A_22 = arith.constant 79 : i32
    %scan3A_23 = arith.addi %scan3A_21, %scan3A_22 : i32
    %scan3A_24 = arith.constant 1 : i32
    scf.for %scan3A_31 = %scan3A_21 to %scan3A_23 step %scan3A_24  : i32 {
      %dma_start3A = arith.constant 0 : i32
      %dma_start3A_32 = tpu.memref_slice %arg7[%scan3A_31, %dma_start3A] : memref<79x128xi32, #tpu.memory_space<vmem>> -> memref<1x128xi32, #tpu.memory_space<vmem>>
      %dma_start3A_33 = tpu.memref_squeeze %dma_start3A_32 : memref<1x128xi32, #tpu.memory_space<vmem>> -> memref<128xi32, #tpu.memory_space<vmem>>
      %dma_start3A_34 = arith.constant 0 : i32
      %dma_start3A_35 = arith.constant 0 : i32
      %dma_start3A_36 = tpu.memref_slice %arg2[%dma_start3A_34, %dma_start3A_35] : memref<10000x128xf32, #tpu.memory_space<hbm>> -> memref<10000x128xf32, #tpu.memory_space<hbm>>
      tpu.enqueue_indirect_dma source(%dma_start3A_36 : memref<10000x128xf32, #tpu.memory_space<hbm>>) target(%arg9 : memref<128x128xf32, #tpu.memory_space<vmem>>) offsets(%dma_start3A_33 : memref<128xi32, #tpu.memory_space<vmem>>) semaphore(%arg10 : memref<!tpu.dma_semaphore, #tpu.memory_space<semaphore_mem>>)
      %dma_wait3A = arith.constant 0 : i32
      %dma_wait3A_37 = tpu.memref_slice %arg7[%scan3A_31, %dma_wait3A] : memref<79x128xi32, #tpu.memory_space<vmem>> -> memref<1x128xi32, #tpu.memory_space<vmem>>
      %dma_wait3A_38 = tpu.memref_squeeze %dma_wait3A_37 : memref<1x128xi32, #tpu.memory_space<vmem>> -> memref<128xi32, #tpu.memory_space<vmem>>
      %dma_wait3A_39 = arith.constant 0 : i32
      %dma_wait3A_40 = arith.constant 0 : i32
      %dma_wait3A_41 = tpu.memref_slice %arg2[%dma_wait3A_39, %dma_wait3A_40] : memref<10000x128xf32, #tpu.memory_space<hbm>> -> memref<10000x128xf32, #tpu.memory_space<hbm>>
      tpu.wait_indirect_dma semaphore(%arg10 : memref<!tpu.dma_semaphore, #tpu.memory_space<semaphore_mem>>) src(%dma_wait3A_41 : memref<10000x128xf32, #tpu.memory_space<hbm>>) dst(%arg9 : memref<128x128xf32, #tpu.memory_space<vmem>>)
      "tpu.region"() ({
        %run_scoped3A = tpu.sem_alloc : memref<!tpu.dma_semaphore, #tpu.memory_space<semaphore_mem>>
        %dma_start3A_42 = arith.constant 0 : i32
        %dma_start3A_43 = tpu.memref_slice %arg8[%scan3A_31, %dma_start3A_42] : memref<79x128xi32, #tpu.memory_space<vmem>> -> memref<1x128xi32, #tpu.memory_space<vmem>>
        %dma_start3A_44 = tpu.memref_squeeze %dma_start3A_43 : memref<1x128xi32, #tpu.memory_space<vmem>> -> memref<128xi32, #tpu.memory_space<vmem>>
        %dma_start3A_45 = arith.constant 0 : i32
        %dma_start3A_46 = arith.constant 0 : i32
        %dma_start3A_47 = tpu.memref_slice %arg11[%dma_start3A_45, %dma_start3A_46] : memref<10240x128xf32, #tpu.memory_space<vmem_shared>> -> memref<10240x128xf32, #tpu.memory_space<vmem_shared>>
        tpu.enqueue_indirect_dma source(%arg9 : memref<128x128xf32, #tpu.memory_space<vmem>>) target(%dma_start3A_47 : memref<10240x128xf32, #tpu.memory_space<vmem_shared>>) offsets(%dma_start3A_44 : memref<128xi32, #tpu.memory_space<vmem>>) semaphore(%run_scoped3A : memref<!tpu.dma_semaphore, #tpu.memory_space<semaphore_mem>>) {add = true}
        %dma_wait3A_48 = arith.constant 0 : i32
        %dma_wait3A_49 = tpu.memref_slice %arg8[%scan3A_31, %dma_wait3A_48] : memref<79x128xi32, #tpu.memory_space<vmem>> -> memref<1x128xi32, #tpu.memory_space<vmem>>
        %dma_wait3A_50 = tpu.memref_squeeze %dma_wait3A_49 : memref<1x128xi32, #tpu.memory_space<vmem>> -> memref<128xi32, #tpu.memory_space<vmem>>
        %dma_wait3A_51 = arith.constant 0 : i32
        %dma_wait3A_52 = arith.constant 0 : i32
        %dma_wait3A_53 = tpu.memref_slice %arg11[%dma_wait3A_51, %dma_wait3A_52] : memref<10240x128xf32, #tpu.memory_space<vmem_shared>> -> memref<10240x128xf32, #tpu.memory_space<vmem_shared>>
        tpu.wait_indirect_dma semaphore(%run_scoped3A : memref<!tpu.dma_semaphore, #tpu.memory_space<semaphore_mem>>) src(%arg9 : memref<128x128xf32, #tpu.memory_space<vmem>>) dst(%dma_wait3A_53 : memref<10240x128xf32, #tpu.memory_space<vmem_shared>>)
        tpu.yield
      }) : () -> ()
    }
    %scan3A_25 = arith.constant 79 : i32
    %barrier3A_26 = arith.constant 0 : index
    tpu.barrier barrier_id(%barrier3A_26)
    %mul3A_27 = arith.constant 640 : i32
    %mul3A_28 = arith.muli %arg1, %mul3A_27 : i32
    %mul3A_29 = arith.constant 640 : i32
    %mul3A_30 = arith.muli %arg1, %mul3A_29 : i32
    "tpu.region"() ({
      %run_scoped3A = tpu.sem_alloc : memref<!tpu.dma_semaphore, #tpu.memory_space<semaphore_mem>>
      %dma_start3A = arith.constant 0 : i32
      %dma_start3A_31 = tpu.memref_slice %arg6[%arg0, %mul3A_30, %dma_start3A] : memref<2x10240x128xf32, #tpu.memory_space<hbm>> -> memref<1x640x128xf32, #tpu.memory_space<hbm>>
      %dma_start3A_32 = tpu.memref_squeeze %dma_start3A_31 : memref<1x640x128xf32, #tpu.memory_space<hbm>> -> memref<640x128xf32, #tpu.memory_space<hbm>>
      %dma_start3A_33 = arith.constant 0 : i32
      %dma_start3A_34 = tpu.memref_slice %arg11[%mul3A_28, %dma_start3A_33] : memref<10240x128xf32, #tpu.memory_space<vmem_shared>> -> memref<640x128xf32, #tpu.memory_space<vmem_shared>>
      tpu.enqueue_dma source(%dma_start3A_34 : memref<640x128xf32, #tpu.memory_space<vmem_shared>>) target(%dma_start3A_32 : memref<640x128xf32, #tpu.memory_space<hbm>>) target_semaphore(%run_scoped3A : memref<!tpu.dma_semaphore, #tpu.memory_space<semaphore_mem>>)
      %dma_wait3A = arith.constant 0 : i32
      %dma_wait3A_35 = tpu.memref_slice %arg6[%arg0, %mul3A_30, %dma_wait3A] : memref<2x10240x128xf32, #tpu.memory_space<hbm>> -> memref<1x640x128xf32, #tpu.memory_space<hbm>>
      %dma_wait3A_36 = tpu.memref_squeeze %dma_wait3A_35 : memref<1x640x128xf32, #tpu.memory_space<hbm>> -> memref<640x128xf32, #tpu.memory_space<hbm>>
      %dma_wait3A_37 = arith.constant 0 : i32
      %dma_wait3A_38 = tpu.memref_slice %arg11[%mul3A_28, %dma_wait3A_37] : memref<10240x128xf32, #tpu.memory_space<vmem_shared>> -> memref<640x128xf32, #tpu.memory_space<vmem_shared>>
      tpu.wait_dma2 semaphore(%run_scoped3A : memref<!tpu.dma_semaphore, #tpu.memory_space<semaphore_mem>>) src(%dma_wait3A_38 : memref<640x128xf32, #tpu.memory_space<vmem_shared>>) dst(%dma_wait3A_36 : memref<640x128xf32, #tpu.memory_space<hbm>>)
      tpu.yield
    }) : () -> ()
    return
  }
}

#map = affine_map<(d0, d1) -> (0, 0)>
#map1 = affine_map<(d0, d1) -> (0, 0, 0)>
module attributes {stable_mosaic.version = 14 : i64} {
  func.func @_sc_agg_body(%arg0: i32, %arg1: i32, %arg2: memref<10000x128xf32, #tpu.memory_space<hbm>>, %arg3: memref<32x79x128xi32, #tpu.memory_space<hbm>>, %arg4: memref<32x79x128xi32, #tpu.memory_space<hbm>>, %arg5: memref<128x128xf32, #tpu.memory_space<hbm>>, %arg6: memref<2x10240x128xf32, #tpu.memory_space<hbm>>, %arg7: memref<79x128xi32, #tpu.memory_space<vmem>>, %arg8: memref<79x128xi32, #tpu.memory_space<vmem>>, %arg9: memref<128x128xf32, #tpu.memory_space<vmem>>, %arg10: memref<!tpu.dma_semaphore, #tpu.memory_space<semaphore_mem>>, %arg11: memref<10240x128xf32, #tpu.memory_space<vmem_shared>>) attributes {dimension_semantics = [#tpu.dimension_semantics<core_parallel>, #tpu.dimension_semantics<subcore_parallel>], iteration_bounds = array<i64: 2, 16>, scalar_prefetch = 0 : i64, scratch_operands = 5 : i64, tpu.core_type = #tpu.core_type<sc_vector_subcore>, window_params = [{transform_indices = #map}, {transform_indices = #map1}, {transform_indices = #map1}, {transform_indices = #map}, {transform_indices = #map1}]} {
    %mul3A = arith.constant 16 : i32
    %mul3A_0 = arith.muli %arg0, %mul3A : i32
    %add3A = arith.addi %mul3A_0, %arg1 : i32
    %mul3A_1 = arith.constant 640 : i32
    %mul3A_2 = arith.muli %arg1, %mul3A_1 : i32
    %add3A_3 = arith.constant 0 : i32
    %add3A_4 = arith.addi %mul3A_2, %add3A_3 : i32
    "tpu.region"() ({
      %run_scoped3A = tpu.sem_alloc : memref<!tpu.dma_semaphore, #tpu.memory_space<semaphore_mem>>
      %dma_start3A = arith.constant 0 : i32
      %dma_start3A_31 = tpu.memref_slice %arg11[%add3A_4, %dma_start3A] : memref<10240x128xf32, #tpu.memory_space<vmem_shared>> -> memref<128x128xf32, #tpu.memory_space<vmem_shared>>
      tpu.enqueue_dma source(%arg5 : memref<128x128xf32, #tpu.memory_space<hbm>>) target(%dma_start3A_31 : memref<128x128xf32, #tpu.memory_space<vmem_shared>>) target_semaphore(%run_scoped3A : memref<!tpu.dma_semaphore, #tpu.memory_space<semaphore_mem>>)
      %dma_wait3A = arith.constant 0 : i32
      %dma_wait3A_32 = tpu.memref_slice %arg11[%add3A_4, %dma_wait3A] : memref<10240x128xf32, #tpu.memory_space<vmem_shared>> -> memref<128x128xf32, #tpu.memory_space<vmem_shared>>
      tpu.wait_dma2 semaphore(%run_scoped3A : memref<!tpu.dma_semaphore, #tpu.memory_space<semaphore_mem>>) src(%arg5 : memref<128x128xf32, #tpu.memory_space<hbm>>) dst(%dma_wait3A_32 : memref<128x128xf32, #tpu.memory_space<vmem_shared>>)
      tpu.yield
    }) : () -> ()
    %mul3A_5 = arith.constant 640 : i32
    %mul3A_6 = arith.muli %arg1, %mul3A_5 : i32
    %add3A_7 = arith.constant 128 : i32
    %add3A_8 = arith.addi %mul3A_6, %add3A_7 : i32
    "tpu.region"() ({
      %run_scoped3A = tpu.sem_alloc : memref<!tpu.dma_semaphore, #tpu.memory_space<semaphore_mem>>
      %dma_start3A = arith.constant 0 : i32
      %dma_start3A_31 = tpu.memref_slice %arg11[%add3A_8, %dma_start3A] : memref<10240x128xf32, #tpu.memory_space<vmem_shared>> -> memref<128x128xf32, #tpu.memory_space<vmem_shared>>
      tpu.enqueue_dma source(%arg5 : memref<128x128xf32, #tpu.memory_space<hbm>>) target(%dma_start3A_31 : memref<128x128xf32, #tpu.memory_space<vmem_shared>>) target_semaphore(%run_scoped3A : memref<!tpu.dma_semaphore, #tpu.memory_space<semaphore_mem>>)
      %dma_wait3A = arith.constant 0 : i32
      %dma_wait3A_32 = tpu.memref_slice %arg11[%add3A_8, %dma_wait3A] : memref<10240x128xf32, #tpu.memory_space<vmem_shared>> -> memref<128x128xf32, #tpu.memory_space<vmem_shared>>
      tpu.wait_dma2 semaphore(%run_scoped3A : memref<!tpu.dma_semaphore, #tpu.memory_space<semaphore_mem>>) src(%arg5 : memref<128x128xf32, #tpu.memory_space<hbm>>) dst(%dma_wait3A_32 : memref<128x128xf32, #tpu.memory_space<vmem_shared>>)
      tpu.yield
    }) : () -> ()
    %mul3A_9 = arith.constant 640 : i32
    %mul3A_10 = arith.muli %arg1, %mul3A_9 : i32
    %add3A_11 = arith.constant 256 : i32
    %add3A_12 = arith.addi %mul3A_10, %add3A_11 : i32
    "tpu.region"() ({
      %run_scoped3A = tpu.sem_alloc : memref<!tpu.dma_semaphore, #tpu.memory_space<semaphore_mem>>
      %dma_start3A = arith.constant 0 : i32
      %dma_start3A_31 = tpu.memref_slice %arg11[%add3A_12, %dma_start3A] : memref<10240x128xf32, #tpu.memory_space<vmem_shared>> -> memref<128x128xf32, #tpu.memory_space<vmem_shared>>
      tpu.enqueue_dma source(%arg5 : memref<128x128xf32, #tpu.memory_space<hbm>>) target(%dma_start3A_31 : memref<128x128xf32, #tpu.memory_space<vmem_shared>>) target_semaphore(%run_scoped3A : memref<!tpu.dma_semaphore, #tpu.memory_space<semaphore_mem>>)
      %dma_wait3A = arith.constant 0 : i32
      %dma_wait3A_32 = tpu.memref_slice %arg11[%add3A_12, %dma_wait3A] : memref<10240x128xf32, #tpu.memory_space<vmem_shared>> -> memref<128x128xf32, #tpu.memory_space<vmem_shared>>
      tpu.wait_dma2 semaphore(%run_scoped3A : memref<!tpu.dma_semaphore, #tpu.memory_space<semaphore_mem>>) src(%arg5 : memref<128x128xf32, #tpu.memory_space<hbm>>) dst(%dma_wait3A_32 : memref<128x128xf32, #tpu.memory_space<vmem_shared>>)
      tpu.yield
    }) : () -> ()
    %mul3A_13 = arith.constant 640 : i32
    %mul3A_14 = arith.muli %arg1, %mul3A_13 : i32
    %add3A_15 = arith.constant 384 : i32
    %add3A_16 = arith.addi %mul3A_14, %add3A_15 : i32
    "tpu.region"() ({
      %run_scoped3A = tpu.sem_alloc : memref<!tpu.dma_semaphore, #tpu.memory_space<semaphore_mem>>
      %dma_start3A = arith.constant 0 : i32
      %dma_start3A_31 = tpu.memref_slice %arg11[%add3A_16, %dma_start3A] : memref<10240x128xf32, #tpu.memory_space<vmem_shared>> -> memref<128x128xf32, #tpu.memory_space<vmem_shared>>
      tpu.enqueue_dma source(%arg5 : memref<128x128xf32, #tpu.memory_space<hbm>>) target(%dma_start3A_31 : memref<128x128xf32, #tpu.memory_space<vmem_shared>>) target_semaphore(%run_scoped3A : memref<!tpu.dma_semaphore, #tpu.memory_space<semaphore_mem>>)
      %dma_wait3A = arith.constant 0 : i32
      %dma_wait3A_32 = tpu.memref_slice %arg11[%add3A_16, %dma_wait3A] : memref<10240x128xf32, #tpu.memory_space<vmem_shared>> -> memref<128x128xf32, #tpu.memory_space<vmem_shared>>
      tpu.wait_dma2 semaphore(%run_scoped3A : memref<!tpu.dma_semaphore, #tpu.memory_space<semaphore_mem>>) src(%arg5 : memref<128x128xf32, #tpu.memory_space<hbm>>) dst(%dma_wait3A_32 : memref<128x128xf32, #tpu.memory_space<vmem_shared>>)
      tpu.yield
    }) : () -> ()
    %mul3A_17 = arith.constant 640 : i32
    %mul3A_18 = arith.muli %arg1, %mul3A_17 : i32
    %add3A_19 = arith.constant 512 : i32
    %add3A_20 = arith.addi %mul3A_18, %add3A_19 : i32
    "tpu.region"() ({
      %run_scoped3A = tpu.sem_alloc : memref<!tpu.dma_semaphore, #tpu.memory_space<semaphore_mem>>
      %dma_start3A = arith.constant 0 : i32
      %dma_start3A_31 = tpu.memref_slice %arg11[%add3A_20, %dma_start3A] : memref<10240x128xf32, #tpu.memory_space<vmem_shared>> -> memref<128x128xf32, #tpu.memory_space<vmem_shared>>
      tpu.enqueue_dma source(%arg5 : memref<128x128xf32, #tpu.memory_space<hbm>>) target(%dma_start3A_31 : memref<128x128xf32, #tpu.memory_space<vmem_shared>>) target_semaphore(%run_scoped3A : memref<!tpu.dma_semaphore, #tpu.memory_space<semaphore_mem>>)
      %dma_wait3A = arith.constant 0 : i32
      %dma_wait3A_32 = tpu.memref_slice %arg11[%add3A_20, %dma_wait3A] : memref<10240x128xf32, #tpu.memory_space<vmem_shared>> -> memref<128x128xf32, #tpu.memory_space<vmem_shared>>
      tpu.wait_dma2 semaphore(%run_scoped3A : memref<!tpu.dma_semaphore, #tpu.memory_space<semaphore_mem>>) src(%arg5 : memref<128x128xf32, #tpu.memory_space<hbm>>) dst(%dma_wait3A_32 : memref<128x128xf32, #tpu.memory_space<vmem_shared>>)
      tpu.yield
    }) : () -> ()
    "tpu.region"() ({
      %run_scoped3A = tpu.sem_alloc : memref<!tpu.dma_semaphore, #tpu.memory_space<semaphore_mem>>
      %dma_start3A = arith.constant 0 : i32
      %dma_start3A_31 = arith.constant 0 : i32
      %dma_start3A_32 = tpu.memref_slice %arg3[%add3A, %dma_start3A, %dma_start3A_31] : memref<32x79x128xi32, #tpu.memory_space<hbm>> -> memref<1x79x128xi32, #tpu.memory_space<hbm>>
      %dma_start3A_33 = tpu.memref_squeeze %dma_start3A_32 : memref<1x79x128xi32, #tpu.memory_space<hbm>> -> memref<79x128xi32, #tpu.memory_space<hbm>>
      %dma_start3A_34 = arith.constant 0 : i32
      %dma_start3A_35 = arith.constant 0 : i32
      %dma_start3A_36 = tpu.memref_slice %arg3[%add3A, %dma_start3A_34, %dma_start3A_35] : memref<32x79x128xi32, #tpu.memory_space<hbm>> -> memref<1x79x128xi32, #tpu.memory_space<hbm>>
      %dma_start3A_37 = tpu.memref_squeeze %dma_start3A_36 : memref<1x79x128xi32, #tpu.memory_space<hbm>> -> memref<79x128xi32, #tpu.memory_space<hbm>>
      tpu.enqueue_dma source(%dma_start3A_37 : memref<79x128xi32, #tpu.memory_space<hbm>>) target(%arg7 : memref<79x128xi32, #tpu.memory_space<vmem>>) target_semaphore(%run_scoped3A : memref<!tpu.dma_semaphore, #tpu.memory_space<semaphore_mem>>)
      %dma_wait3A = arith.constant 0 : i32
      %dma_wait3A_38 = arith.constant 0 : i32
      %dma_wait3A_39 = tpu.memref_slice %arg3[%add3A, %dma_wait3A, %dma_wait3A_38] : memref<32x79x128xi32, #tpu.memory_space<hbm>> -> memref<1x79x128xi32, #tpu.memory_space<hbm>>
      %dma_wait3A_40 = tpu.memref_squeeze %dma_wait3A_39 : memref<1x79x128xi32, #tpu.memory_space<hbm>> -> memref<79x128xi32, #tpu.memory_space<hbm>>
      %dma_wait3A_41 = arith.constant 0 : i32
      %dma_wait3A_42 = arith.constant 0 : i32
      %dma_wait3A_43 = tpu.memref_slice %arg3[%add3A, %dma_wait3A_41, %dma_wait3A_42] : memref<32x79x128xi32, #tpu.memory_space<hbm>> -> memref<1x79x128xi32, #tpu.memory_space<hbm>>
      %dma_wait3A_44 = tpu.memref_squeeze %dma_wait3A_43 : memref<1x79x128xi32, #tpu.memory_space<hbm>> -> memref<79x128xi32, #tpu.memory_space<hbm>>
      tpu.wait_dma2 semaphore(%run_scoped3A : memref<!tpu.dma_semaphore, #tpu.memory_space<semaphore_mem>>) src(%dma_wait3A_44 : memref<79x128xi32, #tpu.memory_space<hbm>>) dst(%arg7 : memref<79x128xi32, #tpu.memory_space<vmem>>)
      tpu.yield
    }) : () -> ()
    "tpu.region"() ({
      %run_scoped3A = tpu.sem_alloc : memref<!tpu.dma_semaphore, #tpu.memory_space<semaphore_mem>>
      %dma_start3A = arith.constant 0 : i32
      %dma_start3A_31 = arith.constant 0 : i32
      %dma_start3A_32 = tpu.memref_slice %arg4[%add3A, %dma_start3A, %dma_start3A_31] : memref<32x79x128xi32, #tpu.memory_space<hbm>> -> memref<1x79x128xi32, #tpu.memory_space<hbm>>
      %dma_start3A_33 = tpu.memref_squeeze %dma_start3A_32 : memref<1x79x128xi32, #tpu.memory_space<hbm>> -> memref<79x128xi32, #tpu.memory_space<hbm>>
      %dma_start3A_34 = arith.constant 0 : i32
      %dma_start3A_35 = arith.constant 0 : i32
      %dma_start3A_36 = tpu.memref_slice %arg4[%add3A, %dma_start3A_34, %dma_start3A_35] : memref<32x79x128xi32, #tpu.memory_space<hbm>> -> memref<1x79x128xi32, #tpu.memory_space<hbm>>
      %dma_start3A_37 = tpu.memref_squeeze %dma_start3A_36 : memref<1x79x128xi32, #tpu.memory_space<hbm>> -> memref<79x128xi32, #tpu.memory_space<hbm>>
      tpu.enqueue_dma source(%dma_start3A_37 : memref<79x128xi32, #tpu.memory_space<hbm>>) target(%arg8 : memref<79x128xi32, #tpu.memory_space<vmem>>) target_semaphore(%run_scoped3A : memref<!tpu.dma_semaphore, #tpu.memory_space<semaphore_mem>>)
      %dma_wait3A = arith.constant 0 : i32
      %dma_wait3A_38 = arith.constant 0 : i32
      %dma_wait3A_39 = tpu.memref_slice %arg4[%add3A, %dma_wait3A, %dma_wait3A_38] : memref<32x79x128xi32, #tpu.memory_space<hbm>> -> memref<1x79x128xi32, #tpu.memory_space<hbm>>
      %dma_wait3A_40 = tpu.memref_squeeze %dma_wait3A_39 : memref<1x79x128xi32, #tpu.memory_space<hbm>> -> memref<79x128xi32, #tpu.memory_space<hbm>>
      %dma_wait3A_41 = arith.constant 0 : i32
      %dma_wait3A_42 = arith.constant 0 : i32
      %dma_wait3A_43 = tpu.memref_slice %arg4[%add3A, %dma_wait3A_41, %dma_wait3A_42] : memref<32x79x128xi32, #tpu.memory_space<hbm>> -> memref<1x79x128xi32, #tpu.memory_space<hbm>>
      %dma_wait3A_44 = tpu.memref_squeeze %dma_wait3A_43 : memref<1x79x128xi32, #tpu.memory_space<hbm>> -> memref<79x128xi32, #tpu.memory_space<hbm>>
      tpu.wait_dma2 semaphore(%run_scoped3A : memref<!tpu.dma_semaphore, #tpu.memory_space<semaphore_mem>>) src(%dma_wait3A_44 : memref<79x128xi32, #tpu.memory_space<hbm>>) dst(%arg8 : memref<79x128xi32, #tpu.memory_space<vmem>>)
      tpu.yield
    }) : () -> ()
    %barrier3A = arith.constant 0 : index
    tpu.barrier barrier_id(%barrier3A)
    %scan3A = arith.constant 0 : i32
    %scan3A_21 = arith.constant 0 : i32
    %scan3A_22 = arith.constant 79 : i32
    %scan3A_23 = arith.addi %scan3A_21, %scan3A_22 : i32
    %scan3A_24 = arith.constant 1 : i32
    scf.for %scan3A_31 = %scan3A_21 to %scan3A_23 step %scan3A_24  : i32 {
      %dma_start3A = arith.constant 0 : i32
      %dma_start3A_32 = tpu.memref_slice %arg7[%scan3A_31, %dma_start3A] : memref<79x128xi32, #tpu.memory_space<vmem>> -> memref<1x128xi32, #tpu.memory_space<vmem>>
      %dma_start3A_33 = tpu.memref_squeeze %dma_start3A_32 : memref<1x128xi32, #tpu.memory_space<vmem>> -> memref<128xi32, #tpu.memory_space<vmem>>
      %dma_start3A_34 = arith.constant 0 : i32
      %dma_start3A_35 = arith.constant 0 : i32
      %dma_start3A_36 = tpu.memref_slice %arg2[%dma_start3A_34, %dma_start3A_35] : memref<10000x128xf32, #tpu.memory_space<hbm>> -> memref<10000x128xf32, #tpu.memory_space<hbm>>
      tpu.enqueue_indirect_dma source(%dma_start3A_36 : memref<10000x128xf32, #tpu.memory_space<hbm>>) target(%arg9 : memref<128x128xf32, #tpu.memory_space<vmem>>) offsets(%dma_start3A_33 : memref<128xi32, #tpu.memory_space<vmem>>) semaphore(%arg10 : memref<!tpu.dma_semaphore, #tpu.memory_space<semaphore_mem>>)
      %dma_wait3A = arith.constant 0 : i32
      %dma_wait3A_37 = tpu.memref_slice %arg7[%scan3A_31, %dma_wait3A] : memref<79x128xi32, #tpu.memory_space<vmem>> -> memref<1x128xi32, #tpu.memory_space<vmem>>
      %dma_wait3A_38 = tpu.memref_squeeze %dma_wait3A_37 : memref<1x128xi32, #tpu.memory_space<vmem>> -> memref<128xi32, #tpu.memory_space<vmem>>
      %dma_wait3A_39 = arith.constant 0 : i32
      %dma_wait3A_40 = arith.constant 0 : i32
      %dma_wait3A_41 = tpu.memref_slice %arg2[%dma_wait3A_39, %dma_wait3A_40] : memref<10000x128xf32, #tpu.memory_space<hbm>> -> memref<10000x128xf32, #tpu.memory_space<hbm>>
      tpu.wait_indirect_dma semaphore(%arg10 : memref<!tpu.dma_semaphore, #tpu.memory_space<semaphore_mem>>) src(%dma_wait3A_41 : memref<10000x128xf32, #tpu.memory_space<hbm>>) dst(%arg9 : memref<128x128xf32, #tpu.memory_space<vmem>>)
      "tpu.region"() ({
        %run_scoped3A = tpu.sem_alloc : memref<!tpu.dma_semaphore, #tpu.memory_space<semaphore_mem>>
        %dma_start3A_42 = arith.constant 0 : i32
        %dma_start3A_43 = tpu.memref_slice %arg8[%scan3A_31, %dma_start3A_42] : memref<79x128xi32, #tpu.memory_space<vmem>> -> memref<1x128xi32, #tpu.memory_space<vmem>>
        %dma_start3A_44 = tpu.memref_squeeze %dma_start3A_43 : memref<1x128xi32, #tpu.memory_space<vmem>> -> memref<128xi32, #tpu.memory_space<vmem>>
        %dma_start3A_45 = arith.constant 0 : i32
        %dma_start3A_46 = arith.constant 0 : i32
        %dma_start3A_47 = tpu.memref_slice %arg11[%dma_start3A_45, %dma_start3A_46] : memref<10240x128xf32, #tpu.memory_space<vmem_shared>> -> memref<10240x128xf32, #tpu.memory_space<vmem_shared>>
        tpu.enqueue_indirect_dma source(%arg9 : memref<128x128xf32, #tpu.memory_space<vmem>>) target(%dma_start3A_47 : memref<10240x128xf32, #tpu.memory_space<vmem_shared>>) offsets(%dma_start3A_44 : memref<128xi32, #tpu.memory_space<vmem>>) semaphore(%run_scoped3A : memref<!tpu.dma_semaphore, #tpu.memory_space<semaphore_mem>>) {add = true}
        %dma_wait3A_48 = arith.constant 0 : i32
        %dma_wait3A_49 = tpu.memref_slice %arg8[%scan3A_31, %dma_wait3A_48] : memref<79x128xi32, #tpu.memory_space<vmem>> -> memref<1x128xi32, #tpu.memory_space<vmem>>
        %dma_wait3A_50 = tpu.memref_squeeze %dma_wait3A_49 : memref<1x128xi32, #tpu.memory_space<vmem>> -> memref<128xi32, #tpu.memory_space<vmem>>
        %dma_wait3A_51 = arith.constant 0 : i32
        %dma_wait3A_52 = arith.constant 0 : i32
        %dma_wait3A_53 = tpu.memref_slice %arg11[%dma_wait3A_51, %dma_wait3A_52] : memref<10240x128xf32, #tpu.memory_space<vmem_shared>> -> memref<10240x128xf32, #tpu.memory_space<vmem_shared>>
        tpu.wait_indirect_dma semaphore(%run_scoped3A : memref<!tpu.dma_semaphore, #tpu.memory_space<semaphore_mem>>) src(%arg9 : memref<128x128xf32, #tpu.memory_space<vmem>>) dst(%dma_wait3A_53 : memref<10240x128xf32, #tpu.memory_space<vmem_shared>>)
        tpu.yield
      }) : () -> ()
    }
    %scan3A_25 = arith.constant 79 : i32
    %barrier3A_26 = arith.constant 0 : index
    tpu.barrier barrier_id(%barrier3A_26)
    %mul3A_27 = arith.constant 640 : i32
    %mul3A_28 = arith.muli %arg1, %mul3A_27 : i32
    %mul3A_29 = arith.constant 640 : i32
    %mul3A_30 = arith.muli %arg1, %mul3A_29 : i32
    "tpu.region"() ({
      %run_scoped3A = tpu.sem_alloc : memref<!tpu.dma_semaphore, #tpu.memory_space<semaphore_mem>>
      %dma_start3A = arith.constant 0 : i32
      %dma_start3A_31 = tpu.memref_slice %arg6[%arg0, %mul3A_30, %dma_start3A] : memref<2x10240x128xf32, #tpu.memory_space<hbm>> -> memref<1x640x128xf32, #tpu.memory_space<hbm>>
      %dma_start3A_32 = tpu.memref_squeeze %dma_start3A_31 : memref<1x640x128xf32, #tpu.memory_space<hbm>> -> memref<640x128xf32, #tpu.memory_space<hbm>>
      %dma_start3A_33 = arith.constant 0 : i32
      %dma_start3A_34 = tpu.memref_slice %arg11[%mul3A_28, %dma_start3A_33] : memref<10240x128xf32, #tpu.memory_space<vmem_shared>> -> memref<640x128xf32, #tpu.memory_space<vmem_shared>>
      tpu.enqueue_dma source(%dma_start3A_34 : memref<640x128xf32, #tpu.memory_space<vmem_shared>>) target(%dma_start3A_32 : memref<640x128xf32, #tpu.memory_space<hbm>>) target_semaphore(%run_scoped3A : memref<!tpu.dma_semaphore, #tpu.memory_space<semaphore_mem>>)
      %dma_wait3A = arith.constant 0 : i32
      %dma_wait3A_35 = tpu.memref_slice %arg6[%arg0, %mul3A_30, %dma_wait3A] : memref<2x10240x128xf32, #tpu.memory_space<hbm>> -> memref<1x640x128xf32, #tpu.memory_space<hbm>>
      %dma_wait3A_36 = tpu.memref_squeeze %dma_wait3A_35 : memref<1x640x128xf32, #tpu.memory_space<hbm>> -> memref<640x128xf32, #tpu.memory_space<hbm>>
      %dma_wait3A_37 = arith.constant 0 : i32
      %dma_wait3A_38 = tpu.memref_slice %arg11[%mul3A_28, %dma_wait3A_37] : memref<10240x128xf32, #tpu.memory_space<vmem_shared>> -> memref<640x128xf32, #tpu.memory_space<vmem_shared>>
      tpu.wait_dma2 semaphore(%run_scoped3A : memref<!tpu.dma_semaphore, #tpu.memory_space<semaphore_mem>>) src(%dma_wait3A_38 : memref<640x128xf32, #tpu.memory_space<vmem_shared>>) dst(%dma_wait3A_36 : memref<640x128xf32, #tpu.memory_space<hbm>>)
      tpu.yield
    }) : () -> ()
    return
  }
}

#map = affine_map<(d0, d1) -> (0, 0)>
#map1 = affine_map<(d0, d1) -> (0, 0, 0)>
module attributes {stable_mosaic.version = 14 : i64} {
  func.func @_sc_agg_body(%arg0: i32, %arg1: i32, %arg2: memref<10000x128xf32, #tpu.memory_space<hbm>>, %arg3: memref<32x79x128xi32, #tpu.memory_space<hbm>>, %arg4: memref<32x79x128xi32, #tpu.memory_space<hbm>>, %arg5: memref<128x128xf32, #tpu.memory_space<hbm>>, %arg6: memref<2x10240x128xf32, #tpu.memory_space<hbm>>, %arg7: memref<79x128xi32, #tpu.memory_space<vmem>>, %arg8: memref<79x128xi32, #tpu.memory_space<vmem>>, %arg9: memref<128x128xf32, #tpu.memory_space<vmem>>, %arg10: memref<!tpu.dma_semaphore, #tpu.memory_space<semaphore_mem>>, %arg11: memref<10240x128xf32, #tpu.memory_space<vmem_shared>>) attributes {dimension_semantics = [#tpu.dimension_semantics<core_parallel>, #tpu.dimension_semantics<subcore_parallel>], iteration_bounds = array<i64: 2, 16>, scalar_prefetch = 0 : i64, scratch_operands = 5 : i64, tpu.core_type = #tpu.core_type<sc_vector_subcore>, window_params = [{transform_indices = #map}, {transform_indices = #map1}, {transform_indices = #map1}, {transform_indices = #map}, {transform_indices = #map1}]} {
    %mul3A = arith.constant 16 : i32
    %mul3A_0 = arith.muli %arg0, %mul3A : i32
    %add3A = arith.addi %mul3A_0, %arg1 : i32
    %mul3A_1 = arith.constant 640 : i32
    %mul3A_2 = arith.muli %arg1, %mul3A_1 : i32
    %add3A_3 = arith.constant 0 : i32
    %add3A_4 = arith.addi %mul3A_2, %add3A_3 : i32
    "tpu.region"() ({
      %run_scoped3A = tpu.sem_alloc : memref<!tpu.dma_semaphore, #tpu.memory_space<semaphore_mem>>
      %dma_start3A = arith.constant 0 : i32
      %dma_start3A_31 = tpu.memref_slice %arg11[%add3A_4, %dma_start3A] : memref<10240x128xf32, #tpu.memory_space<vmem_shared>> -> memref<128x128xf32, #tpu.memory_space<vmem_shared>>
      tpu.enqueue_dma source(%arg5 : memref<128x128xf32, #tpu.memory_space<hbm>>) target(%dma_start3A_31 : memref<128x128xf32, #tpu.memory_space<vmem_shared>>) target_semaphore(%run_scoped3A : memref<!tpu.dma_semaphore, #tpu.memory_space<semaphore_mem>>)
      %dma_wait3A = arith.constant 0 : i32
      %dma_wait3A_32 = tpu.memref_slice %arg11[%add3A_4, %dma_wait3A] : memref<10240x128xf32, #tpu.memory_space<vmem_shared>> -> memref<128x128xf32, #tpu.memory_space<vmem_shared>>
      tpu.wait_dma2 semaphore(%run_scoped3A : memref<!tpu.dma_semaphore, #tpu.memory_space<semaphore_mem>>) src(%arg5 : memref<128x128xf32, #tpu.memory_space<hbm>>) dst(%dma_wait3A_32 : memref<128x128xf32, #tpu.memory_space<vmem_shared>>)
      tpu.yield
    }) : () -> ()
    %mul3A_5 = arith.constant 640 : i32
    %mul3A_6 = arith.muli %arg1, %mul3A_5 : i32
    %add3A_7 = arith.constant 128 : i32
    %add3A_8 = arith.addi %mul3A_6, %add3A_7 : i32
    "tpu.region"() ({
      %run_scoped3A = tpu.sem_alloc : memref<!tpu.dma_semaphore, #tpu.memory_space<semaphore_mem>>
      %dma_start3A = arith.constant 0 : i32
      %dma_start3A_31 = tpu.memref_slice %arg11[%add3A_8, %dma_start3A] : memref<10240x128xf32, #tpu.memory_space<vmem_shared>> -> memref<128x128xf32, #tpu.memory_space<vmem_shared>>
      tpu.enqueue_dma source(%arg5 : memref<128x128xf32, #tpu.memory_space<hbm>>) target(%dma_start3A_31 : memref<128x128xf32, #tpu.memory_space<vmem_shared>>) target_semaphore(%run_scoped3A : memref<!tpu.dma_semaphore, #tpu.memory_space<semaphore_mem>>)
      %dma_wait3A = arith.constant 0 : i32
      %dma_wait3A_32 = tpu.memref_slice %arg11[%add3A_8, %dma_wait3A] : memref<10240x128xf32, #tpu.memory_space<vmem_shared>> -> memref<128x128xf32, #tpu.memory_space<vmem_shared>>
      tpu.wait_dma2 semaphore(%run_scoped3A : memref<!tpu.dma_semaphore, #tpu.memory_space<semaphore_mem>>) src(%arg5 : memref<128x128xf32, #tpu.memory_space<hbm>>) dst(%dma_wait3A_32 : memref<128x128xf32, #tpu.memory_space<vmem_shared>>)
      tpu.yield
    }) : () -> ()
    %mul3A_9 = arith.constant 640 : i32
    %mul3A_10 = arith.muli %arg1, %mul3A_9 : i32
    %add3A_11 = arith.constant 256 : i32
    %add3A_12 = arith.addi %mul3A_10, %add3A_11 : i32
    "tpu.region"() ({
      %run_scoped3A = tpu.sem_alloc : memref<!tpu.dma_semaphore, #tpu.memory_space<semaphore_mem>>
      %dma_start3A = arith.constant 0 : i32
      %dma_start3A_31 = tpu.memref_slice %arg11[%add3A_12, %dma_start3A] : memref<10240x128xf32, #tpu.memory_space<vmem_shared>> -> memref<128x128xf32, #tpu.memory_space<vmem_shared>>
      tpu.enqueue_dma source(%arg5 : memref<128x128xf32, #tpu.memory_space<hbm>>) target(%dma_start3A_31 : memref<128x128xf32, #tpu.memory_space<vmem_shared>>) target_semaphore(%run_scoped3A : memref<!tpu.dma_semaphore, #tpu.memory_space<semaphore_mem>>)
      %dma_wait3A = arith.constant 0 : i32
      %dma_wait3A_32 = tpu.memref_slice %arg11[%add3A_12, %dma_wait3A] : memref<10240x128xf32, #tpu.memory_space<vmem_shared>> -> memref<128x128xf32, #tpu.memory_space<vmem_shared>>
      tpu.wait_dma2 semaphore(%run_scoped3A : memref<!tpu.dma_semaphore, #tpu.memory_space<semaphore_mem>>) src(%arg5 : memref<128x128xf32, #tpu.memory_space<hbm>>) dst(%dma_wait3A_32 : memref<128x128xf32, #tpu.memory_space<vmem_shared>>)
      tpu.yield
    }) : () -> ()
    %mul3A_13 = arith.constant 640 : i32
    %mul3A_14 = arith.muli %arg1, %mul3A_13 : i32
    %add3A_15 = arith.constant 384 : i32
    %add3A_16 = arith.addi %mul3A_14, %add3A_15 : i32
    "tpu.region"() ({
      %run_scoped3A = tpu.sem_alloc : memref<!tpu.dma_semaphore, #tpu.memory_space<semaphore_mem>>
      %dma_start3A = arith.constant 0 : i32
      %dma_start3A_31 = tpu.memref_slice %arg11[%add3A_16, %dma_start3A] : memref<10240x128xf32, #tpu.memory_space<vmem_shared>> -> memref<128x128xf32, #tpu.memory_space<vmem_shared>>
      tpu.enqueue_dma source(%arg5 : memref<128x128xf32, #tpu.memory_space<hbm>>) target(%dma_start3A_31 : memref<128x128xf32, #tpu.memory_space<vmem_shared>>) target_semaphore(%run_scoped3A : memref<!tpu.dma_semaphore, #tpu.memory_space<semaphore_mem>>)
      %dma_wait3A = arith.constant 0 : i32
      %dma_wait3A_32 = tpu.memref_slice %arg11[%add3A_16, %dma_wait3A] : memref<10240x128xf32, #tpu.memory_space<vmem_shared>> -> memref<128x128xf32, #tpu.memory_space<vmem_shared>>
      tpu.wait_dma2 semaphore(%run_scoped3A : memref<!tpu.dma_semaphore, #tpu.memory_space<semaphore_mem>>) src(%arg5 : memref<128x128xf32, #tpu.memory_space<hbm>>) dst(%dma_wait3A_32 : memref<128x128xf32, #tpu.memory_space<vmem_shared>>)
      tpu.yield
    }) : () -> ()
    %mul3A_17 = arith.constant 640 : i32
    %mul3A_18 = arith.muli %arg1, %mul3A_17 : i32
    %add3A_19 = arith.constant 512 : i32
    %add3A_20 = arith.addi %mul3A_18, %add3A_19 : i32
    "tpu.region"() ({
      %run_scoped3A = tpu.sem_alloc : memref<!tpu.dma_semaphore, #tpu.memory_space<semaphore_mem>>
      %dma_start3A = arith.constant 0 : i32
      %dma_start3A_31 = tpu.memref_slice %arg11[%add3A_20, %dma_start3A] : memref<10240x128xf32, #tpu.memory_space<vmem_shared>> -> memref<128x128xf32, #tpu.memory_space<vmem_shared>>
      tpu.enqueue_dma source(%arg5 : memref<128x128xf32, #tpu.memory_space<hbm>>) target(%dma_start3A_31 : memref<128x128xf32, #tpu.memory_space<vmem_shared>>) target_semaphore(%run_scoped3A : memref<!tpu.dma_semaphore, #tpu.memory_space<semaphore_mem>>)
      %dma_wait3A = arith.constant 0 : i32
      %dma_wait3A_32 = tpu.memref_slice %arg11[%add3A_20, %dma_wait3A] : memref<10240x128xf32, #tpu.memory_space<vmem_shared>> -> memref<128x128xf32, #tpu.memory_space<vmem_shared>>
      tpu.wait_dma2 semaphore(%run_scoped3A : memref<!tpu.dma_semaphore, #tpu.memory_space<semaphore_mem>>) src(%arg5 : memref<128x128xf32, #tpu.memory_space<hbm>>) dst(%dma_wait3A_32 : memref<128x128xf32, #tpu.memory_space<vmem_shared>>)
      tpu.yield
    }) : () -> ()
    "tpu.region"() ({
      %run_scoped3A = tpu.sem_alloc : memref<!tpu.dma_semaphore, #tpu.memory_space<semaphore_mem>>
      %dma_start3A = arith.constant 0 : i32
      %dma_start3A_31 = arith.constant 0 : i32
      %dma_start3A_32 = tpu.memref_slice %arg3[%add3A, %dma_start3A, %dma_start3A_31] : memref<32x79x128xi32, #tpu.memory_space<hbm>> -> memref<1x79x128xi32, #tpu.memory_space<hbm>>
      %dma_start3A_33 = tpu.memref_squeeze %dma_start3A_32 : memref<1x79x128xi32, #tpu.memory_space<hbm>> -> memref<79x128xi32, #tpu.memory_space<hbm>>
      %dma_start3A_34 = arith.constant 0 : i32
      %dma_start3A_35 = arith.constant 0 : i32
      %dma_start3A_36 = tpu.memref_slice %arg3[%add3A, %dma_start3A_34, %dma_start3A_35] : memref<32x79x128xi32, #tpu.memory_space<hbm>> -> memref<1x79x128xi32, #tpu.memory_space<hbm>>
      %dma_start3A_37 = tpu.memref_squeeze %dma_start3A_36 : memref<1x79x128xi32, #tpu.memory_space<hbm>> -> memref<79x128xi32, #tpu.memory_space<hbm>>
      tpu.enqueue_dma source(%dma_start3A_37 : memref<79x128xi32, #tpu.memory_space<hbm>>) target(%arg7 : memref<79x128xi32, #tpu.memory_space<vmem>>) target_semaphore(%run_scoped3A : memref<!tpu.dma_semaphore, #tpu.memory_space<semaphore_mem>>)
      %dma_wait3A = arith.constant 0 : i32
      %dma_wait3A_38 = arith.constant 0 : i32
      %dma_wait3A_39 = tpu.memref_slice %arg3[%add3A, %dma_wait3A, %dma_wait3A_38] : memref<32x79x128xi32, #tpu.memory_space<hbm>> -> memref<1x79x128xi32, #tpu.memory_space<hbm>>
      %dma_wait3A_40 = tpu.memref_squeeze %dma_wait3A_39 : memref<1x79x128xi32, #tpu.memory_space<hbm>> -> memref<79x128xi32, #tpu.memory_space<hbm>>
      %dma_wait3A_41 = arith.constant 0 : i32
      %dma_wait3A_42 = arith.constant 0 : i32
      %dma_wait3A_43 = tpu.memref_slice %arg3[%add3A, %dma_wait3A_41, %dma_wait3A_42] : memref<32x79x128xi32, #tpu.memory_space<hbm>> -> memref<1x79x128xi32, #tpu.memory_space<hbm>>
      %dma_wait3A_44 = tpu.memref_squeeze %dma_wait3A_43 : memref<1x79x128xi32, #tpu.memory_space<hbm>> -> memref<79x128xi32, #tpu.memory_space<hbm>>
      tpu.wait_dma2 semaphore(%run_scoped3A : memref<!tpu.dma_semaphore, #tpu.memory_space<semaphore_mem>>) src(%dma_wait3A_44 : memref<79x128xi32, #tpu.memory_space<hbm>>) dst(%arg7 : memref<79x128xi32, #tpu.memory_space<vmem>>)
      tpu.yield
    }) : () -> ()
    "tpu.region"() ({
      %run_scoped3A = tpu.sem_alloc : memref<!tpu.dma_semaphore, #tpu.memory_space<semaphore_mem>>
      %dma_start3A = arith.constant 0 : i32
      %dma_start3A_31 = arith.constant 0 : i32
      %dma_start3A_32 = tpu.memref_slice %arg4[%add3A, %dma_start3A, %dma_start3A_31] : memref<32x79x128xi32, #tpu.memory_space<hbm>> -> memref<1x79x128xi32, #tpu.memory_space<hbm>>
      %dma_start3A_33 = tpu.memref_squeeze %dma_start3A_32 : memref<1x79x128xi32, #tpu.memory_space<hbm>> -> memref<79x128xi32, #tpu.memory_space<hbm>>
      %dma_start3A_34 = arith.constant 0 : i32
      %dma_start3A_35 = arith.constant 0 : i32
      %dma_start3A_36 = tpu.memref_slice %arg4[%add3A, %dma_start3A_34, %dma_start3A_35] : memref<32x79x128xi32, #tpu.memory_space<hbm>> -> memref<1x79x128xi32, #tpu.memory_space<hbm>>
      %dma_start3A_37 = tpu.memref_squeeze %dma_start3A_36 : memref<1x79x128xi32, #tpu.memory_space<hbm>> -> memref<79x128xi32, #tpu.memory_space<hbm>>
      tpu.enqueue_dma source(%dma_start3A_37 : memref<79x128xi32, #tpu.memory_space<hbm>>) target(%arg8 : memref<79x128xi32, #tpu.memory_space<vmem>>) target_semaphore(%run_scoped3A : memref<!tpu.dma_semaphore, #tpu.memory_space<semaphore_mem>>)
      %dma_wait3A = arith.constant 0 : i32
      %dma_wait3A_38 = arith.constant 0 : i32
      %dma_wait3A_39 = tpu.memref_slice %arg4[%add3A, %dma_wait3A, %dma_wait3A_38] : memref<32x79x128xi32, #tpu.memory_space<hbm>> -> memref<1x79x128xi32, #tpu.memory_space<hbm>>
      %dma_wait3A_40 = tpu.memref_squeeze %dma_wait3A_39 : memref<1x79x128xi32, #tpu.memory_space<hbm>> -> memref<79x128xi32, #tpu.memory_space<hbm>>
      %dma_wait3A_41 = arith.constant 0 : i32
      %dma_wait3A_42 = arith.constant 0 : i32
      %dma_wait3A_43 = tpu.memref_slice %arg4[%add3A, %dma_wait3A_41, %dma_wait3A_42] : memref<32x79x128xi32, #tpu.memory_space<hbm>> -> memref<1x79x128xi32, #tpu.memory_space<hbm>>
      %dma_wait3A_44 = tpu.memref_squeeze %dma_wait3A_43 : memref<1x79x128xi32, #tpu.memory_space<hbm>> -> memref<79x128xi32, #tpu.memory_space<hbm>>
      tpu.wait_dma2 semaphore(%run_scoped3A : memref<!tpu.dma_semaphore, #tpu.memory_space<semaphore_mem>>) src(%dma_wait3A_44 : memref<79x128xi32, #tpu.memory_space<hbm>>) dst(%arg8 : memref<79x128xi32, #tpu.memory_space<vmem>>)
      tpu.yield
    }) : () -> ()
    %barrier3A = arith.constant 0 : index
    tpu.barrier barrier_id(%barrier3A)
    %scan3A = arith.constant 0 : i32
    %scan3A_21 = arith.constant 0 : i32
    %scan3A_22 = arith.constant 79 : i32
    %scan3A_23 = arith.addi %scan3A_21, %scan3A_22 : i32
    %scan3A_24 = arith.constant 1 : i32
    scf.for %scan3A_31 = %scan3A_21 to %scan3A_23 step %scan3A_24  : i32 {
      %dma_start3A = arith.constant 0 : i32
      %dma_start3A_32 = tpu.memref_slice %arg7[%scan3A_31, %dma_start3A] : memref<79x128xi32, #tpu.memory_space<vmem>> -> memref<1x128xi32, #tpu.memory_space<vmem>>
      %dma_start3A_33 = tpu.memref_squeeze %dma_start3A_32 : memref<1x128xi32, #tpu.memory_space<vmem>> -> memref<128xi32, #tpu.memory_space<vmem>>
      %dma_start3A_34 = arith.constant 0 : i32
      %dma_start3A_35 = arith.constant 0 : i32
      %dma_start3A_36 = tpu.memref_slice %arg2[%dma_start3A_34, %dma_start3A_35] : memref<10000x128xf32, #tpu.memory_space<hbm>> -> memref<10000x128xf32, #tpu.memory_space<hbm>>
      tpu.enqueue_indirect_dma source(%dma_start3A_36 : memref<10000x128xf32, #tpu.memory_space<hbm>>) target(%arg9 : memref<128x128xf32, #tpu.memory_space<vmem>>) offsets(%dma_start3A_33 : memref<128xi32, #tpu.memory_space<vmem>>) semaphore(%arg10 : memref<!tpu.dma_semaphore, #tpu.memory_space<semaphore_mem>>)
      %dma_wait3A = arith.constant 0 : i32
      %dma_wait3A_37 = tpu.memref_slice %arg7[%scan3A_31, %dma_wait3A] : memref<79x128xi32, #tpu.memory_space<vmem>> -> memref<1x128xi32, #tpu.memory_space<vmem>>
      %dma_wait3A_38 = tpu.memref_squeeze %dma_wait3A_37 : memref<1x128xi32, #tpu.memory_space<vmem>> -> memref<128xi32, #tpu.memory_space<vmem>>
      %dma_wait3A_39 = arith.constant 0 : i32
      %dma_wait3A_40 = arith.constant 0 : i32
      %dma_wait3A_41 = tpu.memref_slice %arg2[%dma_wait3A_39, %dma_wait3A_40] : memref<10000x128xf32, #tpu.memory_space<hbm>> -> memref<10000x128xf32, #tpu.memory_space<hbm>>
      tpu.wait_indirect_dma semaphore(%arg10 : memref<!tpu.dma_semaphore, #tpu.memory_space<semaphore_mem>>) src(%dma_wait3A_41 : memref<10000x128xf32, #tpu.memory_space<hbm>>) dst(%arg9 : memref<128x128xf32, #tpu.memory_space<vmem>>)
      "tpu.region"() ({
        %run_scoped3A = tpu.sem_alloc : memref<!tpu.dma_semaphore, #tpu.memory_space<semaphore_mem>>
        %dma_start3A_42 = arith.constant 0 : i32
        %dma_start3A_43 = tpu.memref_slice %arg8[%scan3A_31, %dma_start3A_42] : memref<79x128xi32, #tpu.memory_space<vmem>> -> memref<1x128xi32, #tpu.memory_space<vmem>>
        %dma_start3A_44 = tpu.memref_squeeze %dma_start3A_43 : memref<1x128xi32, #tpu.memory_space<vmem>> -> memref<128xi32, #tpu.memory_space<vmem>>
        %dma_start3A_45 = arith.constant 0 : i32
        %dma_start3A_46 = arith.constant 0 : i32
        %dma_start3A_47 = tpu.memref_slice %arg11[%dma_start3A_45, %dma_start3A_46] : memref<10240x128xf32, #tpu.memory_space<vmem_shared>> -> memref<10240x128xf32, #tpu.memory_space<vmem_shared>>
        tpu.enqueue_indirect_dma source(%arg9 : memref<128x128xf32, #tpu.memory_space<vmem>>) target(%dma_start3A_47 : memref<10240x128xf32, #tpu.memory_space<vmem_shared>>) offsets(%dma_start3A_44 : memref<128xi32, #tpu.memory_space<vmem>>) semaphore(%run_scoped3A : memref<!tpu.dma_semaphore, #tpu.memory_space<semaphore_mem>>) {add = true}
        %dma_wait3A_48 = arith.constant 0 : i32
        %dma_wait3A_49 = tpu.memref_slice %arg8[%scan3A_31, %dma_wait3A_48] : memref<79x128xi32, #tpu.memory_space<vmem>> -> memref<1x128xi32, #tpu.memory_space<vmem>>
        %dma_wait3A_50 = tpu.memref_squeeze %dma_wait3A_49 : memref<1x128xi32, #tpu.memory_space<vmem>> -> memref<128xi32, #tpu.memory_space<vmem>>
        %dma_wait3A_51 = arith.constant 0 : i32
        %dma_wait3A_52 = arith.constant 0 : i32
        %dma_wait3A_53 = tpu.memref_slice %arg11[%dma_wait3A_51, %dma_wait3A_52] : memref<10240x128xf32, #tpu.memory_space<vmem_shared>> -> memref<10240x128xf32, #tpu.memory_space<vmem_shared>>
        tpu.wait_indirect_dma semaphore(%run_scoped3A : memref<!tpu.dma_semaphore, #tpu.memory_space<semaphore_mem>>) src(%arg9 : memref<128x128xf32, #tpu.memory_space<vmem>>) dst(%dma_wait3A_53 : memref<10240x128xf32, #tpu.memory_space<vmem_shared>>)
        tpu.yield
      }) : () -> ()
    }
    %scan3A_25 = arith.constant 79 : i32
    %barrier3A_26 = arith.constant 0 : index
    tpu.barrier barrier_id(%barrier3A_26)
    %mul3A_27 = arith.constant 640 : i32
    %mul3A_28 = arith.muli %arg1, %mul3A_27 : i32
    %mul3A_29 = arith.constant 640 : i32
    %mul3A_30 = arith.muli %arg1, %mul3A_29 : i32
    "tpu.region"() ({
      %run_scoped3A = tpu.sem_alloc : memref<!tpu.dma_semaphore, #tpu.memory_space<semaphore_mem>>
      %dma_start3A = arith.constant 0 : i32
      %dma_start3A_31 = tpu.memref_slice %arg6[%arg0, %mul3A_30, %dma_start3A] : memref<2x10240x128xf32, #tpu.memory_space<hbm>> -> memref<1x640x128xf32, #tpu.memory_space<hbm>>
      %dma_start3A_32 = tpu.memref_squeeze %dma_start3A_31 : memref<1x640x128xf32, #tpu.memory_space<hbm>> -> memref<640x128xf32, #tpu.memory_space<hbm>>
      %dma_start3A_33 = arith.constant 0 : i32
      %dma_start3A_34 = tpu.memref_slice %arg11[%mul3A_28, %dma_start3A_33] : memref<10240x128xf32, #tpu.memory_space<vmem_shared>> -> memref<640x128xf32, #tpu.memory_space<vmem_shared>>
      tpu.enqueue_dma source(%dma_start3A_34 : memref<640x128xf32, #tpu.memory_space<vmem_shared>>) target(%dma_start3A_32 : memref<640x128xf32, #tpu.memory_space<hbm>>) target_semaphore(%run_scoped3A : memref<!tpu.dma_semaphore, #tpu.memory_space<semaphore_mem>>)
      %dma_wait3A = arith.constant 0 : i32
      %dma_wait3A_35 = tpu.memref_slice %arg6[%arg0, %mul3A_30, %dma_wait3A] : memref<2x10240x128xf32, #tpu.memory_space<hbm>> -> memref<1x640x128xf32, #tpu.memory_space<hbm>>
      %dma_wait3A_36 = tpu.memref_squeeze %dma_wait3A_35 : memref<1x640x128xf32, #tpu.memory_space<hbm>> -> memref<640x128xf32, #tpu.memory_space<hbm>>
      %dma_wait3A_37 = arith.constant 0 : i32
      %dma_wait3A_38 = tpu.memref_slice %arg11[%mul3A_28, %dma_wait3A_37] : memref<10240x128xf32, #tpu.memory_space<vmem_shared>> -> memref<640x128xf32, #tpu.memory_space<vmem_shared>>
      tpu.wait_dma2 semaphore(%run_scoped3A : memref<!tpu.dma_semaphore, #tpu.memory_space<semaphore_mem>>) src(%dma_wait3A_38 : memref<640x128xf32, #tpu.memory_space<vmem_shared>>) dst(%dma_wait3A_36 : memref<640x128xf32, #tpu.memory_space<hbm>>)
      tpu.yield
    }) : () -> ()
    return
  }
}

#map = affine_map<(d0, d1) -> (0, 0)>
#map1 = affine_map<(d0, d1) -> (0, 0, 0)>
module attributes {stable_mosaic.version = 14 : i64} {
  func.func @_sc_agg_body(%arg0: i32, %arg1: i32, %arg2: memref<10000x128xf32, #tpu.memory_space<hbm>>, %arg3: memref<32x79x128xi32, #tpu.memory_space<hbm>>, %arg4: memref<32x79x128xi32, #tpu.memory_space<hbm>>, %arg5: memref<128x128xf32, #tpu.memory_space<hbm>>, %arg6: memref<2x10240x128xf32, #tpu.memory_space<hbm>>, %arg7: memref<79x128xi32, #tpu.memory_space<vmem>>, %arg8: memref<79x128xi32, #tpu.memory_space<vmem>>, %arg9: memref<128x128xf32, #tpu.memory_space<vmem>>, %arg10: memref<!tpu.dma_semaphore, #tpu.memory_space<semaphore_mem>>, %arg11: memref<10240x128xf32, #tpu.memory_space<vmem_shared>>) attributes {dimension_semantics = [#tpu.dimension_semantics<core_parallel>, #tpu.dimension_semantics<subcore_parallel>], iteration_bounds = array<i64: 2, 16>, scalar_prefetch = 0 : i64, scratch_operands = 5 : i64, tpu.core_type = #tpu.core_type<sc_vector_subcore>, window_params = [{transform_indices = #map}, {transform_indices = #map1}, {transform_indices = #map1}, {transform_indices = #map}, {transform_indices = #map1}]} {
    %mul3A = arith.constant 16 : i32
    %mul3A_0 = arith.muli %arg0, %mul3A : i32
    %add3A = arith.addi %mul3A_0, %arg1 : i32
    %mul3A_1 = arith.constant 640 : i32
    %mul3A_2 = arith.muli %arg1, %mul3A_1 : i32
    %add3A_3 = arith.constant 0 : i32
    %add3A_4 = arith.addi %mul3A_2, %add3A_3 : i32
    "tpu.region"() ({
      %run_scoped3A = tpu.sem_alloc : memref<!tpu.dma_semaphore, #tpu.memory_space<semaphore_mem>>
      %dma_start3A = arith.constant 0 : i32
      %dma_start3A_31 = tpu.memref_slice %arg11[%add3A_4, %dma_start3A] : memref<10240x128xf32, #tpu.memory_space<vmem_shared>> -> memref<128x128xf32, #tpu.memory_space<vmem_shared>>
      tpu.enqueue_dma source(%arg5 : memref<128x128xf32, #tpu.memory_space<hbm>>) target(%dma_start3A_31 : memref<128x128xf32, #tpu.memory_space<vmem_shared>>) target_semaphore(%run_scoped3A : memref<!tpu.dma_semaphore, #tpu.memory_space<semaphore_mem>>)
      %dma_wait3A = arith.constant 0 : i32
      %dma_wait3A_32 = tpu.memref_slice %arg11[%add3A_4, %dma_wait3A] : memref<10240x128xf32, #tpu.memory_space<vmem_shared>> -> memref<128x128xf32, #tpu.memory_space<vmem_shared>>
      tpu.wait_dma2 semaphore(%run_scoped3A : memref<!tpu.dma_semaphore, #tpu.memory_space<semaphore_mem>>) src(%arg5 : memref<128x128xf32, #tpu.memory_space<hbm>>) dst(%dma_wait3A_32 : memref<128x128xf32, #tpu.memory_space<vmem_shared>>)
      tpu.yield
    }) : () -> ()
    %mul3A_5 = arith.constant 640 : i32
    %mul3A_6 = arith.muli %arg1, %mul3A_5 : i32
    %add3A_7 = arith.constant 128 : i32
    %add3A_8 = arith.addi %mul3A_6, %add3A_7 : i32
    "tpu.region"() ({
      %run_scoped3A = tpu.sem_alloc : memref<!tpu.dma_semaphore, #tpu.memory_space<semaphore_mem>>
      %dma_start3A = arith.constant 0 : i32
      %dma_start3A_31 = tpu.memref_slice %arg11[%add3A_8, %dma_start3A] : memref<10240x128xf32, #tpu.memory_space<vmem_shared>> -> memref<128x128xf32, #tpu.memory_space<vmem_shared>>
      tpu.enqueue_dma source(%arg5 : memref<128x128xf32, #tpu.memory_space<hbm>>) target(%dma_start3A_31 : memref<128x128xf32, #tpu.memory_space<vmem_shared>>) target_semaphore(%run_scoped3A : memref<!tpu.dma_semaphore, #tpu.memory_space<semaphore_mem>>)
      %dma_wait3A = arith.constant 0 : i32
      %dma_wait3A_32 = tpu.memref_slice %arg11[%add3A_8, %dma_wait3A] : memref<10240x128xf32, #tpu.memory_space<vmem_shared>> -> memref<128x128xf32, #tpu.memory_space<vmem_shared>>
      tpu.wait_dma2 semaphore(%run_scoped3A : memref<!tpu.dma_semaphore, #tpu.memory_space<semaphore_mem>>) src(%arg5 : memref<128x128xf32, #tpu.memory_space<hbm>>) dst(%dma_wait3A_32 : memref<128x128xf32, #tpu.memory_space<vmem_shared>>)
      tpu.yield
    }) : () -> ()
    %mul3A_9 = arith.constant 640 : i32
    %mul3A_10 = arith.muli %arg1, %mul3A_9 : i32
    %add3A_11 = arith.constant 256 : i32
    %add3A_12 = arith.addi %mul3A_10, %add3A_11 : i32
    "tpu.region"() ({
      %run_scoped3A = tpu.sem_alloc : memref<!tpu.dma_semaphore, #tpu.memory_space<semaphore_mem>>
      %dma_start3A = arith.constant 0 : i32
      %dma_start3A_31 = tpu.memref_slice %arg11[%add3A_12, %dma_start3A] : memref<10240x128xf32, #tpu.memory_space<vmem_shared>> -> memref<128x128xf32, #tpu.memory_space<vmem_shared>>
      tpu.enqueue_dma source(%arg5 : memref<128x128xf32, #tpu.memory_space<hbm>>) target(%dma_start3A_31 : memref<128x128xf32, #tpu.memory_space<vmem_shared>>) target_semaphore(%run_scoped3A : memref<!tpu.dma_semaphore, #tpu.memory_space<semaphore_mem>>)
      %dma_wait3A = arith.constant 0 : i32
      %dma_wait3A_32 = tpu.memref_slice %arg11[%add3A_12, %dma_wait3A] : memref<10240x128xf32, #tpu.memory_space<vmem_shared>> -> memref<128x128xf32, #tpu.memory_space<vmem_shared>>
      tpu.wait_dma2 semaphore(%run_scoped3A : memref<!tpu.dma_semaphore, #tpu.memory_space<semaphore_mem>>) src(%arg5 : memref<128x128xf32, #tpu.memory_space<hbm>>) dst(%dma_wait3A_32 : memref<128x128xf32, #tpu.memory_space<vmem_shared>>)
      tpu.yield
    }) : () -> ()
    %mul3A_13 = arith.constant 640 : i32
    %mul3A_14 = arith.muli %arg1, %mul3A_13 : i32
    %add3A_15 = arith.constant 384 : i32
    %add3A_16 = arith.addi %mul3A_14, %add3A_15 : i32
    "tpu.region"() ({
      %run_scoped3A = tpu.sem_alloc : memref<!tpu.dma_semaphore, #tpu.memory_space<semaphore_mem>>
      %dma_start3A = arith.constant 0 : i32
      %dma_start3A_31 = tpu.memref_slice %arg11[%add3A_16, %dma_start3A] : memref<10240x128xf32, #tpu.memory_space<vmem_shared>> -> memref<128x128xf32, #tpu.memory_space<vmem_shared>>
      tpu.enqueue_dma source(%arg5 : memref<128x128xf32, #tpu.memory_space<hbm>>) target(%dma_start3A_31 : memref<128x128xf32, #tpu.memory_space<vmem_shared>>) target_semaphore(%run_scoped3A : memref<!tpu.dma_semaphore, #tpu.memory_space<semaphore_mem>>)
      %dma_wait3A = arith.constant 0 : i32
      %dma_wait3A_32 = tpu.memref_slice %arg11[%add3A_16, %dma_wait3A] : memref<10240x128xf32, #tpu.memory_space<vmem_shared>> -> memref<128x128xf32, #tpu.memory_space<vmem_shared>>
      tpu.wait_dma2 semaphore(%run_scoped3A : memref<!tpu.dma_semaphore, #tpu.memory_space<semaphore_mem>>) src(%arg5 : memref<128x128xf32, #tpu.memory_space<hbm>>) dst(%dma_wait3A_32 : memref<128x128xf32, #tpu.memory_space<vmem_shared>>)
      tpu.yield
    }) : () -> ()
    %mul3A_17 = arith.constant 640 : i32
    %mul3A_18 = arith.muli %arg1, %mul3A_17 : i32
    %add3A_19 = arith.constant 512 : i32
    %add3A_20 = arith.addi %mul3A_18, %add3A_19 : i32
    "tpu.region"() ({
      %run_scoped3A = tpu.sem_alloc : memref<!tpu.dma_semaphore, #tpu.memory_space<semaphore_mem>>
      %dma_start3A = arith.constant 0 : i32
      %dma_start3A_31 = tpu.memref_slice %arg11[%add3A_20, %dma_start3A] : memref<10240x128xf32, #tpu.memory_space<vmem_shared>> -> memref<128x128xf32, #tpu.memory_space<vmem_shared>>
      tpu.enqueue_dma source(%arg5 : memref<128x128xf32, #tpu.memory_space<hbm>>) target(%dma_start3A_31 : memref<128x128xf32, #tpu.memory_space<vmem_shared>>) target_semaphore(%run_scoped3A : memref<!tpu.dma_semaphore, #tpu.memory_space<semaphore_mem>>)
      %dma_wait3A = arith.constant 0 : i32
      %dma_wait3A_32 = tpu.memref_slice %arg11[%add3A_20, %dma_wait3A] : memref<10240x128xf32, #tpu.memory_space<vmem_shared>> -> memref<128x128xf32, #tpu.memory_space<vmem_shared>>
      tpu.wait_dma2 semaphore(%run_scoped3A : memref<!tpu.dma_semaphore, #tpu.memory_space<semaphore_mem>>) src(%arg5 : memref<128x128xf32, #tpu.memory_space<hbm>>) dst(%dma_wait3A_32 : memref<128x128xf32, #tpu.memory_space<vmem_shared>>)
      tpu.yield
    }) : () -> ()
    "tpu.region"() ({
      %run_scoped3A = tpu.sem_alloc : memref<!tpu.dma_semaphore, #tpu.memory_space<semaphore_mem>>
      %dma_start3A = arith.constant 0 : i32
      %dma_start3A_31 = arith.constant 0 : i32
      %dma_start3A_32 = tpu.memref_slice %arg3[%add3A, %dma_start3A, %dma_start3A_31] : memref<32x79x128xi32, #tpu.memory_space<hbm>> -> memref<1x79x128xi32, #tpu.memory_space<hbm>>
      %dma_start3A_33 = tpu.memref_squeeze %dma_start3A_32 : memref<1x79x128xi32, #tpu.memory_space<hbm>> -> memref<79x128xi32, #tpu.memory_space<hbm>>
      %dma_start3A_34 = arith.constant 0 : i32
      %dma_start3A_35 = arith.constant 0 : i32
      %dma_start3A_36 = tpu.memref_slice %arg3[%add3A, %dma_start3A_34, %dma_start3A_35] : memref<32x79x128xi32, #tpu.memory_space<hbm>> -> memref<1x79x128xi32, #tpu.memory_space<hbm>>
      %dma_start3A_37 = tpu.memref_squeeze %dma_start3A_36 : memref<1x79x128xi32, #tpu.memory_space<hbm>> -> memref<79x128xi32, #tpu.memory_space<hbm>>
      tpu.enqueue_dma source(%dma_start3A_37 : memref<79x128xi32, #tpu.memory_space<hbm>>) target(%arg7 : memref<79x128xi32, #tpu.memory_space<vmem>>) target_semaphore(%run_scoped3A : memref<!tpu.dma_semaphore, #tpu.memory_space<semaphore_mem>>)
      %dma_wait3A = arith.constant 0 : i32
      %dma_wait3A_38 = arith.constant 0 : i32
      %dma_wait3A_39 = tpu.memref_slice %arg3[%add3A, %dma_wait3A, %dma_wait3A_38] : memref<32x79x128xi32, #tpu.memory_space<hbm>> -> memref<1x79x128xi32, #tpu.memory_space<hbm>>
      %dma_wait3A_40 = tpu.memref_squeeze %dma_wait3A_39 : memref<1x79x128xi32, #tpu.memory_space<hbm>> -> memref<79x128xi32, #tpu.memory_space<hbm>>
      %dma_wait3A_41 = arith.constant 0 : i32
      %dma_wait3A_42 = arith.constant 0 : i32
      %dma_wait3A_43 = tpu.memref_slice %arg3[%add3A, %dma_wait3A_41, %dma_wait3A_42] : memref<32x79x128xi32, #tpu.memory_space<hbm>> -> memref<1x79x128xi32, #tpu.memory_space<hbm>>
      %dma_wait3A_44 = tpu.memref_squeeze %dma_wait3A_43 : memref<1x79x128xi32, #tpu.memory_space<hbm>> -> memref<79x128xi32, #tpu.memory_space<hbm>>
      tpu.wait_dma2 semaphore(%run_scoped3A : memref<!tpu.dma_semaphore, #tpu.memory_space<semaphore_mem>>) src(%dma_wait3A_44 : memref<79x128xi32, #tpu.memory_space<hbm>>) dst(%arg7 : memref<79x128xi32, #tpu.memory_space<vmem>>)
      tpu.yield
    }) : () -> ()
    "tpu.region"() ({
      %run_scoped3A = tpu.sem_alloc : memref<!tpu.dma_semaphore, #tpu.memory_space<semaphore_mem>>
      %dma_start3A = arith.constant 0 : i32
      %dma_start3A_31 = arith.constant 0 : i32
      %dma_start3A_32 = tpu.memref_slice %arg4[%add3A, %dma_start3A, %dma_start3A_31] : memref<32x79x128xi32, #tpu.memory_space<hbm>> -> memref<1x79x128xi32, #tpu.memory_space<hbm>>
      %dma_start3A_33 = tpu.memref_squeeze %dma_start3A_32 : memref<1x79x128xi32, #tpu.memory_space<hbm>> -> memref<79x128xi32, #tpu.memory_space<hbm>>
      %dma_start3A_34 = arith.constant 0 : i32
      %dma_start3A_35 = arith.constant 0 : i32
      %dma_start3A_36 = tpu.memref_slice %arg4[%add3A, %dma_start3A_34, %dma_start3A_35] : memref<32x79x128xi32, #tpu.memory_space<hbm>> -> memref<1x79x128xi32, #tpu.memory_space<hbm>>
      %dma_start3A_37 = tpu.memref_squeeze %dma_start3A_36 : memref<1x79x128xi32, #tpu.memory_space<hbm>> -> memref<79x128xi32, #tpu.memory_space<hbm>>
      tpu.enqueue_dma source(%dma_start3A_37 : memref<79x128xi32, #tpu.memory_space<hbm>>) target(%arg8 : memref<79x128xi32, #tpu.memory_space<vmem>>) target_semaphore(%run_scoped3A : memref<!tpu.dma_semaphore, #tpu.memory_space<semaphore_mem>>)
      %dma_wait3A = arith.constant 0 : i32
      %dma_wait3A_38 = arith.constant 0 : i32
      %dma_wait3A_39 = tpu.memref_slice %arg4[%add3A, %dma_wait3A, %dma_wait3A_38] : memref<32x79x128xi32, #tpu.memory_space<hbm>> -> memref<1x79x128xi32, #tpu.memory_space<hbm>>
      %dma_wait3A_40 = tpu.memref_squeeze %dma_wait3A_39 : memref<1x79x128xi32, #tpu.memory_space<hbm>> -> memref<79x128xi32, #tpu.memory_space<hbm>>
      %dma_wait3A_41 = arith.constant 0 : i32
      %dma_wait3A_42 = arith.constant 0 : i32
      %dma_wait3A_43 = tpu.memref_slice %arg4[%add3A, %dma_wait3A_41, %dma_wait3A_42] : memref<32x79x128xi32, #tpu.memory_space<hbm>> -> memref<1x79x128xi32, #tpu.memory_space<hbm>>
      %dma_wait3A_44 = tpu.memref_squeeze %dma_wait3A_43 : memref<1x79x128xi32, #tpu.memory_space<hbm>> -> memref<79x128xi32, #tpu.memory_space<hbm>>
      tpu.wait_dma2 semaphore(%run_scoped3A : memref<!tpu.dma_semaphore, #tpu.memory_space<semaphore_mem>>) src(%dma_wait3A_44 : memref<79x128xi32, #tpu.memory_space<hbm>>) dst(%arg8 : memref<79x128xi32, #tpu.memory_space<vmem>>)
      tpu.yield
    }) : () -> ()
    %barrier3A = arith.constant 0 : index
    tpu.barrier barrier_id(%barrier3A)
    %scan3A = arith.constant 0 : i32
    %scan3A_21 = arith.constant 0 : i32
    %scan3A_22 = arith.constant 79 : i32
    %scan3A_23 = arith.addi %scan3A_21, %scan3A_22 : i32
    %scan3A_24 = arith.constant 1 : i32
    scf.for %scan3A_31 = %scan3A_21 to %scan3A_23 step %scan3A_24  : i32 {
      %dma_start3A = arith.constant 0 : i32
      %dma_start3A_32 = tpu.memref_slice %arg7[%scan3A_31, %dma_start3A] : memref<79x128xi32, #tpu.memory_space<vmem>> -> memref<1x128xi32, #tpu.memory_space<vmem>>
      %dma_start3A_33 = tpu.memref_squeeze %dma_start3A_32 : memref<1x128xi32, #tpu.memory_space<vmem>> -> memref<128xi32, #tpu.memory_space<vmem>>
      %dma_start3A_34 = arith.constant 0 : i32
      %dma_start3A_35 = arith.constant 0 : i32
      %dma_start3A_36 = tpu.memref_slice %arg2[%dma_start3A_34, %dma_start3A_35] : memref<10000x128xf32, #tpu.memory_space<hbm>> -> memref<10000x128xf32, #tpu.memory_space<hbm>>
      tpu.enqueue_indirect_dma source(%dma_start3A_36 : memref<10000x128xf32, #tpu.memory_space<hbm>>) target(%arg9 : memref<128x128xf32, #tpu.memory_space<vmem>>) offsets(%dma_start3A_33 : memref<128xi32, #tpu.memory_space<vmem>>) semaphore(%arg10 : memref<!tpu.dma_semaphore, #tpu.memory_space<semaphore_mem>>)
      %dma_wait3A = arith.constant 0 : i32
      %dma_wait3A_37 = tpu.memref_slice %arg7[%scan3A_31, %dma_wait3A] : memref<79x128xi32, #tpu.memory_space<vmem>> -> memref<1x128xi32, #tpu.memory_space<vmem>>
      %dma_wait3A_38 = tpu.memref_squeeze %dma_wait3A_37 : memref<1x128xi32, #tpu.memory_space<vmem>> -> memref<128xi32, #tpu.memory_space<vmem>>
      %dma_wait3A_39 = arith.constant 0 : i32
      %dma_wait3A_40 = arith.constant 0 : i32
      %dma_wait3A_41 = tpu.memref_slice %arg2[%dma_wait3A_39, %dma_wait3A_40] : memref<10000x128xf32, #tpu.memory_space<hbm>> -> memref<10000x128xf32, #tpu.memory_space<hbm>>
      tpu.wait_indirect_dma semaphore(%arg10 : memref<!tpu.dma_semaphore, #tpu.memory_space<semaphore_mem>>) src(%dma_wait3A_41 : memref<10000x128xf32, #tpu.memory_space<hbm>>) dst(%arg9 : memref<128x128xf32, #tpu.memory_space<vmem>>)
      "tpu.region"() ({
        %run_scoped3A = tpu.sem_alloc : memref<!tpu.dma_semaphore, #tpu.memory_space<semaphore_mem>>
        %dma_start3A_42 = arith.constant 0 : i32
        %dma_start3A_43 = tpu.memref_slice %arg8[%scan3A_31, %dma_start3A_42] : memref<79x128xi32, #tpu.memory_space<vmem>> -> memref<1x128xi32, #tpu.memory_space<vmem>>
        %dma_start3A_44 = tpu.memref_squeeze %dma_start3A_43 : memref<1x128xi32, #tpu.memory_space<vmem>> -> memref<128xi32, #tpu.memory_space<vmem>>
        %dma_start3A_45 = arith.constant 0 : i32
        %dma_start3A_46 = arith.constant 0 : i32
        %dma_start3A_47 = tpu.memref_slice %arg11[%dma_start3A_45, %dma_start3A_46] : memref<10240x128xf32, #tpu.memory_space<vmem_shared>> -> memref<10240x128xf32, #tpu.memory_space<vmem_shared>>
        tpu.enqueue_indirect_dma source(%arg9 : memref<128x128xf32, #tpu.memory_space<vmem>>) target(%dma_start3A_47 : memref<10240x128xf32, #tpu.memory_space<vmem_shared>>) offsets(%dma_start3A_44 : memref<128xi32, #tpu.memory_space<vmem>>) semaphore(%run_scoped3A : memref<!tpu.dma_semaphore, #tpu.memory_space<semaphore_mem>>) {add = true}
        %dma_wait3A_48 = arith.constant 0 : i32
        %dma_wait3A_49 = tpu.memref_slice %arg8[%scan3A_31, %dma_wait3A_48] : memref<79x128xi32, #tpu.memory_space<vmem>> -> memref<1x128xi32, #tpu.memory_space<vmem>>
        %dma_wait3A_50 = tpu.memref_squeeze %dma_wait3A_49 : memref<1x128xi32, #tpu.memory_space<vmem>> -> memref<128xi32, #tpu.memory_space<vmem>>
        %dma_wait3A_51 = arith.constant 0 : i32
        %dma_wait3A_52 = arith.constant 0 : i32
        %dma_wait3A_53 = tpu.memref_slice %arg11[%dma_wait3A_51, %dma_wait3A_52] : memref<10240x128xf32, #tpu.memory_space<vmem_shared>> -> memref<10240x128xf32, #tpu.memory_space<vmem_shared>>
        tpu.wait_indirect_dma semaphore(%run_scoped3A : memref<!tpu.dma_semaphore, #tpu.memory_space<semaphore_mem>>) src(%arg9 : memref<128x128xf32, #tpu.memory_space<vmem>>) dst(%dma_wait3A_53 : memref<10240x128xf32, #tpu.memory_space<vmem_shared>>)
        tpu.yield
      }) : () -> ()
    }
    %scan3A_25 = arith.constant 79 : i32
    %barrier3A_26 = arith.constant 0 : index
    tpu.barrier barrier_id(%barrier3A_26)
    %mul3A_27 = arith.constant 640 : i32
    %mul3A_28 = arith.muli %arg1, %mul3A_27 : i32
    %mul3A_29 = arith.constant 640 : i32
    %mul3A_30 = arith.muli %arg1, %mul3A_29 : i32
    "tpu.region"() ({
      %run_scoped3A = tpu.sem_alloc : memref<!tpu.dma_semaphore, #tpu.memory_space<semaphore_mem>>
      %dma_start3A = arith.constant 0 : i32
      %dma_start3A_31 = tpu.memref_slice %arg6[%arg0, %mul3A_30, %dma_start3A] : memref<2x10240x128xf32, #tpu.memory_space<hbm>> -> memref<1x640x128xf32, #tpu.memory_space<hbm>>
      %dma_start3A_32 = tpu.memref_squeeze %dma_start3A_31 : memref<1x640x128xf32, #tpu.memory_space<hbm>> -> memref<640x128xf32, #tpu.memory_space<hbm>>
      %dma_start3A_33 = arith.constant 0 : i32
      %dma_start3A_34 = tpu.memref_slice %arg11[%mul3A_28, %dma_start3A_33] : memref<10240x128xf32, #tpu.memory_space<vmem_shared>> -> memref<640x128xf32, #tpu.memory_space<vmem_shared>>
      tpu.enqueue_dma source(%dma_start3A_34 : memref<640x128xf32, #tpu.memory_space<vmem_shared>>) target(%dma_start3A_32 : memref<640x128xf32, #tpu.memory_space<hbm>>) target_semaphore(%run_scoped3A : memref<!tpu.dma_semaphore, #tpu.memory_space<semaphore_mem>>)
      %dma_wait3A = arith.constant 0 : i32
      %dma_wait3A_35 = tpu.memref_slice %arg6[%arg0, %mul3A_30, %dma_wait3A] : memref<2x10240x128xf32, #tpu.memory_space<hbm>> -> memref<1x640x128xf32, #tpu.memory_space<hbm>>
      %dma_wait3A_36 = tpu.memref_squeeze %dma_wait3A_35 : memref<1x640x128xf32, #tpu.memory_space<hbm>> -> memref<640x128xf32, #tpu.memory_space<hbm>>
      %dma_wait3A_37 = arith.constant 0 : i32
      %dma_wait3A_38 = tpu.memref_slice %arg11[%mul3A_28, %dma_wait3A_37] : memref<10240x128xf32, #tpu.memory_space<vmem_shared>> -> memref<640x128xf32, #tpu.memory_space<vmem_shared>>
      tpu.wait_dma2 semaphore(%run_scoped3A : memref<!tpu.dma_semaphore, #tpu.memory_space<semaphore_mem>>) src(%dma_wait3A_38 : memref<640x128xf32, #tpu.memory_space<vmem_shared>>) dst(%dma_wait3A_36 : memref<640x128xf32, #tpu.memory_space<hbm>>)
      tpu.yield
    }) : () -> ()
    return
  }
}

module attributes {stable_mosaic.version = 14 : i64} {
  func.func @_mlp_body(%arg0: memref<2x10240x128xf32, #tpu.memory_space<vmem>>, %arg1: memref<10000x128xf32, #tpu.memory_space<vmem>>, %arg2: memref<10000x1xi32, #tpu.memory_space<vmem>>, %arg3: memref<1x1xf32, #tpu.memory_space<vmem>>, %arg4: memref<128x128xf32, #tpu.memory_space<vmem>>, %arg5: memref<1x128xf32, #tpu.memory_space<vmem>>, %arg6: memref<1x128xf32, #tpu.memory_space<vmem>>, %arg7: memref<1x128xf32, #tpu.memory_space<vmem>>, %arg8: memref<128x128xf32, #tpu.memory_space<vmem>>, %arg9: memref<1x128xf32, #tpu.memory_space<vmem>>, %arg10: memref<1x128xf32, #tpu.memory_space<vmem>>, %arg11: memref<1x128xf32, #tpu.memory_space<vmem>>, %arg12: memref<10000x128xf32, #tpu.memory_space<vmem>>, %arg13: memref<128x128xf32, #tpu.memory_space<vmem>>, %arg14: memref<128x128xf32, #tpu.memory_space<vmem>>) attributes {dimension_semantics = [], scalar_prefetch = 0 : i64, scratch_operands = 0 : i64, tpu.core_type = #tpu.core_type<tc>} {
    %get3A = arith.constant 0 : index
    %get3A_0 = arith.constant 0 : index
    %get3A_1 = vector.load %arg1[%get3A, %get3A_0] : memref<10000x128xf32, #tpu.memory_space<vmem>>, vector<10000x128xf32>
    %get3A_2 = arith.constant 0 : index
    %get3A_3 = arith.constant 0 : index
    %get3A_4 = arith.constant 0 : index
    %get3A_5 = vector.load %arg0[%get3A_2, %get3A_3, %get3A_4] : memref<2x10240x128xf32, #tpu.memory_space<vmem>>, vector<1x10000x128xf32>
    %get3A_6 = vector.shape_cast %get3A_5 : vector<1x10000x128xf32> to vector<10000x128xf32>
    %get3A_7 = arith.constant 1 : index
    %get3A_8 = arith.constant 0 : index
    %get3A_9 = arith.constant 0 : index
    %get3A_10 = vector.load %arg0[%get3A_7, %get3A_8, %get3A_9] : memref<2x10240x128xf32, #tpu.memory_space<vmem>>, vector<1x10000x128xf32>
    %get3A_11 = vector.shape_cast %get3A_10 : vector<1x10000x128xf32> to vector<10000x128xf32>
    %add3A = arith.addf %get3A_6, %get3A_11 : vector<10000x128xf32>
    %get3A_12 = arith.constant 0 : index
    %get3A_13 = arith.constant 0 : index
    %get3A_14 = vector.load %arg3[%get3A_12, %get3A_13] : memref<1x1xf32, #tpu.memory_space<vmem>>, vector<1x1xf32>
    %get3A_15 = vector.extract %get3A_14[0, 0] : f32 from vector<1x1xf32>
    %mul3A = vector.broadcast %get3A_15 : f32 to vector<10000x128xf32>
    %mul3A_16 = arith.mulf %mul3A, %get3A_1 : vector<10000x128xf32>
    %add3A_17 = arith.addf %add3A, %mul3A_16 : vector<10000x128xf32>
    %get3A_18 = arith.constant 0 : index
    %get3A_19 = arith.constant 0 : index
    %get3A_20 = vector.load %arg4[%get3A_18, %get3A_19] : memref<128x128xf32, #tpu.memory_space<vmem>>, vector<128x128xf32>
    %dot_general3A = arith.constant dense<0.000000e+00> : vector<10000x128xf32>
    %dot_general3A_21 = tpu.matmul %add3A_17, %get3A_20, %dot_general3A {dimension_numbers = #tpu.dot_dimension_numbers<[1], [0], [0], [1], [0, 0, 1, 1], [], []>, precision = #tpu.contract_precision<fp32>, transpose_lhs_hint = false} : vector<10000x128xf32>, vector<128x128xf32>, vector<10000x128xf32> -> vector<10000x128xf32>
    %get3A_22 = arith.constant 0 : index
    %get3A_23 = arith.constant 0 : index
    %get3A_24 = vector.load %arg5[%get3A_22, %get3A_23] : memref<1x128xf32, #tpu.memory_space<vmem>>, vector<1x128xf32>
    %add3A_25 = vector.broadcast %get3A_24 : vector<1x128xf32> to vector<10000x128xf32>
    %add3A_26 = arith.addf %dot_general3A_21, %add3A_25 : vector<10000x128xf32>
    %get3A_27 = arith.constant 0 : index
    %get3A_28 = arith.constant 0 : index
    %get3A_29 = vector.load %arg6[%get3A_27, %get3A_28] : memref<1x128xf32, #tpu.memory_space<vmem>>, vector<1x128xf32>
    %get3A_30 = arith.constant 0 : index
    %get3A_31 = arith.constant 0 : index
    %get3A_32 = vector.load %arg7[%get3A_30, %get3A_31] : memref<1x128xf32, #tpu.memory_space<vmem>>, vector<1x128xf32>
    %reduce_sum3A = arith.constant dense<0.000000e+00> : vector<128xf32>
    %reduce_sum3A_33 = vector.multi_reduction <add>, %add3A_26, %reduce_sum3A [0] : vector<10000x128xf32> to vector<128xf32>
    %div3A = arith.constant 1.000000e+04 : f32
    %div3A_34 = vector.broadcast %div3A : f32 to vector<128xf32>
    %div3A_35 = arith.divf %reduce_sum3A_33, %div3A_34 : vector<128xf32>
    %jit3A = arith.constant 0 : i32
    %reduce_sum3A_36 = arith.constant dense<0.000000e+00> : vector<128xf32>
    %reduce_sum3A_37 = vector.multi_reduction <add>, %add3A_26, %reduce_sum3A_36 [0] : vector<10000x128xf32> to vector<128xf32>
    %broadcast_in_dim3A = vector.shape_cast %reduce_sum3A_37 : vector<128xf32> to vector<1x128xf32>
    %div3A_38 = arith.constant 1.000000e+04 : f32
    %div3A_39 = vector.broadcast %div3A_38 : f32 to vector<1x128xf32>
    %div3A_40 = arith.divf %broadcast_in_dim3A, %div3A_39 : vector<1x128xf32>
    %sub3A = vector.broadcast %div3A_40 : vector<1x128xf32> to vector<10000x128xf32>
    %sub3A_41 = arith.subf %add3A_26, %sub3A : vector<10000x128xf32>
    %square3A = arith.mulf %sub3A_41, %sub3A_41 : vector<10000x128xf32>
    %convert_element_type3A = arith.sitofp %jit3A : i32 to f32
    %sub3A_42 = arith.constant 1.000000e+04 : f32
    %sub3A_43 = arith.subf %sub3A_42, %convert_element_type3A : f32
    %reduce_sum3A_44 = arith.constant dense<0.000000e+00> : vector<128xf32>
    %reduce_sum3A_45 = vector.multi_reduction <add>, %square3A, %reduce_sum3A_44 [0] : vector<10000x128xf32> to vector<128xf32>
    %div3A_46 = vector.broadcast %sub3A_43 : f32 to vector<128xf32>
    %div3A_47 = arith.divf %reduce_sum3A_45, %div3A_46 : vector<128xf32>
    %gt3A = arith.constant 0.000000e+00 : f32
    %gt3A_48 = arith.cmpf ogt, %sub3A_43, %gt3A : f32
    %jit3A_49 = arith.constant 0x7FC00000 : f32
    %broadcast_in_dim3A_50 = vector.broadcast %jit3A_49 : f32 to vector<128xf32>
    %select_n3A = arith.select %gt3A_48, %div3A_47, %broadcast_in_dim3A_50 : vector<128xf32>
    %broadcast_in_dim3A_51 = vector.shape_cast %div3A_35 : vector<128xf32> to vector<1x128xf32>
    %sub3A_52 = vector.broadcast %broadcast_in_dim3A_51 : vector<1x128xf32> to vector<10000x128xf32>
    %sub3A_53 = arith.subf %add3A_26, %sub3A_52 : vector<10000x128xf32>
    %add3A_54 = arith.constant 9.99999974E-6 : f32
    %add3A_55 = vector.broadcast %add3A_54 : f32 to vector<128xf32>
    %add3A_56 = arith.addf %select_n3A, %add3A_55 : vector<128xf32>
    %sqrt3A = math.sqrt %add3A_56 : vector<128xf32>
    %broadcast_in_dim3A_57 = vector.shape_cast %sqrt3A : vector<128xf32> to vector<1x128xf32>
    %div3A_58 = vector.broadcast %broadcast_in_dim3A_57 : vector<1x128xf32> to vector<10000x128xf32>
    %div3A_59 = arith.divf %sub3A_53, %div3A_58 : vector<10000x128xf32>
    %mul3A_60 = vector.broadcast %get3A_29 : vector<1x128xf32> to vector<10000x128xf32>
    %mul3A_61 = arith.mulf %div3A_59, %mul3A_60 : vector<10000x128xf32>
    %add3A_62 = vector.broadcast %get3A_32 : vector<1x128xf32> to vector<10000x128xf32>
    %add3A_63 = arith.addf %mul3A_61, %add3A_62 : vector<10000x128xf32>
    %max3A = arith.constant 0.000000e+00 : f32
    %max3A_64 = vector.broadcast %max3A : f32 to vector<10000x128xf32>
    %max3A_65 = arith.maximumf %add3A_63, %max3A_64 : vector<10000x128xf32>
    %get3A_66 = arith.constant 0 : index
    %get3A_67 = arith.constant 0 : index
    %get3A_68 = vector.load %arg8[%get3A_66, %get3A_67] : memref<128x128xf32, #tpu.memory_space<vmem>>, vector<128x128xf32>
    %dot_general3A_69 = arith.constant dense<0.000000e+00> : vector<10000x128xf32>
    %dot_general3A_70 = tpu.matmul %max3A_65, %get3A_68, %dot_general3A_69 {dimension_numbers = #tpu.dot_dimension_numbers<[1], [0], [0], [1], [0, 0, 1, 1], [], []>, precision = #tpu.contract_precision<fp32>, transpose_lhs_hint = false} : vector<10000x128xf32>, vector<128x128xf32>, vector<10000x128xf32> -> vector<10000x128xf32>
    %get3A_71 = arith.constant 0 : index
    %get3A_72 = arith.constant 0 : index
    %get3A_73 = vector.load %arg9[%get3A_71, %get3A_72] : memref<1x128xf32, #tpu.memory_space<vmem>>, vector<1x128xf32>
    %add3A_74 = vector.broadcast %get3A_73 : vector<1x128xf32> to vector<10000x128xf32>
    %add3A_75 = arith.addf %dot_general3A_70, %add3A_74 : vector<10000x128xf32>
    %get3A_76 = arith.constant 0 : index
    %get3A_77 = arith.constant 0 : index
    %get3A_78 = vector.load %arg10[%get3A_76, %get3A_77] : memref<1x128xf32, #tpu.memory_space<vmem>>, vector<1x128xf32>
    %get3A_79 = arith.constant 0 : index
    %get3A_80 = arith.constant 0 : index
    %get3A_81 = vector.load %arg11[%get3A_79, %get3A_80] : memref<1x128xf32, #tpu.memory_space<vmem>>, vector<1x128xf32>
    %reduce_sum3A_82 = arith.constant dense<0.000000e+00> : vector<128xf32>
    %reduce_sum3A_83 = vector.multi_reduction <add>, %add3A_75, %reduce_sum3A_82 [0] : vector<10000x128xf32> to vector<128xf32>
    %div3A_84 = arith.constant 1.000000e+04 : f32
    %div3A_85 = vector.broadcast %div3A_84 : f32 to vector<128xf32>
    %div3A_86 = arith.divf %reduce_sum3A_83, %div3A_85 : vector<128xf32>
    %jit3A_87 = arith.constant 0 : i32
    %reduce_sum3A_88 = arith.constant dense<0.000000e+00> : vector<128xf32>
    %reduce_sum3A_89 = vector.multi_reduction <add>, %add3A_75, %reduce_sum3A_88 [0] : vector<10000x128xf32> to vector<128xf32>
    %broadcast_in_dim3A_90 = vector.shape_cast %reduce_sum3A_89 : vector<128xf32> to vector<1x128xf32>
    %div3A_91 = arith.constant 1.000000e+04 : f32
    %div3A_92 = vector.broadcast %div3A_91 : f32 to vector<1x128xf32>
    %div3A_93 = arith.divf %broadcast_in_dim3A_90, %div3A_92 : vector<1x128xf32>
    %sub3A_94 = vector.broadcast %div3A_93 : vector<1x128xf32> to vector<10000x128xf32>
    %sub3A_95 = arith.subf %add3A_75, %sub3A_94 : vector<10000x128xf32>
    %square3A_96 = arith.mulf %sub3A_95, %sub3A_95 : vector<10000x128xf32>
    %convert_element_type3A_97 = arith.sitofp %jit3A_87 : i32 to f32
    %sub3A_98 = arith.constant 1.000000e+04 : f32
    %sub3A_99 = arith.subf %sub3A_98, %convert_element_type3A_97 : f32
    %reduce_sum3A_100 = arith.constant dense<0.000000e+00> : vector<128xf32>
    %reduce_sum3A_101 = vector.multi_reduction <add>, %square3A_96, %reduce_sum3A_100 [0] : vector<10000x128xf32> to vector<128xf32>
    %div3A_102 = vector.broadcast %sub3A_99 : f32 to vector<128xf32>
    %div3A_103 = arith.divf %reduce_sum3A_101, %div3A_102 : vector<128xf32>
    %gt3A_104 = arith.constant 0.000000e+00 : f32
    %gt3A_105 = arith.cmpf ogt, %sub3A_99, %gt3A_104 : f32
    %jit3A_106 = arith.constant 0x7FC00000 : f32
    %broadcast_in_dim3A_107 = vector.broadcast %jit3A_106 : f32 to vector<128xf32>
    %select_n3A_108 = arith.select %gt3A_105, %div3A_103, %broadcast_in_dim3A_107 : vector<128xf32>
    %broadcast_in_dim3A_109 = vector.shape_cast %div3A_86 : vector<128xf32> to vector<1x128xf32>
    %sub3A_110 = vector.broadcast %broadcast_in_dim3A_109 : vector<1x128xf32> to vector<10000x128xf32>
    %sub3A_111 = arith.subf %add3A_75, %sub3A_110 : vector<10000x128xf32>
    %add3A_112 = arith.constant 9.99999974E-6 : f32
    %add3A_113 = vector.broadcast %add3A_112 : f32 to vector<128xf32>
    %add3A_114 = arith.addf %select_n3A_108, %add3A_113 : vector<128xf32>
    %sqrt3A_115 = math.sqrt %add3A_114 : vector<128xf32>
    %broadcast_in_dim3A_116 = vector.shape_cast %sqrt3A_115 : vector<128xf32> to vector<1x128xf32>
    %div3A_117 = vector.broadcast %broadcast_in_dim3A_116 : vector<1x128xf32> to vector<10000x128xf32>
    %div3A_118 = arith.divf %sub3A_111, %div3A_117 : vector<10000x128xf32>
    %mul3A_119 = vector.broadcast %get3A_78 : vector<1x128xf32> to vector<10000x128xf32>
    %mul3A_120 = arith.mulf %div3A_118, %mul3A_119 : vector<10000x128xf32>
    %add3A_121 = vector.broadcast %get3A_81 : vector<1x128xf32> to vector<10000x128xf32>
    %add3A_122 = arith.addf %mul3A_120, %add3A_121 : vector<10000x128xf32>
    %max3A_123 = arith.constant 0.000000e+00 : f32
    %max3A_124 = vector.broadcast %max3A_123 : f32 to vector<10000x128xf32>
    %max3A_125 = arith.maximumf %add3A_122, %max3A_124 : vector<10000x128xf32>
    %swap3A = arith.constant 0 : index
    %swap3A_126 = arith.constant 0 : index
    %swap3A_127 = vector.load %arg12[%swap3A, %swap3A_126] : memref<10000x128xf32, #tpu.memory_space<vmem>>, vector<10000x128xf32>
    tpu.vector_store %arg12[%swap3A, %swap3A_126], %max3A_125 {strides = array<i32>} : memref<10000x128xf32, #tpu.memory_space<vmem>>, vector<10000x128xf32>,
    %get3A_128 = arith.constant 0 : index
    %get3A_129 = arith.constant 0 : index
    %get3A_130 = vector.load %arg2[%get3A_128, %get3A_129] : memref<10000x1xi32, #tpu.memory_space<vmem>>, vector<10000x1xi32>
    %iota3A = tpu.iota {dimensions = array<i32: 1>} : vector<10000x128xi32>
    %eq3A = vector.broadcast %get3A_130 : vector<10000x1xi32> to vector<10000x128xi32>
    %eq3A_131 = arith.cmpi eq, %eq3A, %iota3A : vector<10000x128xi32>
    %convert_element_type3A_132 = arith.extui %eq3A_131 : vector<10000x128xi1> to vector<10000x128xi32>
    %convert_element_type3A_133 = arith.sitofp %convert_element_type3A_132 : vector<10000x128xi32> to vector<10000x128xf32>
    %dot_general3A_134 = arith.constant dense<0.000000e+00> : vector<128x128xf32>
    %dot_general3A_135 = tpu.matmul %convert_element_type3A_133, %max3A_125, %dot_general3A_134 {dimension_numbers = #tpu.dot_dimension_numbers<[0], [0], [1], [1], [0, 1, 1, 1], [], []>, precision = #tpu.contract_precision<fp32>, transpose_lhs_hint = false} : vector<10000x128xf32>, vector<10000x128xf32>, vector<128x128xf32> -> vector<128x128xf32>
    %swap3A_136 = arith.constant 0 : index
    %swap3A_137 = arith.constant 0 : index
    %swap3A_138 = vector.load %arg13[%swap3A_136, %swap3A_137] : memref<128x128xf32, #tpu.memory_space<vmem>>, vector<128x128xf32>
    tpu.vector_store %arg13[%swap3A_136, %swap3A_137], %dot_general3A_135 {strides = array<i32>} : memref<128x128xf32, #tpu.memory_space<vmem>>, vector<128x128xf32>,
    %dot_general3A_139 = arith.constant dense<0.000000e+00> : vector<128x128xf32>
    %dot_general3A_140 = tpu.matmul %convert_element_type3A_133, %get3A_1, %dot_general3A_139 {dimension_numbers = #tpu.dot_dimension_numbers<[0], [0], [1], [1], [0, 1, 1, 1], [], []>, precision = #tpu.contract_precision<fp32>, transpose_lhs_hint = false} : vector<10000x128xf32>, vector<10000x128xf32>, vector<128x128xf32> -> vector<128x128xf32>
    %swap3A_141 = arith.constant 0 : index
    %swap3A_142 = arith.constant 0 : index
    %swap3A_143 = vector.load %arg14[%swap3A_141, %swap3A_142] : memref<128x128xf32, #tpu.memory_space<vmem>>, vector<128x128xf32>
    tpu.vector_store %arg14[%swap3A_141, %swap3A_142], %dot_general3A_140 {strides = array<i32>} : memref<128x128xf32, #tpu.memory_space<vmem>>, vector<128x128xf32>,
    return
  }
}

module attributes {stable_mosaic.version = 14 : i64} {
  func.func @_mlp_body(%arg0: memref<2x10240x128xf32, #tpu.memory_space<vmem>>, %arg1: memref<10000x128xf32, #tpu.memory_space<vmem>>, %arg2: memref<10000x1xi32, #tpu.memory_space<vmem>>, %arg3: memref<1x1xf32, #tpu.memory_space<vmem>>, %arg4: memref<128x128xf32, #tpu.memory_space<vmem>>, %arg5: memref<1x128xf32, #tpu.memory_space<vmem>>, %arg6: memref<1x128xf32, #tpu.memory_space<vmem>>, %arg7: memref<1x128xf32, #tpu.memory_space<vmem>>, %arg8: memref<128x128xf32, #tpu.memory_space<vmem>>, %arg9: memref<1x128xf32, #tpu.memory_space<vmem>>, %arg10: memref<1x128xf32, #tpu.memory_space<vmem>>, %arg11: memref<1x128xf32, #tpu.memory_space<vmem>>, %arg12: memref<10000x128xf32, #tpu.memory_space<vmem>>, %arg13: memref<128x128xf32, #tpu.memory_space<vmem>>) attributes {dimension_semantics = [], scalar_prefetch = 0 : i64, scratch_operands = 0 : i64, tpu.core_type = #tpu.core_type<tc>} {
    %get3A = arith.constant 0 : index
    %get3A_0 = arith.constant 0 : index
    %get3A_1 = vector.load %arg1[%get3A, %get3A_0] : memref<10000x128xf32, #tpu.memory_space<vmem>>, vector<10000x128xf32>
    %get3A_2 = arith.constant 0 : index
    %get3A_3 = arith.constant 0 : index
    %get3A_4 = arith.constant 0 : index
    %get3A_5 = vector.load %arg0[%get3A_2, %get3A_3, %get3A_4] : memref<2x10240x128xf32, #tpu.memory_space<vmem>>, vector<1x10000x128xf32>
    %get3A_6 = vector.shape_cast %get3A_5 : vector<1x10000x128xf32> to vector<10000x128xf32>
    %get3A_7 = arith.constant 1 : index
    %get3A_8 = arith.constant 0 : index
    %get3A_9 = arith.constant 0 : index
    %get3A_10 = vector.load %arg0[%get3A_7, %get3A_8, %get3A_9] : memref<2x10240x128xf32, #tpu.memory_space<vmem>>, vector<1x10000x128xf32>
    %get3A_11 = vector.shape_cast %get3A_10 : vector<1x10000x128xf32> to vector<10000x128xf32>
    %add3A = arith.addf %get3A_6, %get3A_11 : vector<10000x128xf32>
    %get3A_12 = arith.constant 0 : index
    %get3A_13 = arith.constant 0 : index
    %get3A_14 = vector.load %arg3[%get3A_12, %get3A_13] : memref<1x1xf32, #tpu.memory_space<vmem>>, vector<1x1xf32>
    %get3A_15 = vector.extract %get3A_14[0, 0] : f32 from vector<1x1xf32>
    %mul3A = vector.broadcast %get3A_15 : f32 to vector<10000x128xf32>
    %mul3A_16 = arith.mulf %mul3A, %get3A_1 : vector<10000x128xf32>
    %add3A_17 = arith.addf %add3A, %mul3A_16 : vector<10000x128xf32>
    %get3A_18 = arith.constant 0 : index
    %get3A_19 = arith.constant 0 : index
    %get3A_20 = vector.load %arg4[%get3A_18, %get3A_19] : memref<128x128xf32, #tpu.memory_space<vmem>>, vector<128x128xf32>
    %dot_general3A = arith.constant dense<0.000000e+00> : vector<10000x128xf32>
    %dot_general3A_21 = tpu.matmul %add3A_17, %get3A_20, %dot_general3A {dimension_numbers = #tpu.dot_dimension_numbers<[1], [0], [0], [1], [0, 0, 1, 1], [], []>, precision = #tpu.contract_precision<fp32>, transpose_lhs_hint = false} : vector<10000x128xf32>, vector<128x128xf32>, vector<10000x128xf32> -> vector<10000x128xf32>
    %get3A_22 = arith.constant 0 : index
    %get3A_23 = arith.constant 0 : index
    %get3A_24 = vector.load %arg5[%get3A_22, %get3A_23] : memref<1x128xf32, #tpu.memory_space<vmem>>, vector<1x128xf32>
    %add3A_25 = vector.broadcast %get3A_24 : vector<1x128xf32> to vector<10000x128xf32>
    %add3A_26 = arith.addf %dot_general3A_21, %add3A_25 : vector<10000x128xf32>
    %get3A_27 = arith.constant 0 : index
    %get3A_28 = arith.constant 0 : index
    %get3A_29 = vector.load %arg6[%get3A_27, %get3A_28] : memref<1x128xf32, #tpu.memory_space<vmem>>, vector<1x128xf32>
    %get3A_30 = arith.constant 0 : index
    %get3A_31 = arith.constant 0 : index
    %get3A_32 = vector.load %arg7[%get3A_30, %get3A_31] : memref<1x128xf32, #tpu.memory_space<vmem>>, vector<1x128xf32>
    %reduce_sum3A = arith.constant dense<0.000000e+00> : vector<128xf32>
    %reduce_sum3A_33 = vector.multi_reduction <add>, %add3A_26, %reduce_sum3A [0] : vector<10000x128xf32> to vector<128xf32>
    %div3A = arith.constant 1.000000e+04 : f32
    %div3A_34 = vector.broadcast %div3A : f32 to vector<128xf32>
    %div3A_35 = arith.divf %reduce_sum3A_33, %div3A_34 : vector<128xf32>
    %jit3A = arith.constant 0 : i32
    %reduce_sum3A_36 = arith.constant dense<0.000000e+00> : vector<128xf32>
    %reduce_sum3A_37 = vector.multi_reduction <add>, %add3A_26, %reduce_sum3A_36 [0] : vector<10000x128xf32> to vector<128xf32>
    %broadcast_in_dim3A = vector.shape_cast %reduce_sum3A_37 : vector<128xf32> to vector<1x128xf32>
    %div3A_38 = arith.constant 1.000000e+04 : f32
    %div3A_39 = vector.broadcast %div3A_38 : f32 to vector<1x128xf32>
    %div3A_40 = arith.divf %broadcast_in_dim3A, %div3A_39 : vector<1x128xf32>
    %sub3A = vector.broadcast %div3A_40 : vector<1x128xf32> to vector<10000x128xf32>
    %sub3A_41 = arith.subf %add3A_26, %sub3A : vector<10000x128xf32>
    %square3A = arith.mulf %sub3A_41, %sub3A_41 : vector<10000x128xf32>
    %convert_element_type3A = arith.sitofp %jit3A : i32 to f32
    %sub3A_42 = arith.constant 1.000000e+04 : f32
    %sub3A_43 = arith.subf %sub3A_42, %convert_element_type3A : f32
    %reduce_sum3A_44 = arith.constant dense<0.000000e+00> : vector<128xf32>
    %reduce_sum3A_45 = vector.multi_reduction <add>, %square3A, %reduce_sum3A_44 [0] : vector<10000x128xf32> to vector<128xf32>
    %div3A_46 = vector.broadcast %sub3A_43 : f32 to vector<128xf32>
    %div3A_47 = arith.divf %reduce_sum3A_45, %div3A_46 : vector<128xf32>
    %gt3A = arith.constant 0.000000e+00 : f32
    %gt3A_48 = arith.cmpf ogt, %sub3A_43, %gt3A : f32
    %jit3A_49 = arith.constant 0x7FC00000 : f32
    %broadcast_in_dim3A_50 = vector.broadcast %jit3A_49 : f32 to vector<128xf32>
    %select_n3A = arith.select %gt3A_48, %div3A_47, %broadcast_in_dim3A_50 : vector<128xf32>
    %broadcast_in_dim3A_51 = vector.shape_cast %div3A_35 : vector<128xf32> to vector<1x128xf32>
    %sub3A_52 = vector.broadcast %broadcast_in_dim3A_51 : vector<1x128xf32> to vector<10000x128xf32>
    %sub3A_53 = arith.subf %add3A_26, %sub3A_52 : vector<10000x128xf32>
    %add3A_54 = arith.constant 9.99999974E-6 : f32
    %add3A_55 = vector.broadcast %add3A_54 : f32 to vector<128xf32>
    %add3A_56 = arith.addf %select_n3A, %add3A_55 : vector<128xf32>
    %sqrt3A = math.sqrt %add3A_56 : vector<128xf32>
    %broadcast_in_dim3A_57 = vector.shape_cast %sqrt3A : vector<128xf32> to vector<1x128xf32>
    %div3A_58 = vector.broadcast %broadcast_in_dim3A_57 : vector<1x128xf32> to vector<10000x128xf32>
    %div3A_59 = arith.divf %sub3A_53, %div3A_58 : vector<10000x128xf32>
    %mul3A_60 = vector.broadcast %get3A_29 : vector<1x128xf32> to vector<10000x128xf32>
    %mul3A_61 = arith.mulf %div3A_59, %mul3A_60 : vector<10000x128xf32>
    %add3A_62 = vector.broadcast %get3A_32 : vector<1x128xf32> to vector<10000x128xf32>
    %add3A_63 = arith.addf %mul3A_61, %add3A_62 : vector<10000x128xf32>
    %max3A = arith.constant 0.000000e+00 : f32
    %max3A_64 = vector.broadcast %max3A : f32 to vector<10000x128xf32>
    %max3A_65 = arith.maximumf %add3A_63, %max3A_64 : vector<10000x128xf32>
    %get3A_66 = arith.constant 0 : index
    %get3A_67 = arith.constant 0 : index
    %get3A_68 = vector.load %arg8[%get3A_66, %get3A_67] : memref<128x128xf32, #tpu.memory_space<vmem>>, vector<128x128xf32>
    %dot_general3A_69 = arith.constant dense<0.000000e+00> : vector<10000x128xf32>
    %dot_general3A_70 = tpu.matmul %max3A_65, %get3A_68, %dot_general3A_69 {dimension_numbers = #tpu.dot_dimension_numbers<[1], [0], [0], [1], [0, 0, 1, 1], [], []>, precision = #tpu.contract_precision<fp32>, transpose_lhs_hint = false} : vector<10000x128xf32>, vector<128x128xf32>, vector<10000x128xf32> -> vector<10000x128xf32>
    %get3A_71 = arith.constant 0 : index
    %get3A_72 = arith.constant 0 : index
    %get3A_73 = vector.load %arg9[%get3A_71, %get3A_72] : memref<1x128xf32, #tpu.memory_space<vmem>>, vector<1x128xf32>
    %add3A_74 = vector.broadcast %get3A_73 : vector<1x128xf32> to vector<10000x128xf32>
    %add3A_75 = arith.addf %dot_general3A_70, %add3A_74 : vector<10000x128xf32>
    %get3A_76 = arith.constant 0 : index
    %get3A_77 = arith.constant 0 : index
    %get3A_78 = vector.load %arg10[%get3A_76, %get3A_77] : memref<1x128xf32, #tpu.memory_space<vmem>>, vector<1x128xf32>
    %get3A_79 = arith.constant 0 : index
    %get3A_80 = arith.constant 0 : index
    %get3A_81 = vector.load %arg11[%get3A_79, %get3A_80] : memref<1x128xf32, #tpu.memory_space<vmem>>, vector<1x128xf32>
    %reduce_sum3A_82 = arith.constant dense<0.000000e+00> : vector<128xf32>
    %reduce_sum3A_83 = vector.multi_reduction <add>, %add3A_75, %reduce_sum3A_82 [0] : vector<10000x128xf32> to vector<128xf32>
    %div3A_84 = arith.constant 1.000000e+04 : f32
    %div3A_85 = vector.broadcast %div3A_84 : f32 to vector<128xf32>
    %div3A_86 = arith.divf %reduce_sum3A_83, %div3A_85 : vector<128xf32>
    %jit3A_87 = arith.constant 0 : i32
    %reduce_sum3A_88 = arith.constant dense<0.000000e+00> : vector<128xf32>
    %reduce_sum3A_89 = vector.multi_reduction <add>, %add3A_75, %reduce_sum3A_88 [0] : vector<10000x128xf32> to vector<128xf32>
    %broadcast_in_dim3A_90 = vector.shape_cast %reduce_sum3A_89 : vector<128xf32> to vector<1x128xf32>
    %div3A_91 = arith.constant 1.000000e+04 : f32
    %div3A_92 = vector.broadcast %div3A_91 : f32 to vector<1x128xf32>
    %div3A_93 = arith.divf %broadcast_in_dim3A_90, %div3A_92 : vector<1x128xf32>
    %sub3A_94 = vector.broadcast %div3A_93 : vector<1x128xf32> to vector<10000x128xf32>
    %sub3A_95 = arith.subf %add3A_75, %sub3A_94 : vector<10000x128xf32>
    %square3A_96 = arith.mulf %sub3A_95, %sub3A_95 : vector<10000x128xf32>
    %convert_element_type3A_97 = arith.sitofp %jit3A_87 : i32 to f32
    %sub3A_98 = arith.constant 1.000000e+04 : f32
    %sub3A_99 = arith.subf %sub3A_98, %convert_element_type3A_97 : f32
    %reduce_sum3A_100 = arith.constant dense<0.000000e+00> : vector<128xf32>
    %reduce_sum3A_101 = vector.multi_reduction <add>, %square3A_96, %reduce_sum3A_100 [0] : vector<10000x128xf32> to vector<128xf32>
    %div3A_102 = vector.broadcast %sub3A_99 : f32 to vector<128xf32>
    %div3A_103 = arith.divf %reduce_sum3A_101, %div3A_102 : vector<128xf32>
    %gt3A_104 = arith.constant 0.000000e+00 : f32
    %gt3A_105 = arith.cmpf ogt, %sub3A_99, %gt3A_104 : f32
    %jit3A_106 = arith.constant 0x7FC00000 : f32
    %broadcast_in_dim3A_107 = vector.broadcast %jit3A_106 : f32 to vector<128xf32>
    %select_n3A_108 = arith.select %gt3A_105, %div3A_103, %broadcast_in_dim3A_107 : vector<128xf32>
    %broadcast_in_dim3A_109 = vector.shape_cast %div3A_86 : vector<128xf32> to vector<1x128xf32>
    %sub3A_110 = vector.broadcast %broadcast_in_dim3A_109 : vector<1x128xf32> to vector<10000x128xf32>
    %sub3A_111 = arith.subf %add3A_75, %sub3A_110 : vector<10000x128xf32>
    %add3A_112 = arith.constant 9.99999974E-6 : f32
    %add3A_113 = vector.broadcast %add3A_112 : f32 to vector<128xf32>
    %add3A_114 = arith.addf %select_n3A_108, %add3A_113 : vector<128xf32>
    %sqrt3A_115 = math.sqrt %add3A_114 : vector<128xf32>
    %broadcast_in_dim3A_116 = vector.shape_cast %sqrt3A_115 : vector<128xf32> to vector<1x128xf32>
    %div3A_117 = vector.broadcast %broadcast_in_dim3A_116 : vector<1x128xf32> to vector<10000x128xf32>
    %div3A_118 = arith.divf %sub3A_111, %div3A_117 : vector<10000x128xf32>
    %mul3A_119 = vector.broadcast %get3A_78 : vector<1x128xf32> to vector<10000x128xf32>
    %mul3A_120 = arith.mulf %div3A_118, %mul3A_119 : vector<10000x128xf32>
    %add3A_121 = vector.broadcast %get3A_81 : vector<1x128xf32> to vector<10000x128xf32>
    %add3A_122 = arith.addf %mul3A_120, %add3A_121 : vector<10000x128xf32>
    %max3A_123 = arith.constant 0.000000e+00 : f32
    %max3A_124 = vector.broadcast %max3A_123 : f32 to vector<10000x128xf32>
    %max3A_125 = arith.maximumf %add3A_122, %max3A_124 : vector<10000x128xf32>
    %swap3A = arith.constant 0 : index
    %swap3A_126 = arith.constant 0 : index
    %swap3A_127 = vector.load %arg12[%swap3A, %swap3A_126] : memref<10000x128xf32, #tpu.memory_space<vmem>>, vector<10000x128xf32>
    tpu.vector_store %arg12[%swap3A, %swap3A_126], %max3A_125 {strides = array<i32>} : memref<10000x128xf32, #tpu.memory_space<vmem>>, vector<10000x128xf32>,
    %get3A_128 = arith.constant 0 : index
    %get3A_129 = arith.constant 0 : index
    %get3A_130 = vector.load %arg2[%get3A_128, %get3A_129] : memref<10000x1xi32, #tpu.memory_space<vmem>>, vector<10000x1xi32>
    %iota3A = tpu.iota {dimensions = array<i32: 1>} : vector<10000x128xi32>
    %eq3A = vector.broadcast %get3A_130 : vector<10000x1xi32> to vector<10000x128xi32>
    %eq3A_131 = arith.cmpi eq, %eq3A, %iota3A : vector<10000x128xi32>
    %convert_element_type3A_132 = arith.extui %eq3A_131 : vector<10000x128xi1> to vector<10000x128xi32>
    %convert_element_type3A_133 = arith.sitofp %convert_element_type3A_132 : vector<10000x128xi32> to vector<10000x128xf32>
    %dot_general3A_134 = arith.constant dense<0.000000e+00> : vector<128x128xf32>
    %dot_general3A_135 = tpu.matmul %convert_element_type3A_133, %max3A_125, %dot_general3A_134 {dimension_numbers = #tpu.dot_dimension_numbers<[0], [0], [1], [1], [0, 1, 1, 1], [], []>, precision = #tpu.contract_precision<fp32>, transpose_lhs_hint = false} : vector<10000x128xf32>, vector<10000x128xf32>, vector<128x128xf32> -> vector<128x128xf32>
    %swap3A_136 = arith.constant 0 : index
    %swap3A_137 = arith.constant 0 : index
    %swap3A_138 = vector.load %arg13[%swap3A_136, %swap3A_137] : memref<128x128xf32, #tpu.memory_space<vmem>>, vector<128x128xf32>
    tpu.vector_store %arg13[%swap3A_136, %swap3A_137], %dot_general3A_135 {strides = array<i32>} : memref<128x128xf32, #tpu.memory_space<vmem>>, vector<128x128xf32>,
    return
  }
}

module attributes {stable_mosaic.version = 14 : i64} {
  func.func @_mlp_body(%arg0: memref<2x10240x128xf32, #tpu.memory_space<vmem>>, %arg1: memref<10000x128xf32, #tpu.memory_space<vmem>>, %arg2: memref<10000x1xi32, #tpu.memory_space<vmem>>, %arg3: memref<1x1xf32, #tpu.memory_space<vmem>>, %arg4: memref<128x128xf32, #tpu.memory_space<vmem>>, %arg5: memref<1x128xf32, #tpu.memory_space<vmem>>, %arg6: memref<1x128xf32, #tpu.memory_space<vmem>>, %arg7: memref<1x128xf32, #tpu.memory_space<vmem>>, %arg8: memref<128x128xf32, #tpu.memory_space<vmem>>, %arg9: memref<1x128xf32, #tpu.memory_space<vmem>>, %arg10: memref<1x128xf32, #tpu.memory_space<vmem>>, %arg11: memref<1x128xf32, #tpu.memory_space<vmem>>, %arg12: memref<10000x128xf32, #tpu.memory_space<vmem>>, %arg13: memref<128x128xf32, #tpu.memory_space<vmem>>) attributes {dimension_semantics = [], scalar_prefetch = 0 : i64, scratch_operands = 0 : i64, tpu.core_type = #tpu.core_type<tc>} {
    %get3A = arith.constant 0 : index
    %get3A_0 = arith.constant 0 : index
    %get3A_1 = vector.load %arg1[%get3A, %get3A_0] : memref<10000x128xf32, #tpu.memory_space<vmem>>, vector<10000x128xf32>
    %get3A_2 = arith.constant 0 : index
    %get3A_3 = arith.constant 0 : index
    %get3A_4 = arith.constant 0 : index
    %get3A_5 = vector.load %arg0[%get3A_2, %get3A_3, %get3A_4] : memref<2x10240x128xf32, #tpu.memory_space<vmem>>, vector<1x10000x128xf32>
    %get3A_6 = vector.shape_cast %get3A_5 : vector<1x10000x128xf32> to vector<10000x128xf32>
    %get3A_7 = arith.constant 1 : index
    %get3A_8 = arith.constant 0 : index
    %get3A_9 = arith.constant 0 : index
    %get3A_10 = vector.load %arg0[%get3A_7, %get3A_8, %get3A_9] : memref<2x10240x128xf32, #tpu.memory_space<vmem>>, vector<1x10000x128xf32>
    %get3A_11 = vector.shape_cast %get3A_10 : vector<1x10000x128xf32> to vector<10000x128xf32>
    %add3A = arith.addf %get3A_6, %get3A_11 : vector<10000x128xf32>
    %get3A_12 = arith.constant 0 : index
    %get3A_13 = arith.constant 0 : index
    %get3A_14 = vector.load %arg3[%get3A_12, %get3A_13] : memref<1x1xf32, #tpu.memory_space<vmem>>, vector<1x1xf32>
    %get3A_15 = vector.extract %get3A_14[0, 0] : f32 from vector<1x1xf32>
    %mul3A = vector.broadcast %get3A_15 : f32 to vector<10000x128xf32>
    %mul3A_16 = arith.mulf %mul3A, %get3A_1 : vector<10000x128xf32>
    %add3A_17 = arith.addf %add3A, %mul3A_16 : vector<10000x128xf32>
    %get3A_18 = arith.constant 0 : index
    %get3A_19 = arith.constant 0 : index
    %get3A_20 = vector.load %arg4[%get3A_18, %get3A_19] : memref<128x128xf32, #tpu.memory_space<vmem>>, vector<128x128xf32>
    %dot_general3A = arith.constant dense<0.000000e+00> : vector<10000x128xf32>
    %dot_general3A_21 = tpu.matmul %add3A_17, %get3A_20, %dot_general3A {dimension_numbers = #tpu.dot_dimension_numbers<[1], [0], [0], [1], [0, 0, 1, 1], [], []>, precision = #tpu.contract_precision<fp32>, transpose_lhs_hint = false} : vector<10000x128xf32>, vector<128x128xf32>, vector<10000x128xf32> -> vector<10000x128xf32>
    %get3A_22 = arith.constant 0 : index
    %get3A_23 = arith.constant 0 : index
    %get3A_24 = vector.load %arg5[%get3A_22, %get3A_23] : memref<1x128xf32, #tpu.memory_space<vmem>>, vector<1x128xf32>
    %add3A_25 = vector.broadcast %get3A_24 : vector<1x128xf32> to vector<10000x128xf32>
    %add3A_26 = arith.addf %dot_general3A_21, %add3A_25 : vector<10000x128xf32>
    %get3A_27 = arith.constant 0 : index
    %get3A_28 = arith.constant 0 : index
    %get3A_29 = vector.load %arg6[%get3A_27, %get3A_28] : memref<1x128xf32, #tpu.memory_space<vmem>>, vector<1x128xf32>
    %get3A_30 = arith.constant 0 : index
    %get3A_31 = arith.constant 0 : index
    %get3A_32 = vector.load %arg7[%get3A_30, %get3A_31] : memref<1x128xf32, #tpu.memory_space<vmem>>, vector<1x128xf32>
    %reduce_sum3A = arith.constant dense<0.000000e+00> : vector<128xf32>
    %reduce_sum3A_33 = vector.multi_reduction <add>, %add3A_26, %reduce_sum3A [0] : vector<10000x128xf32> to vector<128xf32>
    %div3A = arith.constant 1.000000e+04 : f32
    %div3A_34 = vector.broadcast %div3A : f32 to vector<128xf32>
    %div3A_35 = arith.divf %reduce_sum3A_33, %div3A_34 : vector<128xf32>
    %jit3A = arith.constant 0 : i32
    %reduce_sum3A_36 = arith.constant dense<0.000000e+00> : vector<128xf32>
    %reduce_sum3A_37 = vector.multi_reduction <add>, %add3A_26, %reduce_sum3A_36 [0] : vector<10000x128xf32> to vector<128xf32>
    %broadcast_in_dim3A = vector.shape_cast %reduce_sum3A_37 : vector<128xf32> to vector<1x128xf32>
    %div3A_38 = arith.constant 1.000000e+04 : f32
    %div3A_39 = vector.broadcast %div3A_38 : f32 to vector<1x128xf32>
    %div3A_40 = arith.divf %broadcast_in_dim3A, %div3A_39 : vector<1x128xf32>
    %sub3A = vector.broadcast %div3A_40 : vector<1x128xf32> to vector<10000x128xf32>
    %sub3A_41 = arith.subf %add3A_26, %sub3A : vector<10000x128xf32>
    %square3A = arith.mulf %sub3A_41, %sub3A_41 : vector<10000x128xf32>
    %convert_element_type3A = arith.sitofp %jit3A : i32 to f32
    %sub3A_42 = arith.constant 1.000000e+04 : f32
    %sub3A_43 = arith.subf %sub3A_42, %convert_element_type3A : f32
    %reduce_sum3A_44 = arith.constant dense<0.000000e+00> : vector<128xf32>
    %reduce_sum3A_45 = vector.multi_reduction <add>, %square3A, %reduce_sum3A_44 [0] : vector<10000x128xf32> to vector<128xf32>
    %div3A_46 = vector.broadcast %sub3A_43 : f32 to vector<128xf32>
    %div3A_47 = arith.divf %reduce_sum3A_45, %div3A_46 : vector<128xf32>
    %gt3A = arith.constant 0.000000e+00 : f32
    %gt3A_48 = arith.cmpf ogt, %sub3A_43, %gt3A : f32
    %jit3A_49 = arith.constant 0x7FC00000 : f32
    %broadcast_in_dim3A_50 = vector.broadcast %jit3A_49 : f32 to vector<128xf32>
    %select_n3A = arith.select %gt3A_48, %div3A_47, %broadcast_in_dim3A_50 : vector<128xf32>
    %broadcast_in_dim3A_51 = vector.shape_cast %div3A_35 : vector<128xf32> to vector<1x128xf32>
    %sub3A_52 = vector.broadcast %broadcast_in_dim3A_51 : vector<1x128xf32> to vector<10000x128xf32>
    %sub3A_53 = arith.subf %add3A_26, %sub3A_52 : vector<10000x128xf32>
    %add3A_54 = arith.constant 9.99999974E-6 : f32
    %add3A_55 = vector.broadcast %add3A_54 : f32 to vector<128xf32>
    %add3A_56 = arith.addf %select_n3A, %add3A_55 : vector<128xf32>
    %sqrt3A = math.sqrt %add3A_56 : vector<128xf32>
    %broadcast_in_dim3A_57 = vector.shape_cast %sqrt3A : vector<128xf32> to vector<1x128xf32>
    %div3A_58 = vector.broadcast %broadcast_in_dim3A_57 : vector<1x128xf32> to vector<10000x128xf32>
    %div3A_59 = arith.divf %sub3A_53, %div3A_58 : vector<10000x128xf32>
    %mul3A_60 = vector.broadcast %get3A_29 : vector<1x128xf32> to vector<10000x128xf32>
    %mul3A_61 = arith.mulf %div3A_59, %mul3A_60 : vector<10000x128xf32>
    %add3A_62 = vector.broadcast %get3A_32 : vector<1x128xf32> to vector<10000x128xf32>
    %add3A_63 = arith.addf %mul3A_61, %add3A_62 : vector<10000x128xf32>
    %max3A = arith.constant 0.000000e+00 : f32
    %max3A_64 = vector.broadcast %max3A : f32 to vector<10000x128xf32>
    %max3A_65 = arith.maximumf %add3A_63, %max3A_64 : vector<10000x128xf32>
    %get3A_66 = arith.constant 0 : index
    %get3A_67 = arith.constant 0 : index
    %get3A_68 = vector.load %arg8[%get3A_66, %get3A_67] : memref<128x128xf32, #tpu.memory_space<vmem>>, vector<128x128xf32>
    %dot_general3A_69 = arith.constant dense<0.000000e+00> : vector<10000x128xf32>
    %dot_general3A_70 = tpu.matmul %max3A_65, %get3A_68, %dot_general3A_69 {dimension_numbers = #tpu.dot_dimension_numbers<[1], [0], [0], [1], [0, 0, 1, 1], [], []>, precision = #tpu.contract_precision<fp32>, transpose_lhs_hint = false} : vector<10000x128xf32>, vector<128x128xf32>, vector<10000x128xf32> -> vector<10000x128xf32>
    %get3A_71 = arith.constant 0 : index
    %get3A_72 = arith.constant 0 : index
    %get3A_73 = vector.load %arg9[%get3A_71, %get3A_72] : memref<1x128xf32, #tpu.memory_space<vmem>>, vector<1x128xf32>
    %add3A_74 = vector.broadcast %get3A_73 : vector<1x128xf32> to vector<10000x128xf32>
    %add3A_75 = arith.addf %dot_general3A_70, %add3A_74 : vector<10000x128xf32>
    %get3A_76 = arith.constant 0 : index
    %get3A_77 = arith.constant 0 : index
    %get3A_78 = vector.load %arg10[%get3A_76, %get3A_77] : memref<1x128xf32, #tpu.memory_space<vmem>>, vector<1x128xf32>
    %get3A_79 = arith.constant 0 : index
    %get3A_80 = arith.constant 0 : index
    %get3A_81 = vector.load %arg11[%get3A_79, %get3A_80] : memref<1x128xf32, #tpu.memory_space<vmem>>, vector<1x128xf32>
    %reduce_sum3A_82 = arith.constant dense<0.000000e+00> : vector<128xf32>
    %reduce_sum3A_83 = vector.multi_reduction <add>, %add3A_75, %reduce_sum3A_82 [0] : vector<10000x128xf32> to vector<128xf32>
    %div3A_84 = arith.constant 1.000000e+04 : f32
    %div3A_85 = vector.broadcast %div3A_84 : f32 to vector<128xf32>
    %div3A_86 = arith.divf %reduce_sum3A_83, %div3A_85 : vector<128xf32>
    %jit3A_87 = arith.constant 0 : i32
    %reduce_sum3A_88 = arith.constant dense<0.000000e+00> : vector<128xf32>
    %reduce_sum3A_89 = vector.multi_reduction <add>, %add3A_75, %reduce_sum3A_88 [0] : vector<10000x128xf32> to vector<128xf32>
    %broadcast_in_dim3A_90 = vector.shape_cast %reduce_sum3A_89 : vector<128xf32> to vector<1x128xf32>
    %div3A_91 = arith.constant 1.000000e+04 : f32
    %div3A_92 = vector.broadcast %div3A_91 : f32 to vector<1x128xf32>
    %div3A_93 = arith.divf %broadcast_in_dim3A_90, %div3A_92 : vector<1x128xf32>
    %sub3A_94 = vector.broadcast %div3A_93 : vector<1x128xf32> to vector<10000x128xf32>
    %sub3A_95 = arith.subf %add3A_75, %sub3A_94 : vector<10000x128xf32>
    %square3A_96 = arith.mulf %sub3A_95, %sub3A_95 : vector<10000x128xf32>
    %convert_element_type3A_97 = arith.sitofp %jit3A_87 : i32 to f32
    %sub3A_98 = arith.constant 1.000000e+04 : f32
    %sub3A_99 = arith.subf %sub3A_98, %convert_element_type3A_97 : f32
    %reduce_sum3A_100 = arith.constant dense<0.000000e+00> : vector<128xf32>
    %reduce_sum3A_101 = vector.multi_reduction <add>, %square3A_96, %reduce_sum3A_100 [0] : vector<10000x128xf32> to vector<128xf32>
    %div3A_102 = vector.broadcast %sub3A_99 : f32 to vector<128xf32>
    %div3A_103 = arith.divf %reduce_sum3A_101, %div3A_102 : vector<128xf32>
    %gt3A_104 = arith.constant 0.000000e+00 : f32
    %gt3A_105 = arith.cmpf ogt, %sub3A_99, %gt3A_104 : f32
    %jit3A_106 = arith.constant 0x7FC00000 : f32
    %broadcast_in_dim3A_107 = vector.broadcast %jit3A_106 : f32 to vector<128xf32>
    %select_n3A_108 = arith.select %gt3A_105, %div3A_103, %broadcast_in_dim3A_107 : vector<128xf32>
    %broadcast_in_dim3A_109 = vector.shape_cast %div3A_86 : vector<128xf32> to vector<1x128xf32>
    %sub3A_110 = vector.broadcast %broadcast_in_dim3A_109 : vector<1x128xf32> to vector<10000x128xf32>
    %sub3A_111 = arith.subf %add3A_75, %sub3A_110 : vector<10000x128xf32>
    %add3A_112 = arith.constant 9.99999974E-6 : f32
    %add3A_113 = vector.broadcast %add3A_112 : f32 to vector<128xf32>
    %add3A_114 = arith.addf %select_n3A_108, %add3A_113 : vector<128xf32>
    %sqrt3A_115 = math.sqrt %add3A_114 : vector<128xf32>
    %broadcast_in_dim3A_116 = vector.shape_cast %sqrt3A_115 : vector<128xf32> to vector<1x128xf32>
    %div3A_117 = vector.broadcast %broadcast_in_dim3A_116 : vector<1x128xf32> to vector<10000x128xf32>
    %div3A_118 = arith.divf %sub3A_111, %div3A_117 : vector<10000x128xf32>
    %mul3A_119 = vector.broadcast %get3A_78 : vector<1x128xf32> to vector<10000x128xf32>
    %mul3A_120 = arith.mulf %div3A_118, %mul3A_119 : vector<10000x128xf32>
    %add3A_121 = vector.broadcast %get3A_81 : vector<1x128xf32> to vector<10000x128xf32>
    %add3A_122 = arith.addf %mul3A_120, %add3A_121 : vector<10000x128xf32>
    %max3A_123 = arith.constant 0.000000e+00 : f32
    %max3A_124 = vector.broadcast %max3A_123 : f32 to vector<10000x128xf32>
    %max3A_125 = arith.maximumf %add3A_122, %max3A_124 : vector<10000x128xf32>
    %swap3A = arith.constant 0 : index
    %swap3A_126 = arith.constant 0 : index
    %swap3A_127 = vector.load %arg12[%swap3A, %swap3A_126] : memref<10000x128xf32, #tpu.memory_space<vmem>>, vector<10000x128xf32>
    tpu.vector_store %arg12[%swap3A, %swap3A_126], %max3A_125 {strides = array<i32>} : memref<10000x128xf32, #tpu.memory_space<vmem>>, vector<10000x128xf32>,
    %get3A_128 = arith.constant 0 : index
    %get3A_129 = arith.constant 0 : index
    %get3A_130 = vector.load %arg2[%get3A_128, %get3A_129] : memref<10000x1xi32, #tpu.memory_space<vmem>>, vector<10000x1xi32>
    %iota3A = tpu.iota {dimensions = array<i32: 1>} : vector<10000x128xi32>
    %eq3A = vector.broadcast %get3A_130 : vector<10000x1xi32> to vector<10000x128xi32>
    %eq3A_131 = arith.cmpi eq, %eq3A, %iota3A : vector<10000x128xi32>
    %convert_element_type3A_132 = arith.extui %eq3A_131 : vector<10000x128xi1> to vector<10000x128xi32>
    %convert_element_type3A_133 = arith.sitofp %convert_element_type3A_132 : vector<10000x128xi32> to vector<10000x128xf32>
    %dot_general3A_134 = arith.constant dense<0.000000e+00> : vector<128x128xf32>
    %dot_general3A_135 = tpu.matmul %convert_element_type3A_133, %max3A_125, %dot_general3A_134 {dimension_numbers = #tpu.dot_dimension_numbers<[0], [0], [1], [1], [0, 1, 1, 1], [], []>, precision = #tpu.contract_precision<fp32>, transpose_lhs_hint = false} : vector<10000x128xf32>, vector<10000x128xf32>, vector<128x128xf32> -> vector<128x128xf32>
    %swap3A_136 = arith.constant 0 : index
    %swap3A_137 = arith.constant 0 : index
    %swap3A_138 = vector.load %arg13[%swap3A_136, %swap3A_137] : memref<128x128xf32, #tpu.memory_space<vmem>>, vector<128x128xf32>
    tpu.vector_store %arg13[%swap3A_136, %swap3A_137], %dot_general3A_135 {strides = array<i32>} : memref<128x128xf32, #tpu.memory_space<vmem>>, vector<128x128xf32>,
    return
  }
}

</mosaic_0001>

<sc_bundles>
// kernel: kernel.12.cloned.1.call-start
scs
__scs_entry_jumppad:
0x0: {  	(pc) =	sbr.rel $0x88, $3  }
0x1: {  	(tag) =	ssettag $0x0;
	lr =	simm.s32 $0x1  }
0x2: {  	[smem:$0x3F95] =	sst lr;
	_ =	strace $0xD0000000  }
0x3: {  	_ = 	snop  }
0x4: {  	_ = 	snop  }
0x5: {  	_ = 	snop  }
0x6: {  	_ = 	snop  }
0x7: {  	_ = 	snop  }
__scs_overlays_trampoline_lowered:
0x8: {  	[smem:$0x3FA4] =	sst s0  }
0x9: {  	[smem:$0x3FA5] =	sst s1  }
0xa: {  	[smem:$0x3FA6] =	sst s2  }
0xb: {  	[smem:$0x3FA7] =	sst s3  }
0xc: {  	[smem:$0x3FA8] =	sst s4  }
0xd: {  	[smem:$0x3FA9] =	sst s5  }
0xe: {  	[smem:$0x3FAA] =	sst s6  }
0xf: {  	[smem:$0x3FAB] =	sst s7  }
0x10: {  	[smem:$0x3FAC] =	sst s8  }
0x11: {  	[smem:$0x3FAD] =	sst s9;
	s0 =	simm.s32 @!p0 $0x0  }
0x12: {  	s1 =	sld [smem:$0x3F93];
	s0 =	simm.s32 @p0 $0x1  }
0x13: {  	[smem:$0x3FAE] =	sst s0;
	s0 =	simm.s32 @!p1 $0x0  }
0x14: {  	s2 =	sld [smem:$0x3F92];
	s0 =	simm.s32 @p1 $0x1  }
0x15: {  	[smem:$0x3FAF] =	sst s0;
	s0 =	simm.s32 @!p2 $0x0  }
0x16: {  	s3 =	sld [smem:$0x3FDB];
	s0 =	simm.s32 @p2 $0x1  }
0x17: {  	s4 =	simm.s32 $0x1BF5;
	[smem:$0x3FB1] =	sst s0  }
0x18: {  	s0 =	sld [smem:$0x3F94];
	_ =	swait.ge [sflag:s4], $0x0  }
0x19: {  	s7 =	sld [smem:$0x3F95]  }
0x1a: {  	s8 =	sadd.s32 $0xFFFFE003, lr  }
0x1b: {  	s9 =	sadd.s32 $0xFFFFFEF7, lr;
	s5 =	simm.s32 $0xFFFFFFFF;
	p2 =	slt.u32 s8, $0xFFFFF086  }
0x1c: {  	p1 =	slt.u32 s9, $0xF7A;
	s5 =	simm.s32 @!p2 $0x0  }
0x1d: {  	s5 =	simm.s32 @p1 $0x1;
	p0 =	seq.s32 s7, s2  }
0x1e: {  	s7 =	smul.u32 @!p0 $0xF7A, s2;
	p2 =	seq.s32 @!p0 s5, $0x0  }
0x1f: {  	s9 =	smul.u32 $0xF7A, s1;
	s8 =	simm.s32 @!p0 $0x1BF5;
	p2 =	por !p2, p0  }
0x20: {  	[sflag:s8] =	ssyncset.s32 @!p0 $0xFFFFF086;
	s6 =	sadd.s32 @!p0 s3, s7;
	s7 =	simm.s32 @!p0 $0x108  }
0x21: {  	s3 =	sadd.s32 s3, s9;
	s6 =	sadd.s32 @!p0 $0x88, s6;
	s7 =	simm.s32 @p2 $0x1082  }
0x22: {  	[simem:s7], [sflag:s8] =	dma.local @!p0 [hbm:s6], $0xF7A  }
0x23: {  	s9 =	sor.u32 $0xD0000000, s2;
	s6 =	simm.s32 $0x108;
	_ =	swait.ge @!p0 [sflag:s8], $0x0  }
0x24: {  	s3 =	sadd.s32 $0x88, s3;
	s6 =	simm.s32 @!p1 $0x1082;
	[sflag:s4] =	ssyncset.s32 $0xFFFFF086  }
0x25: {  	[simem:s6], [sflag:s4] =	dma.local [hbm:s3], $0xF7A  }
0x26: {  	[smem:$0x3F95] =	sst s1;
	(tag) =	ssettag s2;
	_ =	strace s9  }
0x27: {  	s1 =	sld [smem:$0x3FA5]  }
0x28: {  	s2 =	sld [smem:$0x3FA6]  }
0x29: {  	s4 =	sld [smem:$0x3FA8]  }
0x2a: {  	p0 =	seq.s32 s5, $0x0;
	s5 =	sld [smem:$0x3FA9]  }
0x2b: {  	s6 =	sld [smem:$0x3FAA]  }
0x2c: {  	s7 =	sld [smem:$0x3FAB]  }
0x2d: {  	s3 =	simm.s32 $0x108;
	s8 =	sld [smem:$0x3FAC]  }
0x2e: {  	s3 =	simm.s32 @!p0 $0x1082;
	s9 =	sld [smem:$0x3FAD]  }
0x2f: {  	lr =	sadd.s32 s0, s3;
	s0 =	sld [smem:$0x3FA4]  }
0x30: {  	s3 =	sld [smem:$0x3FA7]  }
0x31: {  	[smem:$0x3FB0] =	sst s10  }
0x32: {  	s10 =	sld [smem:$0x3FAE];
	_ =	sdelay $0x3  }
0x33: {  	p0 =	seq.s32 s10, $0x1;
	s10 =	sld [smem:$0x3FB0];
	_ =	sdelay $0x3  }
0x34: {  	[smem:$0x3FB0] =	sst s10  }
0x35: {  	s10 =	sld [smem:$0x3FAF];
	_ =	sdelay $0x3  }
0x36: {  	p1 =	seq.s32 s10, $0x1;
	s10 =	sld [smem:$0x3FB0];
	_ =	sdelay $0x3  }
0x37: {  	[smem:$0x3FB0] =	sst s10  }
0x38: {  	s10 =	sld [smem:$0x3FB1]  }
0x39: {  	_ = 	snop;
	(pc) =	sbr.ind lr, $3  }
0x3a: {  	_ = 	snop  }
0x3b: {  	_ = 	snop  }
0x3c: {  	p2 =	seq.s32 s10, $0x1;
	s10 =	sld [smem:$0x3FB0]  }
0x3d: {  	_ =	shalt  }
0x3e: {  	_ =	shalt  }
0x3f: {  	_ =	shalt  }
0x40: {  	_ =	shalt  }
0x41: {  	_ =	shalt  }
0x42: {  	_ =	shalt  }
0x43: {  	_ =	shalt  }
0x44: {  	_ =	shalt  }
0x45: {  	_ =	shalt  }
0x46: {  	_ =	shalt  }
0x47: {  	_ =	shalt  }
0x48: {  	_ =	shalt  }
0x49: {  	_ =	shalt  }
0x4a: {  	_ =	shalt  }
0x4b: {  	_ =	shalt  }
0x4c: {  	_ =	shalt  }
0x4d: {  	_ =	shalt  }
0x4e: {  	_ =	shalt  }
0x4f: {  	_ =	shalt  }
0x50: {  	_ =	shalt  }
0x51: {  	_ =	shalt  }
0x52: {  	_ =	shalt  }
0x53: {  	_ =	shalt  }
0x54: {  	_ =	shalt  }
0x55: {  	_ =	shalt  }
0x56: {  	_ =	shalt  }
0x57: {  	_ =	shalt  }
0x58: {  	_ =	shalt  }
0x59: {  	_ =	shalt  }
0x5a: {  	_ =	shalt  }
0x5b: {  	_ =	shalt  }
0x5c: {  	_ =	shalt  }
0x5d: {  	_ =	shalt  }
0x5e: {  	_ =	shalt  }
0x5f: {  	_ =	shalt  }
0x60: {  	_ =	shalt  }
0x61: {  	_ =	shalt  }
0x62: {  	_ =	shalt  }
0x63: {  	_ =	shalt  }
0x64: {  	_ =	shalt  }
0x65: {  	_ =	shalt  }
0x66: {  	_ =	shalt  }
0x67: {  	_ =	shalt  }
0x68: {  	_ =	shalt  }
0x69: {  	_ =	shalt  }
0x6a: {  	_ =	shalt  }
0x6b: {  	_ =	shalt  }
0x6c: {  	_ =	shalt  }
0x6d: {  	_ =	shalt  }
0x6e: {  	_ =	shalt  }
0x6f: {  	_ =	shalt  }
0x70: {  	_ =	shalt  }
0x71: {  	_ =	shalt  }
0x72: {  	_ =	shalt  }
0x73: {  	_ =	shalt  }
0x74: {  	_ =	shalt  }
0x75: {  	_ =	shalt  }
0x76: {  	_ =	shalt  }
0x77: {  	_ =	shalt  }
0x78: {  	_ =	shalt  }
0x79: {  	_ =	shalt  }
0x7a: {  	_ =	shalt  }
0x7b: {  	_ =	shalt  }
0x7c: {  	_ =	shalt  }
0x7d: {  	_ =	shalt  }
0x7e: {  	_ =	shalt  }
0x7f: {  	_ =	shalt  }
0x80: {  	_ =	shalt  }
0x81: {  	_ =	shalt  }
0x82: {  	_ =	shalt  }
0x83: {  	_ =	shalt  }
0x84: {  	_ =	shalt  }
0x85: {  	_ =	shalt  }
0x86: {  	_ =	shalt  }
0x87: {  	_ =	shalt  }
.Lfunc_end0:
.L_simem_size_0:
called_computation_lowered:
.L_overlay_start_0:
0x88: {  	s2 =	sld [smem:$0x3FD9]  }
0x89: {  	s3 =	sld [smem:$0x3FFE];
	_ =	sdelay $0x1  }
0x8a: {  	s1 =	srdreg.scid  }
0x8b: {  	s0 =	sand.u32 $0x1, s1  }
0x8c: {  	s14 =	sshll.u32 s0, $0xA;
	s2 =	sadd.s32 s3, s2  }
0x8d: {  	s2 =	sadd.s32 s2, s14  }
0x8e: {  	[smem:$0x3FBC] =	sst s2  }
0x8f: {  	_ = 	snop  }
0x90: {  	s2 =	sld [smem:$0x3FD0];
	_ =	sdelay $0x2  }
0x91: {  	s4 =	simm.s32 $0xA;
	s5 =	simm.s32 $0x10;
	s15 =	sld [smem:$0x3FC9]  }
0x92: {  	[smem:s5], [sflag:s4] =	dma.local [hbm:s2], $0x1  }
0x93: {  	_ =	swait.eq [sflag:s4], $0x1  }
0x94: {  	[sflag:s4] =	ssyncset.done $0x0  }
0x95: {  	[sflag:s4] =	ssyncadd.s32 $0xFFFFFFFF  }
0x96: {  	s16 =	sld [smem:$0x15];
	(tm) =	ssettm $0x1  }
0x97: {  	s17 =	sld [smem:$0x3FFB];
	_ =	sdelay $0x3  }
0x98: {  	_ =	strace s17  }
0x99: {  	s4 =	sld [smem:$0x3FFC];
	_ =	sdelay $0x3  }
0x9a: {  	_ =	strace s4  }
0x9b: {  	s4 =	sld [smem:$0x3FFD];
	_ =	sdelay $0x3  }
0x9c: {  	_ =	strace s4  }
0x9d: {  	_ =	strace $0x8FFFFFFF  }
0x9e: {  	s18 =	sld [smem:$0x3FDB];
	_ =	sdelay $0x1  }
0x9f: {  	s19 =	simm.s32 $_scs_section_size  }
0xa0: {  	s6 =	simm.s32 $_size__tile_overlayer_lowered;
	s7 =	simm.s32 $_tile_overlayer_lowered  }
0xa1: {  	s22 =	simm.s32 $0x1BFF;
	s21 =	sshll.u32 s7, $0x1;
	s4 =	sadd.s32 s19, s18  }
0xa2: {  	s8 =	simm.s32 $0x0;
	s20 =	sshll.u32 s6, $0x1;
	s6 =	sadd.s32 s21, s4  }
0xa3: {  	[timem:s8], [sflag:s22] =	dma.local [hbm:s6], s20  }
0xa4: {  	_ =	swait.ge [sflag:s22], s20  }
0xa5: {  	s5 =	ssub.s32 $0x0, s20;
	[sflag:s22] =	ssyncset.done $0x0  }
0xa6: {  	[sflag:s22] =	ssyncadd.s32 s5;
	_ =	sdelay $0x1  }
0xa7: {  	s23 =	simm.s32 $0x1B8B  }
0xa8: {  	_ =	swait.ge [sflag:s23], $0x1  }
0xa9: {  	[sflag:s23] =	ssyncset.done $0x0  }
0xaa: {  	s25 =	simm.s32 $0x1B8E;
	s24 =	sld [smem:$0x3FFE];
	[sflag:s23] =	ssyncadd.s32 $0xFFFFFFFF  }
0xab: {  	s26 =	simm.s32 $execute0_lowered;
	[smem:$0x3FD2] =	sst s25  }
0xac: {  	s6 =	sshll.u32 s26, $0x1;
	_ =	strace $0x80000046;
	[dreg:$0x1] =	wrdreg $0xFFFFFFFF  }
0xad: {  	s28 =	simm.s32 $_size_execute0_lowered;
	s4 =	sadd.s32 s4, s6;
	[dreg:$0x0] =	wrdreg $0x0  }
0xae: {  	s6 =	sshll.u32 s28, $0x1;
	[dreg:$0x2] =	wrdreg s4  }
0xaf: {  	[dreg:$0x3] =	wrdreg s6  }
0xb0: {  	[dreg:$0x4] =	wrdreg $0xC0  }
0xb1: {  	_ =	task [dreg:s8], $0x5FFFF  }
0xb2: {  	[dreg:$0x1] =	wrdreg $0xFFFFFFFF  }
0xb3: {  	[dreg:$0x0] =	wrdreg $0x60  }
0xb4: {  	[dreg:$0x2] =	wrdreg s15  }
0xb5: {  	[dreg:$0x3] =	wrdreg s24  }
0xb6: {  	[dreg:$0x4] =	wrdreg s16  }
0xb7: {  	[dreg:$0x5] =	wrdreg $0x90000  }
0xb8: {  	[dreg:$0x6] =	wrdreg $0x9  }
0xb9: {  	_ =	task.clear_ibuf [dreg:s8], $0x7FFFF;
	_ =	strace $0x90000046  }
0xba: {  	s29 =	simm.s32 $0x9;
	_ =	strace $0x80000048  }
0xbb: {  	_ =	swait.ge [sflag:s29], $0x1  }
0xbc: {  	[sflag:s29] =	ssyncadd.s32 $0xFFFFFFFF  }
0xbd: {  	_ =	strace $0x90000048  }
0xbe: {  	_ =	sfence  }
0xbf: {  	s30 =	sld [smem:$0x0];
	_ =	sdelay $0x2  }
0xc0: {  	s31 =	sshll.u32 s1, $0xD;
	s1 =	sshrl.u32 s1, $0x2  }
0xc1: {  	s3 =	sand.u32 $0x4000, s31;
	s1 =	sadd.s32 s1, s30  }
0xc2: {  	s0 =	sor.u32 s3, s0;
	s1 =	sshll.u32 s1, $0x11  }
0xc3: {  	s0 =	sor.u32 s1, s0  }
0xc4: {  	s0 =	sadd.s32 $0x8F2B, s0  }
0xc5: {  	[sflag:s0] =	ssyncadd.remote.s32 $0x1  }
0xc6: {  	_ =	sfence.sel $0xFFFF  }
0xc7: {  	[dreg:$0x0] =	wrdreg $0xFFFFFFFF;
	(pc) =	sbr.abs _section_cstart, $3  }
0xc8: {  	[dreg:$0x1] =	wrdreg $0xFFFFFFFF  }
0xc9: {  	_ =	task.clear_ibuf [dreg:s8], $0x2FFFF;
	_ =	strace $0x9FFFFFFF  }
0xca: {  	(tm) =	ssettm $0x7FFFFFFF  }
0xcb: {  	_ =	shalt  }
tec
execute0_lowered:
.L_overlay_start_1:
0x0: {  	(tag) =	ssettag $0x1  }
0x1: {  	s0 =	rddreg [dreg:$0x0]  }
0x2: {  	s6 =	rddreg [dreg:$0x1]  }
0x3: {  	s2 =	rddreg [dreg:$0x2]  }
0x4: {  	s1 =	srdreg.scid;
	s4 =	rddreg [dreg:$0x3]  }
0x5: {  	s5 =	simm.s32 $0x0;
	s17 =	simm.s32 $0x2800;
	s18 =	simm.s32 $0x80  }
0x6: {  	s19 =	simm.s32 $0x5000;
	s20 =	simm.s32 $0x1;
	s7 =	sand.u32 $0x1, s1  }
0x7: {  	s21 =	simm.s32 $0x0;
	s1 =	stileid.u32;
	s8 =	smul.u32 $0x140000, s7  }
0x8: {  	[smem:$0x7FF] =	sst s5;
	s3 =	sshll.u32 s7, $0x4;
	s10 =	smul.u32 $0x14000, s1  }
0x9: {  	s25 =	smul.u32 $0x50000, s1;
	s26 =	ssub.s32 $0x2, s7;
	s30 =	sshll.u32 s1, $0x6  }
0xa: {  	s9 =	sor.u32 s1, s3;
	s3 =	rddreg [dreg:$0x4];
	_ =	strace $0x80000047  }
0xb: {  	s29 =	sshrl.u32 s26, $0x1;
	s9 =	smul.u32 $0x500, s9;
	s8 =	sadd.s32 s10, s8  }
0xc: {  	s28 =	sshrl.u32 s25, $0x2;
	s31 =	ssub.s32 s26, s29;
	s8 =	sshrl.u32 s8, $0x3  }
0xd: {  	s12 =	sadd.s32 s28, s4;
	s10 =	smax.u32 s31, $0x1;
	s9 =	sadd.s32 s9, s6  }
0xe: {  	s11 =	sadd.s32 s8, s6;
	s6 =	sor.u32 $0x1C02, s30;
	s13 =	sadd.s32 $0x4000, s12  }
0xf: {  	s14 =	sadd.s32 $0x8000, s12;
	s15 =	sadd.s32 $0xC000, s12;
	s16 =	sadd.s32 $0x10000, s12  }
0x10: {  	s7 =	sadd.s32 $0xEE00, s9;
	s8 =	sadd.s32 $0x4E00, s9;
	s9 =	sadd.s32 $0x18E00, s11  }
0x11: {  	s11 =	sshrl.u32 s12, $0x3;
	s12 =	simm.s32 $0x2;
	s13 =	sshrl.u32 s13, $0x3  }
0x12: {  	s14 =	sshrl.u32 s14, $0x3;
	s15 =	sshrl.u32 s15, $0x3;
	s16 =	sshrl.u32 s16, $0x3  }
.LBB2_1:
0x13: {  	[spmem:s11], [sflag:s6] =	dma.local [hbm:s2], $0x800  }
0x14: {  	_ =	swait.ge [sflag:s12], $0x800  }
0x15: {  	[sflag:s12] =	ssyncset.done $0x0  }
0x16: {  	[sflag:s12] =	ssyncadd.s32 $0xFFFFF800  }
0x17: {  	[spmem:s13], [sflag:s6] =	dma.local [hbm:s2], $0x800  }
0x18: {  	_ =	swait.ge [sflag:s12], $0x800  }
0x19: {  	[sflag:s12] =	ssyncset.done $0x0  }
0x1a: {  	[sflag:s12] =	ssyncadd.s32 $0xFFFFF800  }
0x1b: {  	[spmem:s14], [sflag:s6] =	dma.local [hbm:s2], $0x800  }
0x1c: {  	_ =	swait.ge [sflag:s12], $0x800  }
0x1d: {  	[sflag:s12] =	ssyncset.done $0x0  }
0x1e: {  	[sflag:s12] =	ssyncadd.s32 $0xFFFFF800  }
0x1f: {  	[spmem:s15], [sflag:s6] =	dma.local [hbm:s2], $0x800  }
0x20: {  	_ =	swait.ge [sflag:s12], $0x800  }
0x21: {  	[sflag:s12] =	ssyncset.done $0x0  }
0x22: {  	[sflag:s12] =	ssyncadd.s32 $0xFFFFF800  }
0x23: {  	[spmem:s16], [sflag:s6] =	dma.local [hbm:s2], $0x800  }
0x24: {  	_ =	swait.ge [sflag:s12], $0x800  }
0x25: {  	[sflag:s12] =	ssyncset.done $0x0  }
0x26: {  	[sflag:s12] =	ssyncadd.s32 $0xFFFFF800  }
0x27: {  	[tilespmem:s5], [sflag:$0x2] =	stream.linear.gather [hbm4b:s7+s5], $0x2780, $0x38;
	[tilespmem:$0x1D000] =	vst v63  }
0x28: {  	_ =	swait.ge [sflag:s12], $0x2780  }
0x29: {  	[sflag:s12] =	ssyncset.done $0x0  }
0x2a: {  	[sflag:s12] =	ssyncadd.s32 $0xFFFFD880  }
0x2b: {  	[tilespmem:s17], [sflag:$0x2] =	stream.linear.gather [hbm4b:s8+s5], $0x2780, $0x38;
	[tilespmem:$0x1D000] =	vst v63  }
0x2c: {  	_ =	swait.ge [sflag:s12], $0x2780  }
0x2d: {  	[sflag:s12] =	ssyncset.done $0x0  }
0x2e: {  	[sflag:s12] =	ssyncadd.s32 $0xFFFFD880  }
0x2f: {  	s22 =	simm.s32 $0x0;
	[bflag:$0x0] =	sbarrier.arrive $0xFFFF  }
0x30: {  	[tilespmem:s19], [sflag:$0x1] =	stream.indirect.gather [hbm4b:s0+s18], $0x80, s22, s18, $0xb8;
	[tilespmem:$0x1D000] =	vst v63  }
0x31: {  	_ =	swait.ge [sflag:s20], $0x4000  }
0x32: {  	[sflag:s20] =	ssyncset.done $0x0  }
0x33: {  	s31 =	simm.s32 $0x2800;
	[sflag:s20] =	ssyncadd.s32 $0xFFFFC000  }
0x34: {  	[spmem:s4] =	stream.indirect.scatter.add.f32 [tilespmem:s19], [sflag:$0x2], $0x80, s31, s18, $0xb8;
	[tilespmem:$0x1D000] =	vst v63  }
0x35: {  	_ =	swait.ge [sflag:s12], $0x4000  }
0x36: {  	s23 =	simm.s32 $0x400;
	s22 =	simm.s32 $0x200;
	[sflag:s12] =	ssyncset.done $0x0  }
.LBB2_2:
0x37: {  	s24 =	sshra.s32 s22, $0x2  }
0x38: {  	[sflag:s12] =	ssyncadd.s32 $0xFFFFC000;
	s22 =	smov.u32 s23;
	s25 =	sadd.s32 $0x200, s23  }
0x39: {  	[tilespmem:s19], [sflag:$0x1] =	stream.indirect.gather [hbm4b:s0+s18], $0x80, s24, s18, $0xb8;
	[tilespmem:$0x1D000] =	vst v63  }
0x3a: {  	p0 =	sne.s32 s23, $0x9C00;
	_ =	swait.ge [sflag:s20], $0x4000  }
.Ltmp0:
0x3b: {  	[sflag:s20] =	ssyncset.done $0x0;
	(pc) =	sbr.rel @p0 .LBB2_2-.Ltmp0, $4  }
0x3c: {  	s23 =	sadd.s32 $0x2800, s24;
	[sflag:s20] =	ssyncadd.s32 $0xFFFFC000  }
0x3d: {  	[spmem:s4] =	stream.indirect.scatter.add.f32 [tilespmem:s19], [sflag:$0x2], $0x80, s23, s18, $0xb8;
	[tilespmem:$0x1D000] =	vst v63  }
0x3e: {  	_ =	swait.ge [sflag:s12], $0x4000  }
0x3f: {  	s23 =	smov.u32 s25;
	[sflag:s12] =	ssyncset.done $0x0  }
0x40: {  	s22 =	sshra.s32 s22, $0x2;
	[sflag:s12] =	ssyncadd.s32 $0xFFFFC000  }
0x41: {  	[tilespmem:s19], [sflag:$0x1] =	stream.indirect.gather [hbm4b:s0+s18], $0x80, s22, s18, $0xb8;
	[tilespmem:$0x1D000] =	vst v63  }
0x42: {  	_ =	swait.ge [sflag:s20], $0x4000  }
0x43: {  	[sflag:s20] =	ssyncset.done $0x0  }
0x44: {  	s22 =	sadd.s32 $0x2800, s22;
	[sflag:s20] =	ssyncadd.s32 $0xFFFFC000  }
0x45: {  	[spmem:s4] =	stream.indirect.scatter.add.f32 [tilespmem:s19], [sflag:$0x2], $0x80, s22, s18, $0xb8;
	[tilespmem:$0x1D000] =	vst v63  }
0x46: {  	_ =	swait.ge [sflag:s12], $0x4000  }
0x47: {  	s21 =	sadd.s32 $0x1, s21;
	[sflag:s12] =	ssyncset.done $0x0  }
0x48: {  	p0 =	sne.s32 s21, s10;
	[sflag:s12] =	ssyncadd.s32 $0xFFFFC000  }
.Ltmp1:
0x49: {  	[bflag:$0x0] =	sbarrier.arrive $0xFFFF;
	(pc) =	sbr.rel @p0 .LBB2_1-.Ltmp1, $4  }
0x4a: {  	[hbm:s9], [sflag:s6] =	dma.local [spmem:s11], $0x2800  }
0x4b: {  	_ =	swait.ge [sflag:s12], $0x2800  }
0x4c: {  	[sflag:s12] =	ssyncset.done $0x0  }
0x4d: {  	[sflag:s12] =	ssyncadd.s32 $0xFFFFD800  }
0x4e: {  	_ =	sfence.sel $0x180000  }
0x4f: {  	[bflag:$0x0] =	sbarrier.arrive $0xFFFF  }
0x50: {  	p0 =	sne.s32 s1, $0x0;
	_ =	strace $0x90000047  }
0x51: {  	s0 =	sadd.s32 @!p0 $0x100000, s3;
	[bflag:$0x2] =	sbarrier.arrive $0xFFFF  }
0x52: {  	[sflag:s0] =	ssyncadd.tile.s32 @!p0 $0x1;
	_ =	shalt  }
.Lfunc_end2:
_tile_overlayer_lowered:
.L_overlay_start_2:
0x53: {  	(tag) =	ssettag $0x2  }
0x54: {  	s0 =	rddreg [dreg:$0x0];
	s2 =	stileid.u32  }
0x55: {  	s1 =	rddreg [dreg:$0x1];
	p0 =	sne.s32 s2, $0x0  }
0x56: {  	s3 =	rddreg [dreg:$0x2];
	[bflag:$0x3] =	sbarrier.arrive $0xFFFF;
	s2 =	simm.s32 @!p0 $0x1C02  }
0x57: {  	[timem:s3], [sflag:s2] =	dma.local @!p0 [hbm:s0], s1  }
0x58: {  	s0 =	simm.s32 @!p0 $0x2  }
0x59: {  	_ =	swait.ge @!p0 [sflag:s0], s1  }
0x5a: {  	s1 =	ssub.s32 @!p0 $0x0, s1;
	[sflag:s0] =	ssyncset.done @!p0 $0x0  }
0x5b: {  	[sflag:s0] =	ssyncadd.s32 @!p0 s1  }
0x5c: {  	[bflag:$0x3] =	sbarrier.arrive $0xFFFF  }
0x5d: {  	_ =	shalt  }

// kernel: kernel.15.cloned.1.call-start
scs
__scs_entry_jumppad:
0x0: {  	(pc) =	sbr.rel $0x88, $3  }
0x1: {  	(tag) =	ssettag $0x0;
	lr =	simm.s32 $0x1  }
0x2: {  	[smem:$0x3F95] =	sst lr;
	_ =	strace $0xD0000000  }
0x3: {  	_ = 	snop  }
0x4: {  	_ = 	snop  }
0x5: {  	_ = 	snop  }
0x6: {  	_ = 	snop  }
0x7: {  	_ = 	snop  }
__scs_overlays_trampoline_lowered:
0x8: {  	[smem:$0x3FA4] =	sst s0  }
0x9: {  	[smem:$0x3FA5] =	sst s1  }
0xa: {  	[smem:$0x3FA6] =	sst s2  }
0xb: {  	[smem:$0x3FA7] =	sst s3  }
0xc: {  	[smem:$0x3FA8] =	sst s4  }
0xd: {  	[smem:$0x3FA9] =	sst s5  }
0xe: {  	[smem:$0x3FAA] =	sst s6  }
0xf: {  	[smem:$0x3FAB] =	sst s7  }
0x10: {  	[smem:$0x3FAC] =	sst s8  }
0x11: {  	[smem:$0x3FAD] =	sst s9;
	s0 =	simm.s32 @!p0 $0x0  }
0x12: {  	s1 =	sld [smem:$0x3F93];
	s0 =	simm.s32 @p0 $0x1  }
0x13: {  	[smem:$0x3FAE] =	sst s0;
	s0 =	simm.s32 @!p1 $0x0  }
0x14: {  	s2 =	sld [smem:$0x3F92];
	s0 =	simm.s32 @p1 $0x1  }
0x15: {  	[smem:$0x3FAF] =	sst s0;
	s0 =	simm.s32 @!p2 $0x0  }
0x16: {  	s3 =	sld [smem:$0x3FDB];
	s0 =	simm.s32 @p2 $0x1  }
0x17: {  	s4 =	simm.s32 $0x1BF5;
	[smem:$0x3FB1] =	sst s0  }
0x18: {  	s0 =	sld [smem:$0x3F94];
	_ =	swait.ge [sflag:s4], $0x0  }
0x19: {  	s7 =	sld [smem:$0x3F95]  }
0x1a: {  	s8 =	sadd.s32 $0xFFFFE003, lr  }
0x1b: {  	s9 =	sadd.s32 $0xFFFFFEF7, lr;
	s5 =	simm.s32 $0xFFFFFFFF;
	p2 =	slt.u32 s8, $0xFFFFF086  }
0x1c: {  	p1 =	slt.u32 s9, $0xF7A;
	s5 =	simm.s32 @!p2 $0x0  }
0x1d: {  	s5 =	simm.s32 @p1 $0x1;
	p0 =	seq.s32 s7, s2  }
0x1e: {  	s7 =	smul.u32 @!p0 $0xF7A, s2;
	p2 =	seq.s32 @!p0 s5, $0x0  }
0x1f: {  	s9 =	smul.u32 $0xF7A, s1;
	s8 =	simm.s32 @!p0 $0x1BF5;
	p2 =	por !p2, p0  }
0x20: {  	[sflag:s8] =	ssyncset.s32 @!p0 $0xFFFFF086;
	s6 =	sadd.s32 @!p0 s3, s7;
	s7 =	simm.s32 @!p0 $0x108  }
0x21: {  	s3 =	sadd.s32 s3, s9;
	s6 =	sadd.s32 @!p0 $0x88, s6;
	s7 =	simm.s32 @p2 $0x1082  }
0x22: {  	[simem:s7], [sflag:s8] =	dma.local @!p0 [hbm:s6], $0xF7A  }
0x23: {  	s9 =	sor.u32 $0xD0000000, s2;
	s6 =	simm.s32 $0x108;
	_ =	swait.ge @!p0 [sflag:s8], $0x0  }
0x24: {  	s3 =	sadd.s32 $0x88, s3;
	s6 =	simm.s32 @!p1 $0x1082;
	[sflag:s4] =	ssyncset.s32 $0xFFFFF086  }
0x25: {  	[simem:s6], [sflag:s4] =	dma.local [hbm:s3], $0xF7A  }
0x26: {  	[smem:$0x3F95] =	sst s1;
	(tag) =	ssettag s2;
	_ =	strace s9  }
0x27: {  	s1 =	sld [smem:$0x3FA5]  }
0x28: {  	s2 =	sld [smem:$0x3FA6]  }
0x29: {  	s4 =	sld [smem:$0x3FA8]  }
0x2a: {  	p0 =	seq.s32 s5, $0x0;
	s5 =	sld [smem:$0x3FA9]  }
0x2b: {  	s6 =	sld [smem:$0x3FAA]  }
0x2c: {  	s7 =	sld [smem:$0x3FAB]  }
0x2d: {  	s3 =	simm.s32 $0x108;
	s8 =	sld [smem:$0x3FAC]  }
0x2e: {  	s3 =	simm.s32 @!p0 $0x1082;
	s9 =	sld [smem:$0x3FAD]  }
0x2f: {  	lr =	sadd.s32 s0, s3;
	s0 =	sld [smem:$0x3FA4]  }
0x30: {  	s3 =	sld [smem:$0x3FA7]  }
0x31: {  	[smem:$0x3FB0] =	sst s10  }
0x32: {  	s10 =	sld [smem:$0x3FAE];
	_ =	sdelay $0x3  }
0x33: {  	p0 =	seq.s32 s10, $0x1;
	s10 =	sld [smem:$0x3FB0];
	_ =	sdelay $0x3  }
0x34: {  	[smem:$0x3FB0] =	sst s10  }
0x35: {  	s10 =	sld [smem:$0x3FAF];
	_ =	sdelay $0x3  }
0x36: {  	p1 =	seq.s32 s10, $0x1;
	s10 =	sld [smem:$0x3FB0];
	_ =	sdelay $0x3  }
0x37: {  	[smem:$0x3FB0] =	sst s10  }
0x38: {  	s10 =	sld [smem:$0x3FB1]  }
0x39: {  	_ = 	snop;
	(pc) =	sbr.ind lr, $3  }
0x3a: {  	_ = 	snop  }
0x3b: {  	_ = 	snop  }
0x3c: {  	p2 =	seq.s32 s10, $0x1;
	s10 =	sld [smem:$0x3FB0]  }
0x3d: {  	_ =	shalt  }
0x3e: {  	_ =	shalt  }
0x3f: {  	_ =	shalt  }
0x40: {  	_ =	shalt  }
0x41: {  	_ =	shalt  }
0x42: {  	_ =	shalt  }
0x43: {  	_ =	shalt  }
0x44: {  	_ =	shalt  }
0x45: {  	_ =	shalt  }
0x46: {  	_ =	shalt  }
0x47: {  	_ =	shalt  }
0x48: {  	_ =	shalt  }
0x49: {  	_ =	shalt  }
0x4a: {  	_ =	shalt  }
0x4b: {  	_ =	shalt  }
0x4c: {  	_ =	shalt  }
0x4d: {  	_ =	shalt  }
0x4e: {  	_ =	shalt  }
0x4f: {  	_ =	shalt  }
0x50: {  	_ =	shalt  }
0x51: {  	_ =	shalt  }
0x52: {  	_ =	shalt  }
0x53: {  	_ =	shalt  }
0x54: {  	_ =	shalt  }
0x55: {  	_ =	shalt  }
0x56: {  	_ =	shalt  }
0x57: {  	_ =	shalt  }
0x58: {  	_ =	shalt  }
0x59: {  	_ =	shalt  }
0x5a: {  	_ =	shalt  }
0x5b: {  	_ =	shalt  }
0x5c: {  	_ =	shalt  }
0x5d: {  	_ =	shalt  }
0x5e: {  	_ =	shalt  }
0x5f: {  	_ =	shalt  }
0x60: {  	_ =	shalt  }
0x61: {  	_ =	shalt  }
0x62: {  	_ =	shalt  }
0x63: {  	_ =	shalt  }
0x64: {  	_ =	shalt  }
0x65: {  	_ =	shalt  }
0x66: {  	_ =	shalt  }
0x67: {  	_ =	shalt  }
0x68: {  	_ =	shalt  }
0x69: {  	_ =	shalt  }
0x6a: {  	_ =	shalt  }
0x6b: {  	_ =	shalt  }
0x6c: {  	_ =	shalt  }
0x6d: {  	_ =	shalt  }
0x6e: {  	_ =	shalt  }
0x6f: {  	_ =	shalt  }
0x70: {  	_ =	shalt  }
0x71: {  	_ =	shalt  }
0x72: {  	_ =	shalt  }
0x73: {  	_ =	shalt  }
0x74: {  	_ =	shalt  }
0x75: {  	_ =	shalt  }
0x76: {  	_ =	shalt  }
0x77: {  	_ =	shalt  }
0x78: {  	_ =	shalt  }
0x79: {  	_ =	shalt  }
0x7a: {  	_ =	shalt  }
0x7b: {  	_ =	shalt  }
0x7c: {  	_ =	shalt  }
0x7d: {  	_ =	shalt  }
0x7e: {  	_ =	shalt  }
0x7f: {  	_ =	shalt  }
0x80: {  	_ =	shalt  }
0x81: {  	_ =	shalt  }
0x82: {  	_ =	shalt  }
0x83: {  	_ =	shalt  }
0x84: {  	_ =	shalt  }
0x85: {  	_ =	shalt  }
0x86: {  	_ =	shalt  }
0x87: {  	_ =	shalt  }
.Lfunc_end0:
.L_simem_size_0:
called_computation.1_lowered:
.L_overlay_start_0:
0x88: {  	s2 =	sld [smem:$0x3FD9]  }
0x89: {  	s3 =	sld [smem:$0x3FFE];
	_ =	sdelay $0x1  }
0x8a: {  	s1 =	srdreg.scid  }
0x8b: {  	s0 =	sand.u32 $0x1, s1  }
0x8c: {  	s14 =	sshll.u32 s0, $0xA;
	s2 =	sadd.s32 s3, s2  }
0x8d: {  	s2 =	sadd.s32 s2, s14  }
0x8e: {  	[smem:$0x3FBC] =	sst s2  }
0x8f: {  	_ = 	snop  }
0x90: {  	s2 =	sld [smem:$0x3FD0];
	_ =	sdelay $0x2  }
0x91: {  	s15 =	simm.s32 $0xA;
	s4 =	simm.s32 $0x10  }
0x92: {  	[smem:s4], [sflag:s15] =	dma.local [hbm:s2], $0x1  }
0x93: {  	_ =	swait.eq [sflag:s15], $0x1  }
0x94: {  	[sflag:s15] =	ssyncset.done $0x0  }
0x95: {  	s16 =	sld [smem:$0x15];
	[sflag:s15] =	ssyncadd.s32 $0xFFFFFFFF  }
0x96: {  	s17 =	sld [smem:$0x16];
	(tm) =	ssettm $0x1  }
0x97: {  	s18 =	sld [smem:$0x3FFB];
	_ =	sdelay $0x3  }
0x98: {  	_ =	strace s18  }
0x99: {  	s4 =	sld [smem:$0x3FFC];
	_ =	sdelay $0x3  }
0x9a: {  	_ =	strace s4  }
0x9b: {  	s4 =	sld [smem:$0x3FFD];
	_ =	sdelay $0x3  }
0x9c: {  	_ =	strace s4  }
0x9d: {  	_ =	strace $0x8FFFFFFF  }
0x9e: {  	s19 =	sld [smem:$0x3FDB];
	_ =	sdelay $0x1  }
0x9f: {  	s5 =	simm.s32 $_scs_section_size  }
0xa0: {  	s6 =	simm.s32 $_size__tile_overlayer_lowered;
	s7 =	simm.s32 $_tile_overlayer_lowered  }
0xa1: {  	s22 =	simm.s32 $0x1BFF;
	s21 =	sshll.u32 s7, $0x1;
	s4 =	sadd.s32 s5, s19  }
0xa2: {  	s8 =	simm.s32 $0x0;
	s20 =	sshll.u32 s6, $0x1;
	s6 =	sadd.s32 s21, s4  }
0xa3: {  	[timem:s8], [sflag:s22] =	dma.local [hbm:s6], s20  }
0xa4: {  	_ =	swait.ge [sflag:s22], s20  }
0xa5: {  	s5 =	ssub.s32 $0x0, s20;
	[sflag:s22] =	ssyncset.done $0x0  }
0xa6: {  	[sflag:s22] =	ssyncadd.s32 s5;
	_ =	sdelay $0x1  }
0xa7: {  	s23 =	simm.s32 $0x1B8B  }
0xa8: {  	_ =	swait.ge [sflag:s23], $0x1  }
0xa9: {  	[sflag:s23] =	ssyncset.done $0x0  }
0xaa: {  	s25 =	simm.s32 $0x1B8E;
	s24 =	sld [smem:$0x3FFE];
	[sflag:s23] =	ssyncadd.s32 $0xFFFFFFFF  }
0xab: {  	s26 =	simm.s32 $execute0_lowered;
	[smem:$0x3FD2] =	sst s25  }
0xac: {  	s6 =	sshll.u32 s26, $0x1;
	_ =	strace $0x80000049;
	[dreg:$0x1] =	wrdreg $0xFFFFFFFF  }
0xad: {  	s28 =	simm.s32 $_size_execute0_lowered;
	s4 =	sadd.s32 s4, s6;
	[dreg:$0x0] =	wrdreg $0x0  }
0xae: {  	s6 =	sshll.u32 s28, $0x1;
	[dreg:$0x2] =	wrdreg s4  }
0xaf: {  	[dreg:$0x3] =	wrdreg s6  }
0xb0: {  	[dreg:$0x4] =	wrdreg $0xC0  }
0xb1: {  	_ =	task [dreg:s8], $0x5FFFF  }
0xb2: {  	[dreg:$0x1] =	wrdreg $0xFFFFFFFF  }
0xb3: {  	[dreg:$0x0] =	wrdreg $0x60  }
0xb4: {  	[dreg:$0x2] =	wrdreg s17  }
0xb5: {  	[dreg:$0x3] =	wrdreg s24  }
0xb6: {  	[dreg:$0x4] =	wrdreg s16  }
0xb7: {  	[dreg:$0x5] =	wrdreg $0x90000  }
0xb8: {  	[dreg:$0x6] =	wrdreg $0x9  }
0xb9: {  	_ =	task.clear_ibuf [dreg:s8], $0x7FFFF;
	_ =	strace $0x90000049  }
0xba: {  	s29 =	simm.s32 $0x9;
	_ =	strace $0x8000004B  }
0xbb: {  	_ =	swait.ge [sflag:s29], $0x1  }
0xbc: {  	[sflag:s29] =	ssyncadd.s32 $0xFFFFFFFF  }
0xbd: {  	_ =	strace $0x9000004B  }
0xbe: {  	_ =	sfence  }
0xbf: {  	s30 =	sld [smem:$0x0];
	_ =	sdelay $0x2  }
0xc0: {  	s31 =	sshll.u32 s1, $0xD;
	s1 =	sshrl.u32 s1, $0x2  }
0xc1: {  	s3 =	sand.u32 $0x4000, s31;
	s1 =	sadd.s32 s1, s30  }
0xc2: {  	s0 =	sor.u32 s3, s0;
	s1 =	sshll.u32 s1, $0x11  }
0xc3: {  	s0 =	sor.u32 s1, s0  }
0xc4: {  	s0 =	sadd.s32 $0x8F2B, s0  }
0xc5: {  	[sflag:s0] =	ssyncadd.remote.s32 $0x1  }
0xc6: {  	_ =	sfence.sel $0xFFFF  }
0xc7: {  	[dreg:$0x0] =	wrdreg $0xFFFFFFFF;
	(pc) =	sbr.abs _section_cstart, $3  }
0xc8: {  	[dreg:$0x1] =	wrdreg $0xFFFFFFFF  }
0xc9: {  	_ =	task.clear_ibuf [dreg:s8], $0x2FFFF;
	_ =	strace $0x9FFFFFFF  }
0xca: {  	(tm) =	ssettm $0x7FFFFFFF  }
0xcb: {  	_ =	shalt  }
tec
execute0_lowered:
.L_overlay_start_1:
0x0: {  	(tag) =	ssettag $0x1  }
0x1: {  	s0 =	rddreg [dreg:$0x0]  }
0x2: {  	s6 =	rddreg [dreg:$0x1]  }
0x3: {  	s2 =	rddreg [dreg:$0x2]  }
0x4: {  	s1 =	srdreg.scid;
	s4 =	rddreg [dreg:$0x3]  }
0x5: {  	s5 =	simm.s32 $0x0;
	s17 =	simm.s32 $0x2800;
	s18 =	simm.s32 $0x80  }
0x6: {  	s19 =	simm.s32 $0x5000;
	s20 =	simm.s32 $0x1;
	s7 =	sand.u32 $0x1, s1  }
0x7: {  	s21 =	simm.s32 $0x0;
	s1 =	stileid.u32;
	s8 =	smul.u32 $0x140000, s7  }
0x8: {  	[smem:$0x7FF] =	sst s5;
	s3 =	sshll.u32 s7, $0x4;
	s10 =	smul.u32 $0x14000, s1  }
0x9: {  	s25 =	smul.u32 $0x50000, s1;
	s26 =	ssub.s32 $0x2, s7;
	s30 =	sshll.u32 s1, $0x6  }
0xa: {  	s9 =	sor.u32 s1, s3;
	s3 =	rddreg [dreg:$0x4];
	_ =	strace $0x8000004A  }
0xb: {  	s29 =	sshrl.u32 s26, $0x1;
	s9 =	smul.u32 $0x500, s9;
	s8 =	sadd.s32 s10, s8  }
0xc: {  	s28 =	sshrl.u32 s25, $0x2;
	s31 =	ssub.s32 s26, s29;
	s8 =	sshrl.u32 s8, $0x3  }
0xd: {  	s12 =	sadd.s32 s28, s4;
	s10 =	smax.u32 s31, $0x1;
	s9 =	sadd.s32 s9, s6  }
0xe: {  	s11 =	sadd.s32 s8, s6;
	s6 =	sor.u32 $0x1C02, s30;
	s13 =	sadd.s32 $0x4000, s12  }
0xf: {  	s14 =	sadd.s32 $0x8000, s12;
	s15 =	sadd.s32 $0xC000, s12;
	s16 =	sadd.s32 $0x10000, s12  }
0x10: {  	s7 =	sadd.s32 $0xEE00, s9;
	s8 =	sadd.s32 $0x4E00, s9;
	s9 =	sadd.s32 $0x18E00, s11  }
0x11: {  	s11 =	sshrl.u32 s12, $0x3;
	s12 =	simm.s32 $0x2;
	s13 =	sshrl.u32 s13, $0x3  }
0x12: {  	s14 =	sshrl.u32 s14, $0x3;
	s15 =	sshrl.u32 s15, $0x3;
	s16 =	sshrl.u32 s16, $0x3  }
.LBB2_1:
0x13: {  	[spmem:s11], [sflag:s6] =	dma.local [hbm:s2], $0x800  }
0x14: {  	_ =	swait.ge [sflag:s12], $0x800  }
0x15: {  	[sflag:s12] =	ssyncset.done $0x0  }
0x16: {  	[sflag:s12] =	ssyncadd.s32 $0xFFFFF800  }
0x17: {  	[spmem:s13], [sflag:s6] =	dma.local [hbm:s2], $0x800  }
0x18: {  	_ =	swait.ge [sflag:s12], $0x800  }
0x19: {  	[sflag:s12] =	ssyncset.done $0x0  }
0x1a: {  	[sflag:s12] =	ssyncadd.s32 $0xFFFFF800  }
0x1b: {  	[spmem:s14], [sflag:s6] =	dma.local [hbm:s2], $0x800  }
0x1c: {  	_ =	swait.ge [sflag:s12], $0x800  }
0x1d: {  	[sflag:s12] =	ssyncset.done $0x0  }
0x1e: {  	[sflag:s12] =	ssyncadd.s32 $0xFFFFF800  }
0x1f: {  	[spmem:s15], [sflag:s6] =	dma.local [hbm:s2], $0x800  }
0x20: {  	_ =	swait.ge [sflag:s12], $0x800  }
0x21: {  	[sflag:s12] =	ssyncset.done $0x0  }
0x22: {  	[sflag:s12] =	ssyncadd.s32 $0xFFFFF800  }
0x23: {  	[spmem:s16], [sflag:s6] =	dma.local [hbm:s2], $0x800  }
0x24: {  	_ =	swait.ge [sflag:s12], $0x800  }
0x25: {  	[sflag:s12] =	ssyncset.done $0x0  }
0x26: {  	[sflag:s12] =	ssyncadd.s32 $0xFFFFF800  }
0x27: {  	[tilespmem:s5], [sflag:$0x2] =	stream.linear.gather [hbm4b:s7+s5], $0x2780, $0x38;
	[tilespmem:$0x1D000] =	vst v63  }
0x28: {  	_ =	swait.ge [sflag:s12], $0x2780  }
0x29: {  	[sflag:s12] =	ssyncset.done $0x0  }
0x2a: {  	[sflag:s12] =	ssyncadd.s32 $0xFFFFD880  }
0x2b: {  	[tilespmem:s17], [sflag:$0x2] =	stream.linear.gather [hbm4b:s8+s5], $0x2780, $0x38;
	[tilespmem:$0x1D000] =	vst v63  }
0x2c: {  	_ =	swait.ge [sflag:s12], $0x2780  }
0x2d: {  	[sflag:s12] =	ssyncset.done $0x0  }
0x2e: {  	[sflag:s12] =	ssyncadd.s32 $0xFFFFD880  }
0x2f: {  	s22 =	simm.s32 $0x0;
	[bflag:$0x0] =	sbarrier.arrive $0xFFFF  }
0x30: {  	[tilespmem:s19], [sflag:$0x1] =	stream.indirect.gather [hbm4b:s0+s18], $0x80, s22, s18, $0xb8;
	[tilespmem:$0x1D000] =	vst v63  }
0x31: {  	_ =	swait.ge [sflag:s20], $0x4000  }
0x32: {  	[sflag:s20] =	ssyncset.done $0x0  }
0x33: {  	s31 =	simm.s32 $0x2800;
	[sflag:s20] =	ssyncadd.s32 $0xFFFFC000  }
0x34: {  	[spmem:s4] =	stream.indirect.scatter.add.f32 [tilespmem:s19], [sflag:$0x2], $0x80, s31, s18, $0xb8;
	[tilespmem:$0x1D000] =	vst v63  }
0x35: {  	_ =	swait.ge [sflag:s12], $0x4000  }
0x36: {  	s23 =	simm.s32 $0x400;
	s22 =	simm.s32 $0x200;
	[sflag:s12] =	ssyncset.done $0x0  }
.LBB2_2:
0x37: {  	s24 =	sshra.s32 s22, $0x2  }
0x38: {  	[sflag:s12] =	ssyncadd.s32 $0xFFFFC000;
	s22 =	smov.u32 s23;
	s25 =	sadd.s32 $0x200, s23  }
0x39: {  	[tilespmem:s19], [sflag:$0x1] =	stream.indirect.gather [hbm4b:s0+s18], $0x80, s24, s18, $0xb8;
	[tilespmem:$0x1D000] =	vst v63  }
0x3a: {  	p0 =	sne.s32 s23, $0x9C00;
	_ =	swait.ge [sflag:s20], $0x4000  }
.Ltmp0:
0x3b: {  	[sflag:s20] =	ssyncset.done $0x0;
	(pc) =	sbr.rel @p0 .LBB2_2-.Ltmp0, $4  }
0x3c: {  	s23 =	sadd.s32 $0x2800, s24;
	[sflag:s20] =	ssyncadd.s32 $0xFFFFC000  }
0x3d: {  	[spmem:s4] =	stream.indirect.scatter.add.f32 [tilespmem:s19], [sflag:$0x2], $0x80, s23, s18, $0xb8;
	[tilespmem:$0x1D000] =	vst v63  }
0x3e: {  	_ =	swait.ge [sflag:s12], $0x4000  }
0x3f: {  	s23 =	smov.u32 s25;
	[sflag:s12] =	ssyncset.done $0x0  }
0x40: {  	s22 =	sshra.s32 s22, $0x2;
	[sflag:s12] =	ssyncadd.s32 $0xFFFFC000  }
0x41: {  	[tilespmem:s19], [sflag:$0x1] =	stream.indirect.gather [hbm4b:s0+s18], $0x80, s22, s18, $0xb8;
	[tilespmem:$0x1D000] =	vst v63  }
0x42: {  	_ =	swait.ge [sflag:s20], $0x4000  }
0x43: {  	[sflag:s20] =	ssyncset.done $0x0  }
0x44: {  	s22 =	sadd.s32 $0x2800, s22;
	[sflag:s20] =	ssyncadd.s32 $0xFFFFC000  }
0x45: {  	[spmem:s4] =	stream.indirect.scatter.add.f32 [tilespmem:s19], [sflag:$0x2], $0x80, s22, s18, $0xb8;
	[tilespmem:$0x1D000] =	vst v63  }
0x46: {  	_ =	swait.ge [sflag:s12], $0x4000  }
0x47: {  	s21 =	sadd.s32 $0x1, s21;
	[sflag:s12] =	ssyncset.done $0x0  }
0x48: {  	p0 =	sne.s32 s21, s10;
	[sflag:s12] =	ssyncadd.s32 $0xFFFFC000  }
.Ltmp1:
0x49: {  	[bflag:$0x0] =	sbarrier.arrive $0xFFFF;
	(pc) =	sbr.rel @p0 .LBB2_1-.Ltmp1, $4  }
0x4a: {  	[hbm:s9], [sflag:s6] =	dma.local [spmem:s11], $0x2800  }
0x4b: {  	_ =	swait.ge [sflag:s12], $0x2800  }
0x4c: {  	[sflag:s12] =	ssyncset.done $0x0  }
0x4d: {  	[sflag:s12] =	ssyncadd.s32 $0xFFFFD800  }
0x4e: {  	_ =	sfence.sel $0x180000  }
0x4f: {  	[bflag:$0x0] =	sbarrier.arrive $0xFFFF  }
0x50: {  	p0 =	sne.s32 s1, $0x0;
	_ =	strace $0x9000004A  }
0x51: {  	s0 =	sadd.s32 @!p0 $0x100000, s3;
	[bflag:$0x2] =	sbarrier.arrive $0xFFFF  }
0x52: {  	[sflag:s0] =	ssyncadd.tile.s32 @!p0 $0x1;
	_ =	shalt  }
.Lfunc_end2:
_tile_overlayer_lowered:
.L_overlay_start_2:
0x53: {  	(tag) =	ssettag $0x2  }
0x54: {  	s0 =	rddreg [dreg:$0x0];
	s2 =	stileid.u32  }
0x55: {  	s1 =	rddreg [dreg:$0x1];
	p0 =	sne.s32 s2, $0x0  }
0x56: {  	s3 =	rddreg [dreg:$0x2];
	[bflag:$0x3] =	sbarrier.arrive $0xFFFF;
	s2 =	simm.s32 @!p0 $0x1C02  }
0x57: {  	[timem:s3], [sflag:s2] =	dma.local @!p0 [hbm:s0], s1  }
0x58: {  	s0 =	simm.s32 @!p0 $0x2  }
0x59: {  	_ =	swait.ge @!p0 [sflag:s0], s1  }
0x5a: {  	s1 =	ssub.s32 @!p0 $0x0, s1;
	[sflag:s0] =	ssyncset.done @!p0 $0x0  }
0x5b: {  	[sflag:s0] =	ssyncadd.s32 @!p0 s1  }
0x5c: {  	[bflag:$0x3] =	sbarrier.arrive $0xFFFF  }
0x5d: {  	_ =	shalt  }

// kernel: kernel.18.cloned.1.call-start
scs
__scs_entry_jumppad:
0x0: {  	(pc) =	sbr.rel $0x88, $3  }
0x1: {  	(tag) =	ssettag $0x0;
	lr =	simm.s32 $0x1  }
0x2: {  	[smem:$0x3F95] =	sst lr;
	_ =	strace $0xD0000000  }
0x3: {  	_ = 	snop  }
0x4: {  	_ = 	snop  }
0x5: {  	_ = 	snop  }
0x6: {  	_ = 	snop  }
0x7: {  	_ = 	snop  }
__scs_overlays_trampoline_lowered:
0x8: {  	[smem:$0x3FA4] =	sst s0  }
0x9: {  	[smem:$0x3FA5] =	sst s1  }
0xa: {  	[smem:$0x3FA6] =	sst s2  }
0xb: {  	[smem:$0x3FA7] =	sst s3  }
0xc: {  	[smem:$0x3FA8] =	sst s4  }
0xd: {  	[smem:$0x3FA9] =	sst s5  }
0xe: {  	[smem:$0x3FAA] =	sst s6  }
0xf: {  	[smem:$0x3FAB] =	sst s7  }
0x10: {  	[smem:$0x3FAC] =	sst s8  }
0x11: {  	[smem:$0x3FAD] =	sst s9;
	s0 =	simm.s32 @!p0 $0x0  }
0x12: {  	s1 =	sld [smem:$0x3F93];
	s0 =	simm.s32 @p0 $0x1  }
0x13: {  	[smem:$0x3FAE] =	sst s0;
	s0 =	simm.s32 @!p1 $0x0  }
0x14: {  	s2 =	sld [smem:$0x3F92];
	s0 =	simm.s32 @p1 $0x1  }
0x15: {  	[smem:$0x3FAF] =	sst s0;
	s0 =	simm.s32 @!p2 $0x0  }
0x16: {  	s3 =	sld [smem:$0x3FDB];
	s0 =	simm.s32 @p2 $0x1  }
0x17: {  	s4 =	simm.s32 $0x1BF5;
	[smem:$0x3FB1] =	sst s0  }
0x18: {  	s0 =	sld [smem:$0x3F94];
	_ =	swait.ge [sflag:s4], $0x0  }
0x19: {  	s7 =	sld [smem:$0x3F95]  }
0x1a: {  	s8 =	sadd.s32 $0xFFFFE003, lr  }
0x1b: {  	s9 =	sadd.s32 $0xFFFFFEF7, lr;
	s5 =	simm.s32 $0xFFFFFFFF;
	p2 =	slt.u32 s8, $0xFFFFF086  }
0x1c: {  	p1 =	slt.u32 s9, $0xF7A;
	s5 =	simm.s32 @!p2 $0x0  }
0x1d: {  	s5 =	simm.s32 @p1 $0x1;
	p0 =	seq.s32 s7, s2  }
0x1e: {  	s7 =	smul.u32 @!p0 $0xF7A, s2;
	p2 =	seq.s32 @!p0 s5, $0x0  }
0x1f: {  	s9 =	smul.u32 $0xF7A, s1;
	s8 =	simm.s32 @!p0 $0x1BF5;
	p2 =	por !p2, p0  }
0x20: {  	[sflag:s8] =	ssyncset.s32 @!p0 $0xFFFFF086;
	s6 =	sadd.s32 @!p0 s3, s7;
	s7 =	simm.s32 @!p0 $0x108  }
0x21: {  	s3 =	sadd.s32 s3, s9;
	s6 =	sadd.s32 @!p0 $0x88, s6;
	s7 =	simm.s32 @p2 $0x1082  }
0x22: {  	[simem:s7], [sflag:s8] =	dma.local @!p0 [hbm:s6], $0xF7A  }
0x23: {  	s9 =	sor.u32 $0xD0000000, s2;
	s6 =	simm.s32 $0x108;
	_ =	swait.ge @!p0 [sflag:s8], $0x0  }
0x24: {  	s3 =	sadd.s32 $0x88, s3;
	s6 =	simm.s32 @!p1 $0x1082;
	[sflag:s4] =	ssyncset.s32 $0xFFFFF086  }
0x25: {  	[simem:s6], [sflag:s4] =	dma.local [hbm:s3], $0xF7A  }
0x26: {  	[smem:$0x3F95] =	sst s1;
	(tag) =	ssettag s2;
	_ =	strace s9  }
0x27: {  	s1 =	sld [smem:$0x3FA5]  }
0x28: {  	s2 =	sld [smem:$0x3FA6]  }
0x29: {  	s4 =	sld [smem:$0x3FA8]  }
0x2a: {  	p0 =	seq.s32 s5, $0x0;
	s5 =	sld [smem:$0x3FA9]  }
0x2b: {  	s6 =	sld [smem:$0x3FAA]  }
0x2c: {  	s7 =	sld [smem:$0x3FAB]  }
0x2d: {  	s3 =	simm.s32 $0x108;
	s8 =	sld [smem:$0x3FAC]  }
0x2e: {  	s3 =	simm.s32 @!p0 $0x1082;
	s9 =	sld [smem:$0x3FAD]  }
0x2f: {  	lr =	sadd.s32 s0, s3;
	s0 =	sld [smem:$0x3FA4]  }
0x30: {  	s3 =	sld [smem:$0x3FA7]  }
0x31: {  	[smem:$0x3FB0] =	sst s10  }
0x32: {  	s10 =	sld [smem:$0x3FAE];
	_ =	sdelay $0x3  }
0x33: {  	p0 =	seq.s32 s10, $0x1;
	s10 =	sld [smem:$0x3FB0];
	_ =	sdelay $0x3  }
0x34: {  	[smem:$0x3FB0] =	sst s10  }
0x35: {  	s10 =	sld [smem:$0x3FAF];
	_ =	sdelay $0x3  }
0x36: {  	p1 =	seq.s32 s10, $0x1;
	s10 =	sld [smem:$0x3FB0];
	_ =	sdelay $0x3  }
0x37: {  	[smem:$0x3FB0] =	sst s10  }
0x38: {  	s10 =	sld [smem:$0x3FB1]  }
0x39: {  	_ = 	snop;
	(pc) =	sbr.ind lr, $3  }
0x3a: {  	_ = 	snop  }
0x3b: {  	_ = 	snop  }
0x3c: {  	p2 =	seq.s32 s10, $0x1;
	s10 =	sld [smem:$0x3FB0]  }
0x3d: {  	_ =	shalt  }
0x3e: {  	_ =	shalt  }
0x3f: {  	_ =	shalt  }
0x40: {  	_ =	shalt  }
0x41: {  	_ =	shalt  }
0x42: {  	_ =	shalt  }
0x43: {  	_ =	shalt  }
0x44: {  	_ =	shalt  }
0x45: {  	_ =	shalt  }
0x46: {  	_ =	shalt  }
0x47: {  	_ =	shalt  }
0x48: {  	_ =	shalt  }
0x49: {  	_ =	shalt  }
0x4a: {  	_ =	shalt  }
0x4b: {  	_ =	shalt  }
0x4c: {  	_ =	shalt  }
0x4d: {  	_ =	shalt  }
0x4e: {  	_ =	shalt  }
0x4f: {  	_ =	shalt  }
0x50: {  	_ =	shalt  }
0x51: {  	_ =	shalt  }
0x52: {  	_ =	shalt  }
0x53: {  	_ =	shalt  }
0x54: {  	_ =	shalt  }
0x55: {  	_ =	shalt  }
0x56: {  	_ =	shalt  }
0x57: {  	_ =	shalt  }
0x58: {  	_ =	shalt  }
0x59: {  	_ =	shalt  }
0x5a: {  	_ =	shalt  }
0x5b: {  	_ =	shalt  }
0x5c: {  	_ =	shalt  }
0x5d: {  	_ =	shalt  }
0x5e: {  	_ =	shalt  }
0x5f: {  	_ =	shalt  }
0x60: {  	_ =	shalt  }
0x61: {  	_ =	shalt  }
0x62: {  	_ =	shalt  }
0x63: {  	_ =	shalt  }
0x64: {  	_ =	shalt  }
0x65: {  	_ =	shalt  }
0x66: {  	_ =	shalt  }
0x67: {  	_ =	shalt  }
0x68: {  	_ =	shalt  }
0x69: {  	_ =	shalt  }
0x6a: {  	_ =	shalt  }
0x6b: {  	_ =	shalt  }
0x6c: {  	_ =	shalt  }
0x6d: {  	_ =	shalt  }
0x6e: {  	_ =	shalt  }
0x6f: {  	_ =	shalt  }
0x70: {  	_ =	shalt  }
0x71: {  	_ =	shalt  }
0x72: {  	_ =	shalt  }
0x73: {  	_ =	shalt  }
0x74: {  	_ =	shalt  }
0x75: {  	_ =	shalt  }
0x76: {  	_ =	shalt  }
0x77: {  	_ =	shalt  }
0x78: {  	_ =	shalt  }
0x79: {  	_ =	shalt  }
0x7a: {  	_ =	shalt  }
0x7b: {  	_ =	shalt  }
0x7c: {  	_ =	shalt  }
0x7d: {  	_ =	shalt  }
0x7e: {  	_ =	shalt  }
0x7f: {  	_ =	shalt  }
0x80: {  	_ =	shalt  }
0x81: {  	_ =	shalt  }
0x82: {  	_ =	shalt  }
0x83: {  	_ =	shalt  }
0x84: {  	_ =	shalt  }
0x85: {  	_ =	shalt  }
0x86: {  	_ =	shalt  }
0x87: {  	_ =	shalt  }
.Lfunc_end0:
.L_simem_size_0:
called_computation.2_lowered:
.L_overlay_start_0:
0x88: {  	s2 =	sld [smem:$0x3FD9]  }
0x89: {  	s3 =	sld [smem:$0x3FFE];
	_ =	sdelay $0x1  }
0x8a: {  	s1 =	srdreg.scid  }
0x8b: {  	s0 =	sand.u32 $0x1, s1  }
0x8c: {  	s14 =	sshll.u32 s0, $0xA;
	s2 =	sadd.s32 s3, s2  }
0x8d: {  	s2 =	sadd.s32 s2, s14  }
0x8e: {  	[smem:$0x3FBC] =	sst s2  }
0x8f: {  	_ = 	snop  }
0x90: {  	s2 =	sld [smem:$0x3FD0];
	_ =	sdelay $0x2  }
0x91: {  	s15 =	simm.s32 $0xA;
	s4 =	simm.s32 $0x10  }
0x92: {  	[smem:s4], [sflag:s15] =	dma.local [hbm:s2], $0x1  }
0x93: {  	_ =	swait.eq [sflag:s15], $0x1  }
0x94: {  	[sflag:s15] =	ssyncset.done $0x0  }
0x95: {  	s16 =	sld [smem:$0x15];
	[sflag:s15] =	ssyncadd.s32 $0xFFFFFFFF  }
0x96: {  	s17 =	sld [smem:$0x16];
	(tm) =	ssettm $0x1  }
0x97: {  	s18 =	sld [smem:$0x3FFB];
	_ =	sdelay $0x3  }
0x98: {  	_ =	strace s18  }
0x99: {  	s4 =	sld [smem:$0x3FFC];
	_ =	sdelay $0x3  }
0x9a: {  	_ =	strace s4  }
0x9b: {  	s4 =	sld [smem:$0x3FFD];
	_ =	sdelay $0x3  }
0x9c: {  	_ =	strace s4  }
0x9d: {  	_ =	strace $0x8FFFFFFF  }
0x9e: {  	s19 =	sld [smem:$0x3FDB];
	_ =	sdelay $0x1  }
0x9f: {  	s5 =	simm.s32 $_scs_section_size  }
0xa0: {  	s6 =	simm.s32 $_size__tile_overlayer_lowered;
	s7 =	simm.s32 $_tile_overlayer_lowered  }
0xa1: {  	s22 =	simm.s32 $0x1BFF;
	s21 =	sshll.u32 s7, $0x1;
	s4 =	sadd.s32 s5, s19  }
0xa2: {  	s8 =	simm.s32 $0x0;
	s20 =	sshll.u32 s6, $0x1;
	s6 =	sadd.s32 s21, s4  }
0xa3: {  	[timem:s8], [sflag:s22] =	dma.local [hbm:s6], s20  }
0xa4: {  	_ =	swait.ge [sflag:s22], s20  }
0xa5: {  	s5 =	ssub.s32 $0x0, s20;
	[sflag:s22] =	ssyncset.done $0x0  }
0xa6: {  	[sflag:s22] =	ssyncadd.s32 s5;
	_ =	sdelay $0x1  }
0xa7: {  	s23 =	simm.s32 $0x1B8B  }
0xa8: {  	_ =	swait.ge [sflag:s23], $0x1  }
0xa9: {  	[sflag:s23] =	ssyncset.done $0x0  }
0xaa: {  	s25 =	simm.s32 $0x1B8E;
	s24 =	sld [smem:$0x3FFE];
	[sflag:s23] =	ssyncadd.s32 $0xFFFFFFFF  }
0xab: {  	s26 =	simm.s32 $execute0_lowered;
	[smem:$0x3FD2] =	sst s25  }
0xac: {  	s6 =	sshll.u32 s26, $0x1;
	_ =	strace $0x8000004C;
	[dreg:$0x1] =	wrdreg $0xFFFFFFFF  }
0xad: {  	s28 =	simm.s32 $_size_execute0_lowered;
	s4 =	sadd.s32 s4, s6;
	[dreg:$0x0] =	wrdreg $0x0  }
0xae: {  	s6 =	sshll.u32 s28, $0x1;
	[dreg:$0x2] =	wrdreg s4  }
0xaf: {  	[dreg:$0x3] =	wrdreg s6  }
0xb0: {  	[dreg:$0x4] =	wrdreg $0xC0  }
0xb1: {  	_ =	task [dreg:s8], $0x5FFFF  }
0xb2: {  	[dreg:$0x1] =	wrdreg $0xFFFFFFFF  }
0xb3: {  	[dreg:$0x0] =	wrdreg $0x60  }
0xb4: {  	[dreg:$0x2] =	wrdreg s17  }
0xb5: {  	[dreg:$0x3] =	wrdreg s24  }
0xb6: {  	[dreg:$0x4] =	wrdreg s16  }
0xb7: {  	[dreg:$0x5] =	wrdreg $0x90000  }
0xb8: {  	[dreg:$0x6] =	wrdreg $0x9  }
0xb9: {  	_ =	task.clear_ibuf [dreg:s8], $0x7FFFF;
	_ =	strace $0x9000004C  }
0xba: {  	s29 =	simm.s32 $0x9;
	_ =	strace $0x8000004E  }
0xbb: {  	_ =	swait.ge [sflag:s29], $0x1  }
0xbc: {  	[sflag:s29] =	ssyncadd.s32 $0xFFFFFFFF  }
0xbd: {  	_ =	strace $0x9000004E  }
0xbe: {  	_ =	sfence  }
0xbf: {  	s30 =	sld [smem:$0x0];
	_ =	sdelay $0x2  }
0xc0: {  	s31 =	sshll.u32 s1, $0xD;
	s1 =	sshrl.u32 s1, $0x2  }
0xc1: {  	s3 =	sand.u32 $0x4000, s31;
	s1 =	sadd.s32 s1, s30  }
0xc2: {  	s0 =	sor.u32 s3, s0;
	s1 =	sshll.u32 s1, $0x11  }
0xc3: {  	s0 =	sor.u32 s1, s0  }
0xc4: {  	s0 =	sadd.s32 $0x8F2B, s0  }
0xc5: {  	[sflag:s0] =	ssyncadd.remote.s32 $0x1  }
0xc6: {  	_ =	sfence.sel $0xFFFF  }
0xc7: {  	[dreg:$0x0] =	wrdreg $0xFFFFFFFF;
	(pc) =	sbr.abs _section_cstart, $3  }
0xc8: {  	[dreg:$0x1] =	wrdreg $0xFFFFFFFF  }
0xc9: {  	_ =	task.clear_ibuf [dreg:s8], $0x2FFFF;
	_ =	strace $0x9FFFFFFF  }
0xca: {  	(tm) =	ssettm $0x7FFFFFFF  }
0xcb: {  	_ =	shalt  }
tec
execute0_lowered:
.L_overlay_start_1:
0x0: {  	(tag) =	ssettag $0x1  }
0x1: {  	s0 =	rddreg [dreg:$0x0]  }
0x2: {  	s6 =	rddreg [dreg:$0x1]  }
0x3: {  	s2 =	rddreg [dreg:$0x2]  }
0x4: {  	s1 =	srdreg.scid;
	s4 =	rddreg [dreg:$0x3]  }
0x5: {  	s5 =	simm.s32 $0x0;
	s17 =	simm.s32 $0x2800;
	s18 =	simm.s32 $0x80  }
0x6: {  	s19 =	simm.s32 $0x5000;
	s20 =	simm.s32 $0x1;
	s7 =	sand.u32 $0x1, s1  }
0x7: {  	s21 =	simm.s32 $0x0;
	s1 =	stileid.u32;
	s8 =	smul.u32 $0x140000, s7  }
0x8: {  	[smem:$0x7FF] =	sst s5;
	s3 =	sshll.u32 s7, $0x4;
	s10 =	smul.u32 $0x14000, s1  }
0x9: {  	s25 =	smul.u32 $0x50000, s1;
	s26 =	ssub.s32 $0x2, s7;
	s30 =	sshll.u32 s1, $0x6  }
0xa: {  	s9 =	sor.u32 s1, s3;
	s3 =	rddreg [dreg:$0x4];
	_ =	strace $0x8000004D  }
0xb: {  	s29 =	sshrl.u32 s26, $0x1;
	s9 =	smul.u32 $0x500, s9;
	s8 =	sadd.s32 s10, s8  }
0xc: {  	s28 =	sshrl.u32 s25, $0x2;
	s31 =	ssub.s32 s26, s29;
	s8 =	sshrl.u32 s8, $0x3  }
0xd: {  	s12 =	sadd.s32 s28, s4;
	s10 =	smax.u32 s31, $0x1;
	s9 =	sadd.s32 s9, s6  }
0xe: {  	s11 =	sadd.s32 s8, s6;
	s6 =	sor.u32 $0x1C02, s30;
	s13 =	sadd.s32 $0x4000, s12  }
0xf: {  	s14 =	sadd.s32 $0x8000, s12;
	s15 =	sadd.s32 $0xC000, s12;
	s16 =	sadd.s32 $0x10000, s12  }
0x10: {  	s7 =	sadd.s32 $0xEE00, s9;
	s8 =	sadd.s32 $0x4E00, s9;
	s9 =	sadd.s32 $0x18E00, s11  }
0x11: {  	s11 =	sshrl.u32 s12, $0x3;
	s12 =	simm.s32 $0x2;
	s13 =	sshrl.u32 s13, $0x3  }
0x12: {  	s14 =	sshrl.u32 s14, $0x3;
	s15 =	sshrl.u32 s15, $0x3;
	s16 =	sshrl.u32 s16, $0x3  }
.LBB2_1:
0x13: {  	[spmem:s11], [sflag:s6] =	dma.local [hbm:s2], $0x800  }
0x14: {  	_ =	swait.ge [sflag:s12], $0x800  }
0x15: {  	[sflag:s12] =	ssyncset.done $0x0  }
0x16: {  	[sflag:s12] =	ssyncadd.s32 $0xFFFFF800  }
0x17: {  	[spmem:s13], [sflag:s6] =	dma.local [hbm:s2], $0x800  }
0x18: {  	_ =	swait.ge [sflag:s12], $0x800  }
0x19: {  	[sflag:s12] =	ssyncset.done $0x0  }
0x1a: {  	[sflag:s12] =	ssyncadd.s32 $0xFFFFF800  }
0x1b: {  	[spmem:s14], [sflag:s6] =	dma.local [hbm:s2], $0x800  }
0x1c: {  	_ =	swait.ge [sflag:s12], $0x800  }
0x1d: {  	[sflag:s12] =	ssyncset.done $0x0  }
0x1e: {  	[sflag:s12] =	ssyncadd.s32 $0xFFFFF800  }
0x1f: {  	[spmem:s15], [sflag:s6] =	dma.local [hbm:s2], $0x800  }
0x20: {  	_ =	swait.ge [sflag:s12], $0x800  }
0x21: {  	[sflag:s12] =	ssyncset.done $0x0  }
0x22: {  	[sflag:s12] =	ssyncadd.s32 $0xFFFFF800  }
0x23: {  	[spmem:s16], [sflag:s6] =	dma.local [hbm:s2], $0x800  }
0x24: {  	_ =	swait.ge [sflag:s12], $0x800  }
0x25: {  	[sflag:s12] =	ssyncset.done $0x0  }
0x26: {  	[sflag:s12] =	ssyncadd.s32 $0xFFFFF800  }
0x27: {  	[tilespmem:s5], [sflag:$0x2] =	stream.linear.gather [hbm4b:s7+s5], $0x2780, $0x38;
	[tilespmem:$0x1D000] =	vst v63  }
0x28: {  	_ =	swait.ge [sflag:s12], $0x2780  }
0x29: {  	[sflag:s12] =	ssyncset.done $0x0  }
0x2a: {  	[sflag:s12] =	ssyncadd.s32 $0xFFFFD880  }
0x2b: {  	[tilespmem:s17], [sflag:$0x2] =	stream.linear.gather [hbm4b:s8+s5], $0x2780, $0x38;
	[tilespmem:$0x1D000] =	vst v63  }
0x2c: {  	_ =	swait.ge [sflag:s12], $0x2780  }
0x2d: {  	[sflag:s12] =	ssyncset.done $0x0  }
0x2e: {  	[sflag:s12] =	ssyncadd.s32 $0xFFFFD880  }
0x2f: {  	s22 =	simm.s32 $0x0;
	[bflag:$0x0] =	sbarrier.arrive $0xFFFF  }
0x30: {  	[tilespmem:s19], [sflag:$0x1] =	stream.indirect.gather [hbm4b:s0+s18], $0x80, s22, s18, $0xb8;
	[tilespmem:$0x1D000] =	vst v63  }
0x31: {  	_ =	swait.ge [sflag:s20], $0x4000  }
0x32: {  	[sflag:s20] =	ssyncset.done $0x0  }
0x33: {  	s31 =	simm.s32 $0x2800;
	[sflag:s20] =	ssyncadd.s32 $0xFFFFC000  }
0x34: {  	[spmem:s4] =	stream.indirect.scatter.add.f32 [tilespmem:s19], [sflag:$0x2], $0x80, s31, s18, $0xb8;
	[tilespmem:$0x1D000] =	vst v63  }
0x35: {  	_ =	swait.ge [sflag:s12], $0x4000  }
0x36: {  	s23 =	simm.s32 $0x400;
	s22 =	simm.s32 $0x200;
	[sflag:s12] =	ssyncset.done $0x0  }
.LBB2_2:
0x37: {  	s24 =	sshra.s32 s22, $0x2  }
0x38: {  	[sflag:s12] =	ssyncadd.s32 $0xFFFFC000;
	s22 =	smov.u32 s23;
	s25 =	sadd.s32 $0x200, s23  }
0x39: {  	[tilespmem:s19], [sflag:$0x1] =	stream.indirect.gather [hbm4b:s0+s18], $0x80, s24, s18, $0xb8;
	[tilespmem:$0x1D000] =	vst v63  }
0x3a: {  	p0 =	sne.s32 s23, $0x9C00;
	_ =	swait.ge [sflag:s20], $0x4000  }
.Ltmp0:
0x3b: {  	[sflag:s20] =	ssyncset.done $0x0;
	(pc) =	sbr.rel @p0 .LBB2_2-.Ltmp0, $4  }
0x3c: {  	s23 =	sadd.s32 $0x2800, s24;
	[sflag:s20] =	ssyncadd.s32 $0xFFFFC000  }
0x3d: {  	[spmem:s4] =	stream.indirect.scatter.add.f32 [tilespmem:s19], [sflag:$0x2], $0x80, s23, s18, $0xb8;
	[tilespmem:$0x1D000] =	vst v63  }
0x3e: {  	_ =	swait.ge [sflag:s12], $0x4000  }
0x3f: {  	s23 =	smov.u32 s25;
	[sflag:s12] =	ssyncset.done $0x0  }
0x40: {  	s22 =	sshra.s32 s22, $0x2;
	[sflag:s12] =	ssyncadd.s32 $0xFFFFC000  }
0x41: {  	[tilespmem:s19], [sflag:$0x1] =	stream.indirect.gather [hbm4b:s0+s18], $0x80, s22, s18, $0xb8;
	[tilespmem:$0x1D000] =	vst v63  }
0x42: {  	_ =	swait.ge [sflag:s20], $0x4000  }
0x43: {  	[sflag:s20] =	ssyncset.done $0x0  }
0x44: {  	s22 =	sadd.s32 $0x2800, s22;
	[sflag:s20] =	ssyncadd.s32 $0xFFFFC000  }
0x45: {  	[spmem:s4] =	stream.indirect.scatter.add.f32 [tilespmem:s19], [sflag:$0x2], $0x80, s22, s18, $0xb8;
	[tilespmem:$0x1D000] =	vst v63  }
0x46: {  	_ =	swait.ge [sflag:s12], $0x4000  }
0x47: {  	s21 =	sadd.s32 $0x1, s21;
	[sflag:s12] =	ssyncset.done $0x0  }
0x48: {  	p0 =	sne.s32 s21, s10;
	[sflag:s12] =	ssyncadd.s32 $0xFFFFC000  }
.Ltmp1:
0x49: {  	[bflag:$0x0] =	sbarrier.arrive $0xFFFF;
	(pc) =	sbr.rel @p0 .LBB2_1-.Ltmp1, $4  }
0x4a: {  	[hbm:s9], [sflag:s6] =	dma.local [spmem:s11], $0x2800  }
0x4b: {  	_ =	swait.ge [sflag:s12], $0x2800  }
0x4c: {  	[sflag:s12] =	ssyncset.done $0x0  }
0x4d: {  	[sflag:s12] =	ssyncadd.s32 $0xFFFFD800  }
0x4e: {  	_ =	sfence.sel $0x180000  }
0x4f: {  	[bflag:$0x0] =	sbarrier.arrive $0xFFFF  }
0x50: {  	p0 =	sne.s32 s1, $0x0;
	_ =	strace $0x9000004D  }
0x51: {  	s0 =	sadd.s32 @!p0 $0x100000, s3;
	[bflag:$0x2] =	sbarrier.arrive $0xFFFF  }
0x52: {  	[sflag:s0] =	ssyncadd.tile.s32 @!p0 $0x1;
	_ =	shalt  }
.Lfunc_end2:
_tile_overlayer_lowered:
.L_overlay_start_2:
0x53: {  	(tag) =	ssettag $0x2  }
0x54: {  	s0 =	rddreg [dreg:$0x0];
	s2 =	stileid.u32  }
0x55: {  	s1 =	rddreg [dreg:$0x1];
	p0 =	sne.s32 s2, $0x0  }
0x56: {  	s3 =	rddreg [dreg:$0x2];
	[bflag:$0x3] =	sbarrier.arrive $0xFFFF;
	s2 =	simm.s32 @!p0 $0x1C02  }
0x57: {  	[timem:s3], [sflag:s2] =	dma.local @!p0 [hbm:s0], s1  }
0x58: {  	s0 =	simm.s32 @!p0 $0x2  }
0x59: {  	_ =	swait.ge @!p0 [sflag:s0], s1  }
0x5a: {  	s1 =	ssub.s32 @!p0 $0x0, s1;
	[sflag:s0] =	ssyncset.done @!p0 $0x0  }
0x5b: {  	[sflag:s0] =	ssyncadd.s32 @!p0 s1  }
0x5c: {  	[bflag:$0x3] =	sbarrier.arrive $0xFFFF  }
0x5d: {  	_ =	shalt  }

// kernel: kernel.21.cloned.1.call-start
scs
__scs_entry_jumppad:
0x0: {  	(pc) =	sbr.rel $0x88, $3  }
0x1: {  	(tag) =	ssettag $0x0;
	lr =	simm.s32 $0x1  }
0x2: {  	[smem:$0x3F95] =	sst lr;
	_ =	strace $0xD0000000  }
0x3: {  	_ = 	snop  }
0x4: {  	_ = 	snop  }
0x5: {  	_ = 	snop  }
0x6: {  	_ = 	snop  }
0x7: {  	_ = 	snop  }
__scs_overlays_trampoline_lowered:
0x8: {  	[smem:$0x3FA4] =	sst s0  }
0x9: {  	[smem:$0x3FA5] =	sst s1  }
0xa: {  	[smem:$0x3FA6] =	sst s2  }
0xb: {  	[smem:$0x3FA7] =	sst s3  }
0xc: {  	[smem:$0x3FA8] =	sst s4  }
0xd: {  	[smem:$0x3FA9] =	sst s5  }
0xe: {  	[smem:$0x3FAA] =	sst s6  }
0xf: {  	[smem:$0x3FAB] =	sst s7  }
0x10: {  	[smem:$0x3FAC] =	sst s8  }
0x11: {  	[smem:$0x3FAD] =	sst s9;
	s0 =	simm.s32 @!p0 $0x0  }
0x12: {  	s1 =	sld [smem:$0x3F93];
	s0 =	simm.s32 @p0 $0x1  }
0x13: {  	[smem:$0x3FAE] =	sst s0;
	s0 =	simm.s32 @!p1 $0x0  }
0x14: {  	s2 =	sld [smem:$0x3F92];
	s0 =	simm.s32 @p1 $0x1  }
0x15: {  	[smem:$0x3FAF] =	sst s0;
	s0 =	simm.s32 @!p2 $0x0  }
0x16: {  	s3 =	sld [smem:$0x3FDB];
	s0 =	simm.s32 @p2 $0x1  }
0x17: {  	s4 =	simm.s32 $0x1BF5;
	[smem:$0x3FB1] =	sst s0  }
0x18: {  	s0 =	sld [smem:$0x3F94];
	_ =	swait.ge [sflag:s4], $0x0  }
0x19: {  	s7 =	sld [smem:$0x3F95]  }
0x1a: {  	s8 =	sadd.s32 $0xFFFFE003, lr  }
0x1b: {  	s9 =	sadd.s32 $0xFFFFFEF7, lr;
	s5 =	simm.s32 $0xFFFFFFFF;
	p2 =	slt.u32 s8, $0xFFFFF086  }
0x1c: {  	p1 =	slt.u32 s9, $0xF7A;
	s5 =	simm.s32 @!p2 $0x0  }
0x1d: {  	s5 =	simm.s32 @p1 $0x1;
	p0 =	seq.s32 s7, s2  }
0x1e: {  	s7 =	smul.u32 @!p0 $0xF7A, s2;
	p2 =	seq.s32 @!p0 s5, $0x0  }
0x1f: {  	s9 =	smul.u32 $0xF7A, s1;
	s8 =	simm.s32 @!p0 $0x1BF5;
	p2 =	por !p2, p0  }
0x20: {  	[sflag:s8] =	ssyncset.s32 @!p0 $0xFFFFF086;
	s6 =	sadd.s32 @!p0 s3, s7;
	s7 =	simm.s32 @!p0 $0x108  }
0x21: {  	s3 =	sadd.s32 s3, s9;
	s6 =	sadd.s32 @!p0 $0x88, s6;
	s7 =	simm.s32 @p2 $0x1082  }
0x22: {  	[simem:s7], [sflag:s8] =	dma.local @!p0 [hbm:s6], $0xF7A  }
0x23: {  	s9 =	sor.u32 $0xD0000000, s2;
	s6 =	simm.s32 $0x108;
	_ =	swait.ge @!p0 [sflag:s8], $0x0  }
0x24: {  	s3 =	sadd.s32 $0x88, s3;
	s6 =	simm.s32 @!p1 $0x1082;
	[sflag:s4] =	ssyncset.s32 $0xFFFFF086  }
0x25: {  	[simem:s6], [sflag:s4] =	dma.local [hbm:s3], $0xF7A  }
0x26: {  	[smem:$0x3F95] =	sst s1;
	(tag) =	ssettag s2;
	_ =	strace s9  }
0x27: {  	s1 =	sld [smem:$0x3FA5]  }
0x28: {  	s2 =	sld [smem:$0x3FA6]  }
0x29: {  	s4 =	sld [smem:$0x3FA8]  }
0x2a: {  	p0 =	seq.s32 s5, $0x0;
	s5 =	sld [smem:$0x3FA9]  }
0x2b: {  	s6 =	sld [smem:$0x3FAA]  }
0x2c: {  	s7 =	sld [smem:$0x3FAB]  }
0x2d: {  	s3 =	simm.s32 $0x108;
	s8 =	sld [smem:$0x3FAC]  }
0x2e: {  	s3 =	simm.s32 @!p0 $0x1082;
	s9 =	sld [smem:$0x3FAD]  }
0x2f: {  	lr =	sadd.s32 s0, s3;
	s0 =	sld [smem:$0x3FA4]  }
0x30: {  	s3 =	sld [smem:$0x3FA7]  }
0x31: {  	[smem:$0x3FB0] =	sst s10  }
0x32: {  	s10 =	sld [smem:$0x3FAE];
	_ =	sdelay $0x3  }
0x33: {  	p0 =	seq.s32 s10, $0x1;
	s10 =	sld [smem:$0x3FB0];
	_ =	sdelay $0x3  }
0x34: {  	[smem:$0x3FB0] =	sst s10  }
0x35: {  	s10 =	sld [smem:$0x3FAF];
	_ =	sdelay $0x3  }
0x36: {  	p1 =	seq.s32 s10, $0x1;
	s10 =	sld [smem:$0x3FB0];
	_ =	sdelay $0x3  }
0x37: {  	[smem:$0x3FB0] =	sst s10  }
0x38: {  	s10 =	sld [smem:$0x3FB1]  }
0x39: {  	_ = 	snop;
	(pc) =	sbr.ind lr, $3  }
0x3a: {  	_ = 	snop  }
0x3b: {  	_ = 	snop  }
0x3c: {  	p2 =	seq.s32 s10, $0x1;
	s10 =	sld [smem:$0x3FB0]  }
0x3d: {  	_ =	shalt  }
0x3e: {  	_ =	shalt  }
0x3f: {  	_ =	shalt  }
0x40: {  	_ =	shalt  }
0x41: {  	_ =	shalt  }
0x42: {  	_ =	shalt  }
0x43: {  	_ =	shalt  }
0x44: {  	_ =	shalt  }
0x45: {  	_ =	shalt  }
0x46: {  	_ =	shalt  }
0x47: {  	_ =	shalt  }
0x48: {  	_ =	shalt  }
0x49: {  	_ =	shalt  }
0x4a: {  	_ =	shalt  }
0x4b: {  	_ =	shalt  }
0x4c: {  	_ =	shalt  }
0x4d: {  	_ =	shalt  }
0x4e: {  	_ =	shalt  }
0x4f: {  	_ =	shalt  }
0x50: {  	_ =	shalt  }
0x51: {  	_ =	shalt  }
0x52: {  	_ =	shalt  }
0x53: {  	_ =	shalt  }
0x54: {  	_ =	shalt  }
0x55: {  	_ =	shalt  }
0x56: {  	_ =	shalt  }
0x57: {  	_ =	shalt  }
0x58: {  	_ =	shalt  }
0x59: {  	_ =	shalt  }
0x5a: {  	_ =	shalt  }
0x5b: {  	_ =	shalt  }
0x5c: {  	_ =	shalt  }
0x5d: {  	_ =	shalt  }
0x5e: {  	_ =	shalt  }
0x5f: {  	_ =	shalt  }
0x60: {  	_ =	shalt  }
0x61: {  	_ =	shalt  }
0x62: {  	_ =	shalt  }
0x63: {  	_ =	shalt  }
0x64: {  	_ =	shalt  }
0x65: {  	_ =	shalt  }
0x66: {  	_ =	shalt  }
0x67: {  	_ =	shalt  }
0x68: {  	_ =	shalt  }
0x69: {  	_ =	shalt  }
0x6a: {  	_ =	shalt  }
0x6b: {  	_ =	shalt  }
0x6c: {  	_ =	shalt  }
0x6d: {  	_ =	shalt  }
0x6e: {  	_ =	shalt  }
0x6f: {  	_ =	shalt  }
0x70: {  	_ =	shalt  }
0x71: {  	_ =	shalt  }
0x72: {  	_ =	shalt  }
0x73: {  	_ =	shalt  }
0x74: {  	_ =	shalt  }
0x75: {  	_ =	shalt  }
0x76: {  	_ =	shalt  }
0x77: {  	_ =	shalt  }
0x78: {  	_ =	shalt  }
0x79: {  	_ =	shalt  }
0x7a: {  	_ =	shalt  }
0x7b: {  	_ =	shalt  }
0x7c: {  	_ =	shalt  }
0x7d: {  	_ =	shalt  }
0x7e: {  	_ =	shalt  }
0x7f: {  	_ =	shalt  }
0x80: {  	_ =	shalt  }
0x81: {  	_ =	shalt  }
0x82: {  	_ =	shalt  }
0x83: {  	_ =	shalt  }
0x84: {  	_ =	shalt  }
0x85: {  	_ =	shalt  }
0x86: {  	_ =	shalt  }
0x87: {  	_ =	shalt  }
.Lfunc_end0:
.L_simem_size_0:
called_computation.3_lowered:
.L_overlay_start_0:
0x88: {  	s2 =	sld [smem:$0x3FD9]  }
0x89: {  	s3 =	sld [smem:$0x3FFE];
	_ =	sdelay $0x1  }
0x8a: {  	s1 =	srdreg.scid  }
0x8b: {  	s0 =	sand.u32 $0x1, s1  }
0x8c: {  	s14 =	sshll.u32 s0, $0xA;
	s2 =	sadd.s32 s3, s2  }
0x8d: {  	s2 =	sadd.s32 s2, s14  }
0x8e: {  	[smem:$0x3FBC] =	sst s2  }
0x8f: {  	_ = 	snop  }
0x90: {  	s2 =	sld [smem:$0x3FD0];
	_ =	sdelay $0x2  }
0x91: {  	s15 =	simm.s32 $0xA;
	s4 =	simm.s32 $0x10  }
0x92: {  	[smem:s4], [sflag:s15] =	dma.local [hbm:s2], $0x1  }
0x93: {  	_ =	swait.eq [sflag:s15], $0x1  }
0x94: {  	[sflag:s15] =	ssyncset.done $0x0  }
0x95: {  	s16 =	sld [smem:$0x15];
	[sflag:s15] =	ssyncadd.s32 $0xFFFFFFFF  }
0x96: {  	s17 =	sld [smem:$0x16];
	(tm) =	ssettm $0x1  }
0x97: {  	s18 =	sld [smem:$0x3FFB];
	_ =	sdelay $0x3  }
0x98: {  	_ =	strace s18  }
0x99: {  	s4 =	sld [smem:$0x3FFC];
	_ =	sdelay $0x3  }
0x9a: {  	_ =	strace s4  }
0x9b: {  	s4 =	sld [smem:$0x3FFD];
	_ =	sdelay $0x3  }
0x9c: {  	_ =	strace s4  }
0x9d: {  	_ =	strace $0x8FFFFFFF  }
0x9e: {  	s19 =	sld [smem:$0x3FDB];
	_ =	sdelay $0x1  }
0x9f: {  	s5 =	simm.s32 $_scs_section_size  }
0xa0: {  	s6 =	simm.s32 $_size__tile_overlayer_lowered;
	s7 =	simm.s32 $_tile_overlayer_lowered  }
0xa1: {  	s22 =	simm.s32 $0x1BFF;
	s21 =	sshll.u32 s7, $0x1;
	s4 =	sadd.s32 s5, s19  }
0xa2: {  	s8 =	simm.s32 $0x0;
	s20 =	sshll.u32 s6, $0x1;
	s6 =	sadd.s32 s21, s4  }
0xa3: {  	[timem:s8], [sflag:s22] =	dma.local [hbm:s6], s20  }
0xa4: {  	_ =	swait.ge [sflag:s22], s20  }
0xa5: {  	s5 =	ssub.s32 $0x0, s20;
	[sflag:s22] =	ssyncset.done $0x0  }
0xa6: {  	[sflag:s22] =	ssyncadd.s32 s5;
	_ =	sdelay $0x1  }
0xa7: {  	s23 =	simm.s32 $0x1B8B  }
0xa8: {  	_ =	swait.ge [sflag:s23], $0x1  }
0xa9: {  	[sflag:s23] =	ssyncset.done $0x0  }
0xaa: {  	s25 =	simm.s32 $0x1B8E;
	s24 =	sld [smem:$0x3FFE];
	[sflag:s23] =	ssyncadd.s32 $0xFFFFFFFF  }
0xab: {  	s26 =	simm.s32 $execute0_lowered;
	[smem:$0x3FD2] =	sst s25  }
0xac: {  	s6 =	sshll.u32 s26, $0x1;
	_ =	strace $0x8000004F;
	[dreg:$0x1] =	wrdreg $0xFFFFFFFF  }
0xad: {  	s28 =	simm.s32 $_size_execute0_lowered;
	s4 =	sadd.s32 s4, s6;
	[dreg:$0x0] =	wrdreg $0x0  }
0xae: {  	s6 =	sshll.u32 s28, $0x1;
	[dreg:$0x2] =	wrdreg s4  }
0xaf: {  	[dreg:$0x3] =	wrdreg s6  }
0xb0: {  	[dreg:$0x4] =	wrdreg $0xC0  }
0xb1: {  	_ =	task [dreg:s8], $0x5FFFF  }
0xb2: {  	[dreg:$0x1] =	wrdreg $0xFFFFFFFF  }
0xb3: {  	[dreg:$0x0] =	wrdreg $0x60  }
0xb4: {  	[dreg:$0x2] =	wrdreg s17  }
0xb5: {  	[dreg:$0x3] =	wrdreg s24  }
0xb6: {  	[dreg:$0x4] =	wrdreg s16  }
0xb7: {  	[dreg:$0x5] =	wrdreg $0x90000  }
0xb8: {  	[dreg:$0x6] =	wrdreg $0x9  }
0xb9: {  	_ =	task.clear_ibuf [dreg:s8], $0x7FFFF;
	_ =	strace $0x9000004F  }
0xba: {  	s29 =	simm.s32 $0x9;
	_ =	strace $0x80000051  }
0xbb: {  	_ =	swait.ge [sflag:s29], $0x1  }
0xbc: {  	[sflag:s29] =	ssyncadd.s32 $0xFFFFFFFF  }
0xbd: {  	_ =	strace $0x90000051  }
0xbe: {  	_ =	sfence  }
0xbf: {  	s30 =	sld [smem:$0x0];
	_ =	sdelay $0x2  }
0xc0: {  	s31 =	sshll.u32 s1, $0xD;
	s1 =	sshrl.u32 s1, $0x2  }
0xc1: {  	s3 =	sand.u32 $0x4000, s31;
	s1 =	sadd.s32 s1, s30  }
0xc2: {  	s0 =	sor.u32 s3, s0;
	s1 =	sshll.u32 s1, $0x11  }
0xc3: {  	s0 =	sor.u32 s1, s0  }
0xc4: {  	s0 =	sadd.s32 $0x8F2B, s0  }
0xc5: {  	[sflag:s0] =	ssyncadd.remote.s32 $0x1  }
0xc6: {  	_ =	sfence.sel $0xFFFF  }
0xc7: {  	[dreg:$0x0] =	wrdreg $0xFFFFFFFF;
	(pc) =	sbr.abs _section_cstart, $3  }
0xc8: {  	[dreg:$0x1] =	wrdreg $0xFFFFFFFF  }
0xc9: {  	_ =	task.clear_ibuf [dreg:s8], $0x2FFFF;
	_ =	strace $0x9FFFFFFF  }
0xca: {  	(tm) =	ssettm $0x7FFFFFFF  }
0xcb: {  	_ =	shalt  }
tec
execute0_lowered:
.L_overlay_start_1:
0x0: {  	(tag) =	ssettag $0x1  }
0x1: {  	s0 =	rddreg [dreg:$0x0]  }
0x2: {  	s6 =	rddreg [dreg:$0x1]  }
0x3: {  	s2 =	rddreg [dreg:$0x2]  }
0x4: {  	s1 =	srdreg.scid;
	s4 =	rddreg [dreg:$0x3]  }
0x5: {  	s5 =	simm.s32 $0x0;
	s17 =	simm.s32 $0x2800;
	s18 =	simm.s32 $0x80  }
0x6: {  	s19 =	simm.s32 $0x5000;
	s20 =	simm.s32 $0x1;
	s7 =	sand.u32 $0x1, s1  }
0x7: {  	s21 =	simm.s32 $0x0;
	s1 =	stileid.u32;
	s8 =	smul.u32 $0x140000, s7  }
0x8: {  	[smem:$0x7FF] =	sst s5;
	s3 =	sshll.u32 s7, $0x4;
	s10 =	smul.u32 $0x14000, s1  }
0x9: {  	s25 =	smul.u32 $0x50000, s1;
	s26 =	ssub.s32 $0x2, s7;
	s30 =	sshll.u32 s1, $0x6  }
0xa: {  	s9 =	sor.u32 s1, s3;
	s3 =	rddreg [dreg:$0x4];
	_ =	strace $0x80000050  }
0xb: {  	s29 =	sshrl.u32 s26, $0x1;
	s9 =	smul.u32 $0x500, s9;
	s8 =	sadd.s32 s10, s8  }
0xc: {  	s28 =	sshrl.u32 s25, $0x2;
	s31 =	ssub.s32 s26, s29;
	s8 =	sshrl.u32 s8, $0x3  }
0xd: {  	s12 =	sadd.s32 s28, s4;
	s10 =	smax.u32 s31, $0x1;
	s9 =	sadd.s32 s9, s6  }
0xe: {  	s11 =	sadd.s32 s8, s6;
	s6 =	sor.u32 $0x1C02, s30;
	s13 =	sadd.s32 $0x4000, s12  }
0xf: {  	s14 =	sadd.s32 $0x8000, s12;
	s15 =	sadd.s32 $0xC000, s12;
	s16 =	sadd.s32 $0x10000, s12  }
0x10: {  	s7 =	sadd.s32 $0xEE00, s9;
	s8 =	sadd.s32 $0x4E00, s9;
	s9 =	sadd.s32 $0x18E00, s11  }
0x11: {  	s11 =	sshrl.u32 s12, $0x3;
	s12 =	simm.s32 $0x2;
	s13 =	sshrl.u32 s13, $0x3  }
0x12: {  	s14 =	sshrl.u32 s14, $0x3;
	s15 =	sshrl.u32 s15, $0x3;
	s16 =	sshrl.u32 s16, $0x3  }
.LBB2_1:
0x13: {  	[spmem:s11], [sflag:s6] =	dma.local [hbm:s2], $0x800  }
0x14: {  	_ =	swait.ge [sflag:s12], $0x800  }
0x15: {  	[sflag:s12] =	ssyncset.done $0x0  }
0x16: {  	[sflag:s12] =	ssyncadd.s32 $0xFFFFF800  }
0x17: {  	[spmem:s13], [sflag:s6] =	dma.local [hbm:s2], $0x800  }
0x18: {  	_ =	swait.ge [sflag:s12], $0x800  }
0x19: {  	[sflag:s12] =	ssyncset.done $0x0  }
0x1a: {  	[sflag:s12] =	ssyncadd.s32 $0xFFFFF800  }
0x1b: {  	[spmem:s14], [sflag:s6] =	dma.local [hbm:s2], $0x800  }
0x1c: {  	_ =	swait.ge [sflag:s12], $0x800  }
0x1d: {  	[sflag:s12] =	ssyncset.done $0x0  }
0x1e: {  	[sflag:s12] =	ssyncadd.s32 $0xFFFFF800  }
0x1f: {  	[spmem:s15], [sflag:s6] =	dma.local [hbm:s2], $0x800  }
0x20: {  	_ =	swait.ge [sflag:s12], $0x800  }
0x21: {  	[sflag:s12] =	ssyncset.done $0x0  }
0x22: {  	[sflag:s12] =	ssyncadd.s32 $0xFFFFF800  }
0x23: {  	[spmem:s16], [sflag:s6] =	dma.local [hbm:s2], $0x800  }
0x24: {  	_ =	swait.ge [sflag:s12], $0x800  }
0x25: {  	[sflag:s12] =	ssyncset.done $0x0  }
0x26: {  	[sflag:s12] =	ssyncadd.s32 $0xFFFFF800  }
0x27: {  	[tilespmem:s5], [sflag:$0x2] =	stream.linear.gather [hbm4b:s7+s5], $0x2780, $0x38;
	[tilespmem:$0x1D000] =	vst v63  }
0x28: {  	_ =	swait.ge [sflag:s12], $0x2780  }
0x29: {  	[sflag:s12] =	ssyncset.done $0x0  }
0x2a: {  	[sflag:s12] =	ssyncadd.s32 $0xFFFFD880  }
0x2b: {  	[tilespmem:s17], [sflag:$0x2] =	stream.linear.gather [hbm4b:s8+s5], $0x2780, $0x38;
	[tilespmem:$0x1D000] =	vst v63  }
0x2c: {  	_ =	swait.ge [sflag:s12], $0x2780  }
0x2d: {  	[sflag:s12] =	ssyncset.done $0x0  }
0x2e: {  	[sflag:s12] =	ssyncadd.s32 $0xFFFFD880  }
0x2f: {  	s22 =	simm.s32 $0x0;
	[bflag:$0x0] =	sbarrier.arrive $0xFFFF  }
0x30: {  	[tilespmem:s19], [sflag:$0x1] =	stream.indirect.gather [hbm4b:s0+s18], $0x80, s22, s18, $0xb8;
	[tilespmem:$0x1D000] =	vst v63  }
0x31: {  	_ =	swait.ge [sflag:s20], $0x4000  }
0x32: {  	[sflag:s20] =	ssyncset.done $0x0  }
0x33: {  	s31 =	simm.s32 $0x2800;
	[sflag:s20] =	ssyncadd.s32 $0xFFFFC000  }
0x34: {  	[spmem:s4] =	stream.indirect.scatter.add.f32 [tilespmem:s19], [sflag:$0x2], $0x80, s31, s18, $0xb8;
	[tilespmem:$0x1D000] =	vst v63  }
0x35: {  	_ =	swait.ge [sflag:s12], $0x4000  }
0x36: {  	s23 =	simm.s32 $0x400;
	s22 =	simm.s32 $0x200;
	[sflag:s12] =	ssyncset.done $0x0  }
.LBB2_2:
0x37: {  	s24 =	sshra.s32 s22, $0x2  }
0x38: {  	[sflag:s12] =	ssyncadd.s32 $0xFFFFC000;
	s22 =	smov.u32 s23;
	s25 =	sadd.s32 $0x200, s23  }
0x39: {  	[tilespmem:s19], [sflag:$0x1] =	stream.indirect.gather [hbm4b:s0+s18], $0x80, s24, s18, $0xb8;
	[tilespmem:$0x1D000] =	vst v63  }
0x3a: {  	p0 =	sne.s32 s23, $0x9C00;
	_ =	swait.ge [sflag:s20], $0x4000  }
.Ltmp0:
0x3b: {  	[sflag:s20] =	ssyncset.done $0x0;
	(pc) =	sbr.rel @p0 .LBB2_2-.Ltmp0, $4  }
0x3c: {  	s23 =	sadd.s32 $0x2800, s24;
	[sflag:s20] =	ssyncadd.s32 $0xFFFFC000  }
0x3d: {  	[spmem:s4] =	stream.indirect.scatter.add.f32 [tilespmem:s19], [sflag:$0x2], $0x80, s23, s18, $0xb8;
	[tilespmem:$0x1D000] =	vst v63  }
0x3e: {  	_ =	swait.ge [sflag:s12], $0x4000  }
0x3f: {  	s23 =	smov.u32 s25;
	[sflag:s12] =	ssyncset.done $0x0  }
0x40: {  	s22 =	sshra.s32 s22, $0x2;
	[sflag:s12] =	ssyncadd.s32 $0xFFFFC000  }
0x41: {  	[tilespmem:s19], [sflag:$0x1] =	stream.indirect.gather [hbm4b:s0+s18], $0x80, s22, s18, $0xb8;
	[tilespmem:$0x1D000] =	vst v63  }
0x42: {  	_ =	swait.ge [sflag:s20], $0x4000  }
0x43: {  	[sflag:s20] =	ssyncset.done $0x0  }
0x44: {  	s22 =	sadd.s32 $0x2800, s22;
	[sflag:s20] =	ssyncadd.s32 $0xFFFFC000  }
0x45: {  	[spmem:s4] =	stream.indirect.scatter.add.f32 [tilespmem:s19], [sflag:$0x2], $0x80, s22, s18, $0xb8;
	[tilespmem:$0x1D000] =	vst v63  }
0x46: {  	_ =	swait.ge [sflag:s12], $0x4000  }
0x47: {  	s21 =	sadd.s32 $0x1, s21;
	[sflag:s12] =	ssyncset.done $0x0  }
0x48: {  	p0 =	sne.s32 s21, s10;
	[sflag:s12] =	ssyncadd.s32 $0xFFFFC000  }
.Ltmp1:
0x49: {  	[bflag:$0x0] =	sbarrier.arrive $0xFFFF;
	(pc) =	sbr.rel @p0 .LBB2_1-.Ltmp1, $4  }
0x4a: {  	[hbm:s9], [sflag:s6] =	dma.local [spmem:s11], $0x2800  }
0x4b: {  	_ =	swait.ge [sflag:s12], $0x2800  }
0x4c: {  	[sflag:s12] =	ssyncset.done $0x0  }
0x4d: {  	[sflag:s12] =	ssyncadd.s32 $0xFFFFD800  }
0x4e: {  	_ =	sfence.sel $0x180000  }
0x4f: {  	[bflag:$0x0] =	sbarrier.arrive $0xFFFF  }
0x50: {  	p0 =	sne.s32 s1, $0x0;
	_ =	strace $0x90000050  }
0x51: {  	s0 =	sadd.s32 @!p0 $0x100000, s3;
	[bflag:$0x2] =	sbarrier.arrive $0xFFFF  }
0x52: {  	[sflag:s0] =	ssyncadd.tile.s32 @!p0 $0x1;
	_ =	shalt  }
.Lfunc_end2:
_tile_overlayer_lowered:
.L_overlay_start_2:
0x53: {  	(tag) =	ssettag $0x2  }
0x54: {  	s0 =	rddreg [dreg:$0x0];
	s2 =	stileid.u32  }
0x55: {  	s1 =	rddreg [dreg:$0x1];
	p0 =	sne.s32 s2, $0x0  }
0x56: {  	s3 =	rddreg [dreg:$0x2];
	[bflag:$0x3] =	sbarrier.arrive $0xFFFF;
	s2 =	simm.s32 @!p0 $0x1C02  }
0x57: {  	[timem:s3], [sflag:s2] =	dma.local @!p0 [hbm:s0], s1  }
0x58: {  	s0 =	simm.s32 @!p0 $0x2  }
0x59: {  	_ =	swait.ge @!p0 [sflag:s0], s1  }
0x5a: {  	s1 =	ssub.s32 @!p0 $0x0, s1;
	[sflag:s0] =	ssyncset.done @!p0 $0x0  }
0x5b: {  	[sflag:s0] =	ssyncadd.s32 @!p0 s1  }
0x5c: {  	[bflag:$0x3] =	sbarrier.arrive $0xFFFF  }
0x5d: {  	_ =	shalt  }

// kernel: kernel.24.cloned.1.call-start
scs
__scs_entry_jumppad:
0x0: {  	(pc) =	sbr.rel $0x88, $3  }
0x1: {  	(tag) =	ssettag $0x0;
	lr =	simm.s32 $0x1  }
0x2: {  	[smem:$0x3F95] =	sst lr;
	_ =	strace $0xD0000000  }
0x3: {  	_ = 	snop  }
0x4: {  	_ = 	snop  }
0x5: {  	_ = 	snop  }
0x6: {  	_ = 	snop  }
0x7: {  	_ = 	snop  }
__scs_overlays_trampoline_lowered:
0x8: {  	[smem:$0x3FA4] =	sst s0  }
0x9: {  	[smem:$0x3FA5] =	sst s1  }
0xa: {  	[smem:$0x3FA6] =	sst s2  }
0xb: {  	[smem:$0x3FA7] =	sst s3  }
0xc: {  	[smem:$0x3FA8] =	sst s4  }
0xd: {  	[smem:$0x3FA9] =	sst s5  }
0xe: {  	[smem:$0x3FAA] =	sst s6  }
0xf: {  	[smem:$0x3FAB] =	sst s7  }
0x10: {  	[smem:$0x3FAC] =	sst s8  }
0x11: {  	[smem:$0x3FAD] =	sst s9;
	s0 =	simm.s32 @!p0 $0x0  }
0x12: {  	s1 =	sld [smem:$0x3F93];
	s0 =	simm.s32 @p0 $0x1  }
0x13: {  	[smem:$0x3FAE] =	sst s0;
	s0 =	simm.s32 @!p1 $0x0  }
0x14: {  	s2 =	sld [smem:$0x3F92];
	s0 =	simm.s32 @p1 $0x1  }
0x15: {  	[smem:$0x3FAF] =	sst s0;
	s0 =	simm.s32 @!p2 $0x0  }
0x16: {  	s3 =	sld [smem:$0x3FDB];
	s0 =	simm.s32 @p2 $0x1  }
0x17: {  	s4 =	simm.s32 $0x1BF5;
	[smem:$0x3FB1] =	sst s0  }
0x18: {  	s0 =	sld [smem:$0x3F94];
	_ =	swait.ge [sflag:s4], $0x0  }
0x19: {  	s7 =	sld [smem:$0x3F95]  }
0x1a: {  	s8 =	sadd.s32 $0xFFFFE003, lr  }
0x1b: {  	s9 =	sadd.s32 $0xFFFFFEF7, lr;
	s5 =	simm.s32 $0xFFFFFFFF;
	p2 =	slt.u32 s8, $0xFFFFF086  }
0x1c: {  	p1 =	slt.u32 s9, $0xF7A;
	s5 =	simm.s32 @!p2 $0x0  }
0x1d: {  	s5 =	simm.s32 @p1 $0x1;
	p0 =	seq.s32 s7, s2  }
0x1e: {  	s7 =	smul.u32 @!p0 $0xF7A, s2;
	p2 =	seq.s32 @!p0 s5, $0x0  }
0x1f: {  	s9 =	smul.u32 $0xF7A, s1;
	s8 =	simm.s32 @!p0 $0x1BF5;
	p2 =	por !p2, p0  }
0x20: {  	[sflag:s8] =	ssyncset.s32 @!p0 $0xFFFFF086;
	s6 =	sadd.s32 @!p0 s3, s7;
	s7 =	simm.s32 @!p0 $0x108  }
0x21: {  	s3 =	sadd.s32 s3, s9;
	s6 =	sadd.s32 @!p0 $0x88, s6;
	s7 =	simm.s32 @p2 $0x1082  }
0x22: {  	[simem:s7], [sflag:s8] =	dma.local @!p0 [hbm:s6], $0xF7A  }
0x23: {  	s9 =	sor.u32 $0xD0000000, s2;
	s6 =	simm.s32 $0x108;
	_ =	swait.ge @!p0 [sflag:s8], $0x0  }
0x24: {  	s3 =	sadd.s32 $0x88, s3;
	s6 =	simm.s32 @!p1 $0x1082;
	[sflag:s4] =	ssyncset.s32 $0xFFFFF086  }
0x25: {  	[simem:s6], [sflag:s4] =	dma.local [hbm:s3], $0xF7A  }
0x26: {  	[smem:$0x3F95] =	sst s1;
	(tag) =	ssettag s2;
	_ =	strace s9  }
0x27: {  	s1 =	sld [smem:$0x3FA5]  }
0x28: {  	s2 =	sld [smem:$0x3FA6]  }
0x29: {  	s4 =	sld [smem:$0x3FA8]  }
0x2a: {  	p0 =	seq.s32 s5, $0x0;
	s5 =	sld [smem:$0x3FA9]  }
0x2b: {  	s6 =	sld [smem:$0x3FAA]  }
0x2c: {  	s7 =	sld [smem:$0x3FAB]  }
0x2d: {  	s3 =	simm.s32 $0x108;
	s8 =	sld [smem:$0x3FAC]  }
0x2e: {  	s3 =	simm.s32 @!p0 $0x1082;
	s9 =	sld [smem:$0x3FAD]  }
0x2f: {  	lr =	sadd.s32 s0, s3;
	s0 =	sld [smem:$0x3FA4]  }
0x30: {  	s3 =	sld [smem:$0x3FA7]  }
0x31: {  	[smem:$0x3FB0] =	sst s10  }
0x32: {  	s10 =	sld [smem:$0x3FAE];
	_ =	sdelay $0x3  }
0x33: {  	p0 =	seq.s32 s10, $0x1;
	s10 =	sld [smem:$0x3FB0];
	_ =	sdelay $0x3  }
0x34: {  	[smem:$0x3FB0] =	sst s10  }
0x35: {  	s10 =	sld [smem:$0x3FAF];
	_ =	sdelay $0x3  }
0x36: {  	p1 =	seq.s32 s10, $0x1;
	s10 =	sld [smem:$0x3FB0];
	_ =	sdelay $0x3  }
0x37: {  	[smem:$0x3FB0] =	sst s10  }
0x38: {  	s10 =	sld [smem:$0x3FB1]  }
0x39: {  	_ = 	snop;
	(pc) =	sbr.ind lr, $3  }
0x3a: {  	_ = 	snop  }
0x3b: {  	_ = 	snop  }
0x3c: {  	p2 =	seq.s32 s10, $0x1;
	s10 =	sld [smem:$0x3FB0]  }
0x3d: {  	_ =	shalt  }
0x3e: {  	_ =	shalt  }
0x3f: {  	_ =	shalt  }
0x40: {  	_ =	shalt  }
0x41: {  	_ =	shalt  }
0x42: {  	_ =	shalt  }
0x43: {  	_ =	shalt  }
0x44: {  	_ =	shalt  }
0x45: {  	_ =	shalt  }
0x46: {  	_ =	shalt  }
0x47: {  	_ =	shalt  }
0x48: {  	_ =	shalt  }
0x49: {  	_ =	shalt  }
0x4a: {  	_ =	shalt  }
0x4b: {  	_ =	shalt  }
0x4c: {  	_ =	shalt  }
0x4d: {  	_ =	shalt  }
0x4e: {  	_ =	shalt  }
0x4f: {  	_ =	shalt  }
0x50: {  	_ =	shalt  }
0x51: {  	_ =	shalt  }
0x52: {  	_ =	shalt  }
0x53: {  	_ =	shalt  }
0x54: {  	_ =	shalt  }
0x55: {  	_ =	shalt  }
0x56: {  	_ =	shalt  }
0x57: {  	_ =	shalt  }
0x58: {  	_ =	shalt  }
0x59: {  	_ =	shalt  }
0x5a: {  	_ =	shalt  }
0x5b: {  	_ =	shalt  }
0x5c: {  	_ =	shalt  }
0x5d: {  	_ =	shalt  }
0x5e: {  	_ =	shalt  }
0x5f: {  	_ =	shalt  }
0x60: {  	_ =	shalt  }
0x61: {  	_ =	shalt  }
0x62: {  	_ =	shalt  }
0x63: {  	_ =	shalt  }
0x64: {  	_ =	shalt  }
0x65: {  	_ =	shalt  }
0x66: {  	_ =	shalt  }
0x67: {  	_ =	shalt  }
0x68: {  	_ =	shalt  }
0x69: {  	_ =	shalt  }
0x6a: {  	_ =	shalt  }
0x6b: {  	_ =	shalt  }
0x6c: {  	_ =	shalt  }
0x6d: {  	_ =	shalt  }
0x6e: {  	_ =	shalt  }
0x6f: {  	_ =	shalt  }
0x70: {  	_ =	shalt  }
0x71: {  	_ =	shalt  }
0x72: {  	_ =	shalt  }
0x73: {  	_ =	shalt  }
0x74: {  	_ =	shalt  }
0x75: {  	_ =	shalt  }
0x76: {  	_ =	shalt  }
0x77: {  	_ =	shalt  }
0x78: {  	_ =	shalt  }
0x79: {  	_ =	shalt  }
0x7a: {  	_ =	shalt  }
0x7b: {  	_ =	shalt  }
0x7c: {  	_ =	shalt  }
0x7d: {  	_ =	shalt  }
0x7e: {  	_ =	shalt  }
0x7f: {  	_ =	shalt  }
0x80: {  	_ =	shalt  }
0x81: {  	_ =	shalt  }
0x82: {  	_ =	shalt  }
0x83: {  	_ =	shalt  }
0x84: {  	_ =	shalt  }
0x85: {  	_ =	shalt  }
0x86: {  	_ =	shalt  }
0x87: {  	_ =	shalt  }
.Lfunc_end0:
.L_simem_size_0:
called_computation.4_lowered:
.L_overlay_start_0:
0x88: {  	s2 =	sld [smem:$0x3FD9]  }
0x89: {  	s3 =	sld [smem:$0x3FFE];
	_ =	sdelay $0x1  }
0x8a: {  	s1 =	srdreg.scid  }
0x8b: {  	s0 =	sand.u32 $0x1, s1  }
0x8c: {  	s14 =	sshll.u32 s0, $0xA;
	s2 =	sadd.s32 s3, s2  }
0x8d: {  	s2 =	sadd.s32 s2, s14  }
0x8e: {  	[smem:$0x3FBC] =	sst s2  }
0x8f: {  	_ = 	snop  }
0x90: {  	s2 =	sld [smem:$0x3FD0];
	_ =	sdelay $0x2  }
0x91: {  	s15 =	simm.s32 $0xA;
	s4 =	simm.s32 $0x10  }
0x92: {  	[smem:s4], [sflag:s15] =	dma.local [hbm:s2], $0x1  }
0x93: {  	_ =	swait.eq [sflag:s15], $0x1  }
0x94: {  	[sflag:s15] =	ssyncset.done $0x0  }
0x95: {  	s16 =	sld [smem:$0x15];
	[sflag:s15] =	ssyncadd.s32 $0xFFFFFFFF  }
0x96: {  	s17 =	sld [smem:$0x16];
	(tm) =	ssettm $0x1  }
0x97: {  	s18 =	sld [smem:$0x3FFB];
	_ =	sdelay $0x3  }
0x98: {  	_ =	strace s18  }
0x99: {  	s4 =	sld [smem:$0x3FFC];
	_ =	sdelay $0x3  }
0x9a: {  	_ =	strace s4  }
0x9b: {  	s4 =	sld [smem:$0x3FFD];
	_ =	sdelay $0x3  }
0x9c: {  	_ =	strace s4  }
0x9d: {  	_ =	strace $0x8FFFFFFF  }
0x9e: {  	s19 =	sld [smem:$0x3FDB];
	_ =	sdelay $0x1  }
0x9f: {  	s5 =	simm.s32 $_scs_section_size  }
0xa0: {  	s6 =	simm.s32 $_size__tile_overlayer_lowered;
	s7 =	simm.s32 $_tile_overlayer_lowered  }
0xa1: {  	s22 =	simm.s32 $0x1BFF;
	s21 =	sshll.u32 s7, $0x1;
	s4 =	sadd.s32 s5, s19  }
0xa2: {  	s8 =	simm.s32 $0x0;
	s20 =	sshll.u32 s6, $0x1;
	s6 =	sadd.s32 s21, s4  }
0xa3: {  	[timem:s8], [sflag:s22] =	dma.local [hbm:s6], s20  }
0xa4: {  	_ =	swait.ge [sflag:s22], s20  }
0xa5: {  	s5 =	ssub.s32 $0x0, s20;
	[sflag:s22] =	ssyncset.done $0x0  }
0xa6: {  	[sflag:s22] =	ssyncadd.s32 s5;
	_ =	sdelay $0x1  }
0xa7: {  	s23 =	simm.s32 $0x1B8B  }
0xa8: {  	_ =	swait.ge [sflag:s23], $0x1  }
0xa9: {  	[sflag:s23] =	ssyncset.done $0x0  }
0xaa: {  	s25 =	simm.s32 $0x1B8E;
	s24 =	sld [smem:$0x3FFE];
	[sflag:s23] =	ssyncadd.s32 $0xFFFFFFFF  }
0xab: {  	s26 =	simm.s32 $execute0_lowered;
	[smem:$0x3FD2] =	sst s25  }
0xac: {  	s6 =	sshll.u32 s26, $0x1;
	_ =	strace $0x80000052;
	[dreg:$0x1] =	wrdreg $0xFFFFFFFF  }
0xad: {  	s28 =	simm.s32 $_size_execute0_lowered;
	s4 =	sadd.s32 s4, s6;
	[dreg:$0x0] =	wrdreg $0x0  }
0xae: {  	s6 =	sshll.u32 s28, $0x1;
	[dreg:$0x2] =	wrdreg s4  }
0xaf: {  	[dreg:$0x3] =	wrdreg s6  }
0xb0: {  	[dreg:$0x4] =	wrdreg $0xC0  }
0xb1: {  	_ =	task [dreg:s8], $0x5FFFF  }
0xb2: {  	[dreg:$0x1] =	wrdreg $0xFFFFFFFF  }
0xb3: {  	[dreg:$0x0] =	wrdreg $0x60  }
0xb4: {  	[dreg:$0x2] =	wrdreg s17  }
0xb5: {  	[dreg:$0x3] =	wrdreg s24  }
0xb6: {  	[dreg:$0x4] =	wrdreg s16  }
0xb7: {  	[dreg:$0x5] =	wrdreg $0x90000  }
0xb8: {  	[dreg:$0x6] =	wrdreg $0x9  }
0xb9: {  	_ =	task.clear_ibuf [dreg:s8], $0x7FFFF;
	_ =	strace $0x90000052  }
0xba: {  	s29 =	simm.s32 $0x9;
	_ =	strace $0x80000054  }
0xbb: {  	_ =	swait.ge [sflag:s29], $0x1  }
0xbc: {  	[sflag:s29] =	ssyncadd.s32 $0xFFFFFFFF  }
0xbd: {  	_ =	strace $0x90000054  }
0xbe: {  	_ =	sfence  }
0xbf: {  	s30 =	sld [smem:$0x0];
	_ =	sdelay $0x2  }
0xc0: {  	s31 =	sshll.u32 s1, $0xD;
	s1 =	sshrl.u32 s1, $0x2  }
0xc1: {  	s3 =	sand.u32 $0x4000, s31;
	s1 =	sadd.s32 s1, s30  }
0xc2: {  	s0 =	sor.u32 s3, s0;
	s1 =	sshll.u32 s1, $0x11  }
0xc3: {  	s0 =	sor.u32 s1, s0  }
0xc4: {  	s0 =	sadd.s32 $0x8F2B, s0  }
0xc5: {  	[sflag:s0] =	ssyncadd.remote.s32 $0x1  }
0xc6: {  	_ =	sfence.sel $0xFFFF  }
0xc7: {  	[dreg:$0x0] =	wrdreg $0xFFFFFFFF;
	(pc) =	sbr.abs _section_cstart, $3  }
0xc8: {  	[dreg:$0x1] =	wrdreg $0xFFFFFFFF  }
0xc9: {  	_ =	task.clear_ibuf [dreg:s8], $0x2FFFF;
	_ =	strace $0x9FFFFFFF  }
0xca: {  	(tm) =	ssettm $0x7FFFFFFF  }
0xcb: {  	_ =	shalt  }
tec
execute0_lowered:
.L_overlay_start_1:
0x0: {  	(tag) =	ssettag $0x1  }
0x1: {  	s0 =	rddreg [dreg:$0x0]  }
0x2: {  	s6 =	rddreg [dreg:$0x1]  }
0x3: {  	s2 =	rddreg [dreg:$0x2]  }
0x4: {  	s1 =	srdreg.scid;
	s4 =	rddreg [dreg:$0x3]  }
0x5: {  	s5 =	simm.s32 $0x0;
	s17 =	simm.s32 $0x2800;
	s18 =	simm.s32 $0x80  }
0x6: {  	s19 =	simm.s32 $0x5000;
	s20 =	simm.s32 $0x1;
	s7 =	sand.u32 $0x1, s1  }
0x7: {  	s21 =	simm.s32 $0x0;
	s1 =	stileid.u32;
	s8 =	smul.u32 $0x140000, s7  }
0x8: {  	[smem:$0x7FF] =	sst s5;
	s3 =	sshll.u32 s7, $0x4;
	s10 =	smul.u32 $0x14000, s1  }
0x9: {  	s25 =	smul.u32 $0x50000, s1;
	s26 =	ssub.s32 $0x2, s7;
	s30 =	sshll.u32 s1, $0x6  }
0xa: {  	s9 =	sor.u32 s1, s3;
	s3 =	rddreg [dreg:$0x4];
	_ =	strace $0x80000053  }
0xb: {  	s29 =	sshrl.u32 s26, $0x1;
	s9 =	smul.u32 $0x500, s9;
	s8 =	sadd.s32 s10, s8  }
0xc: {  	s28 =	sshrl.u32 s25, $0x2;
	s31 =	ssub.s32 s26, s29;
	s8 =	sshrl.u32 s8, $0x3  }
0xd: {  	s12 =	sadd.s32 s28, s4;
	s10 =	smax.u32 s31, $0x1;
	s9 =	sadd.s32 s9, s6  }
0xe: {  	s11 =	sadd.s32 s8, s6;
	s6 =	sor.u32 $0x1C02, s30;
	s13 =	sadd.s32 $0x4000, s12  }
0xf: {  	s14 =	sadd.s32 $0x8000, s12;
	s15 =	sadd.s32 $0xC000, s12;
	s16 =	sadd.s32 $0x10000, s12  }
0x10: {  	s7 =	sadd.s32 $0xEE00, s9;
	s8 =	sadd.s32 $0x4E00, s9;
	s9 =	sadd.s32 $0x18E00, s11  }
0x11: {  	s11 =	sshrl.u32 s12, $0x3;
	s12 =	simm.s32 $0x2;
	s13 =	sshrl.u32 s13, $0x3  }
0x12: {  	s14 =	sshrl.u32 s14, $0x3;
	s15 =	sshrl.u32 s15, $0x3;
	s16 =	sshrl.u32 s16, $0x3  }
.LBB2_1:
0x13: {  	[spmem:s11], [sflag:s6] =	dma.local [hbm:s2], $0x800  }
0x14: {  	_ =	swait.ge [sflag:s12], $0x800  }
0x15: {  	[sflag:s12] =	ssyncset.done $0x0  }
0x16: {  	[sflag:s12] =	ssyncadd.s32 $0xFFFFF800  }
0x17: {  	[spmem:s13], [sflag:s6] =	dma.local [hbm:s2], $0x800  }
0x18: {  	_ =	swait.ge [sflag:s12], $0x800  }
0x19: {  	[sflag:s12] =	ssyncset.done $0x0  }
0x1a: {  	[sflag:s12] =	ssyncadd.s32 $0xFFFFF800  }
0x1b: {  	[spmem:s14], [sflag:s6] =	dma.local [hbm:s2], $0x800  }
0x1c: {  	_ =	swait.ge [sflag:s12], $0x800  }
0x1d: {  	[sflag:s12] =	ssyncset.done $0x0  }
0x1e: {  	[sflag:s12] =	ssyncadd.s32 $0xFFFFF800  }
0x1f: {  	[spmem:s15], [sflag:s6] =	dma.local [hbm:s2], $0x800  }
0x20: {  	_ =	swait.ge [sflag:s12], $0x800  }
0x21: {  	[sflag:s12] =	ssyncset.done $0x0  }
0x22: {  	[sflag:s12] =	ssyncadd.s32 $0xFFFFF800  }
0x23: {  	[spmem:s16], [sflag:s6] =	dma.local [hbm:s2], $0x800  }
0x24: {  	_ =	swait.ge [sflag:s12], $0x800  }
0x25: {  	[sflag:s12] =	ssyncset.done $0x0  }
0x26: {  	[sflag:s12] =	ssyncadd.s32 $0xFFFFF800  }
0x27: {  	[tilespmem:s5], [sflag:$0x2] =	stream.linear.gather [hbm4b:s7+s5], $0x2780, $0x38;
	[tilespmem:$0x1D000] =	vst v63  }
0x28: {  	_ =	swait.ge [sflag:s12], $0x2780  }
0x29: {  	[sflag:s12] =	ssyncset.done $0x0  }
0x2a: {  	[sflag:s12] =	ssyncadd.s32 $0xFFFFD880  }
0x2b: {  	[tilespmem:s17], [sflag:$0x2] =	stream.linear.gather [hbm4b:s8+s5], $0x2780, $0x38;
	[tilespmem:$0x1D000] =	vst v63  }
0x2c: {  	_ =	swait.ge [sflag:s12], $0x2780  }
0x2d: {  	[sflag:s12] =	ssyncset.done $0x0  }
0x2e: {  	[sflag:s12] =	ssyncadd.s32 $0xFFFFD880  }
0x2f: {  	s22 =	simm.s32 $0x0;
	[bflag:$0x0] =	sbarrier.arrive $0xFFFF  }
0x30: {  	[tilespmem:s19], [sflag:$0x1] =	stream.indirect.gather [hbm4b:s0+s18], $0x80, s22, s18, $0xb8;
	[tilespmem:$0x1D000] =	vst v63  }
0x31: {  	_ =	swait.ge [sflag:s20], $0x4000  }
0x32: {  	[sflag:s20] =	ssyncset.done $0x0  }
0x33: {  	s31 =	simm.s32 $0x2800;
	[sflag:s20] =	ssyncadd.s32 $0xFFFFC000  }
0x34: {  	[spmem:s4] =	stream.indirect.scatter.add.f32 [tilespmem:s19], [sflag:$0x2], $0x80, s31, s18, $0xb8;
	[tilespmem:$0x1D000] =	vst v63  }
0x35: {  	_ =	swait.ge [sflag:s12], $0x4000  }
0x36: {  	s23 =	simm.s32 $0x400;
	s22 =	simm.s32 $0x200;
	[sflag:s12] =	ssyncset.done $0x0  }
.LBB2_2:
0x37: {  	s24 =	sshra.s32 s22, $0x2  }
0x38: {  	[sflag:s12] =	ssyncadd.s32 $0xFFFFC000;
	s22 =	smov.u32 s23;
	s25 =	sadd.s32 $0x200, s23  }
0x39: {  	[tilespmem:s19], [sflag:$0x1] =	stream.indirect.gather [hbm4b:s0+s18], $0x80, s24, s18, $0xb8;
	[tilespmem:$0x1D000] =	vst v63  }
0x3a: {  	p0 =	sne.s32 s23, $0x9C00;
	_ =	swait.ge [sflag:s20], $0x4000  }
.Ltmp0:
0x3b: {  	[sflag:s20] =	ssyncset.done $0x0;
	(pc) =	sbr.rel @p0 .LBB2_2-.Ltmp0, $4  }
0x3c: {  	s23 =	sadd.s32 $0x2800, s24;
	[sflag:s20] =	ssyncadd.s32 $0xFFFFC000  }
0x3d: {  	[spmem:s4] =	stream.indirect.scatter.add.f32 [tilespmem:s19], [sflag:$0x2], $0x80, s23, s18, $0xb8;
	[tilespmem:$0x1D000] =	vst v63  }
0x3e: {  	_ =	swait.ge [sflag:s12], $0x4000  }
0x3f: {  	s23 =	smov.u32 s25;
	[sflag:s12] =	ssyncset.done $0x0  }
0x40: {  	s22 =	sshra.s32 s22, $0x2;
	[sflag:s12] =	ssyncadd.s32 $0xFFFFC000  }
0x41: {  	[tilespmem:s19], [sflag:$0x1] =	stream.indirect.gather [hbm4b:s0+s18], $0x80, s22, s18, $0xb8;
	[tilespmem:$0x1D000] =	vst v63  }
0x42: {  	_ =	swait.ge [sflag:s20], $0x4000  }
0x43: {  	[sflag:s20] =	ssyncset.done $0x0  }
0x44: {  	s22 =	sadd.s32 $0x2800, s22;
	[sflag:s20] =	ssyncadd.s32 $0xFFFFC000  }
0x45: {  	[spmem:s4] =	stream.indirect.scatter.add.f32 [tilespmem:s19], [sflag:$0x2], $0x80, s22, s18, $0xb8;
	[tilespmem:$0x1D000] =	vst v63  }
0x46: {  	_ =	swait.ge [sflag:s12], $0x4000  }
0x47: {  	s21 =	sadd.s32 $0x1, s21;
	[sflag:s12] =	ssyncset.done $0x0  }
0x48: {  	p0 =	sne.s32 s21, s10;
	[sflag:s12] =	ssyncadd.s32 $0xFFFFC000  }
.Ltmp1:
0x49: {  	[bflag:$0x0] =	sbarrier.arrive $0xFFFF;
	(pc) =	sbr.rel @p0 .LBB2_1-.Ltmp1, $4  }
0x4a: {  	[hbm:s9], [sflag:s6] =	dma.local [spmem:s11], $0x2800  }
0x4b: {  	_ =	swait.ge [sflag:s12], $0x2800  }
0x4c: {  	[sflag:s12] =	ssyncset.done $0x0  }
0x4d: {  	[sflag:s12] =	ssyncadd.s32 $0xFFFFD800  }
0x4e: {  	_ =	sfence.sel $0x180000  }
0x4f: {  	[bflag:$0x0] =	sbarrier.arrive $0xFFFF  }
0x50: {  	p0 =	sne.s32 s1, $0x0;
	_ =	strace $0x90000053  }
0x51: {  	s0 =	sadd.s32 @!p0 $0x100000, s3;
	[bflag:$0x2] =	sbarrier.arrive $0xFFFF  }
0x52: {  	[sflag:s0] =	ssyncadd.tile.s32 @!p0 $0x1;
	_ =	shalt  }
.Lfunc_end2:
_tile_overlayer_lowered:
.L_overlay_start_2:
0x53: {  	(tag) =	ssettag $0x2  }
0x54: {  	s0 =	rddreg [dreg:$0x0];
	s2 =	stileid.u32  }
0x55: {  	s1 =	rddreg [dreg:$0x1];
	p0 =	sne.s32 s2, $0x0  }
0x56: {  	s3 =	rddreg [dreg:$0x2];
	[bflag:$0x3] =	sbarrier.arrive $0xFFFF;
	s2 =	simm.s32 @!p0 $0x1C02  }
0x57: {  	[timem:s3], [sflag:s2] =	dma.local @!p0 [hbm:s0], s1  }
0x58: {  	s0 =	simm.s32 @!p0 $0x2  }
0x59: {  	_ =	swait.ge @!p0 [sflag:s0], s1  }
0x5a: {  	s1 =	ssub.s32 @!p0 $0x0, s1;
	[sflag:s0] =	ssyncset.done @!p0 $0x0  }
0x5b: {  	[sflag:s0] =	ssyncadd.s32 @!p0 s1  }
0x5c: {  	[bflag:$0x3] =	sbarrier.arrive $0xFFFF  }
0x5d: {  	_ =	shalt  }

</sc_bundles>
